<compile_context>
chip_gen: v7x
topology: tpu7x:2x2x1
jax: 0.10.2.dev20260603
libtpu: 0.0.44.dev20260713+nightly
codegen_flags: <defaults>
</compile_context>

<pallas_src>
import functools

import jax
import jax.numpy as jnp
from jax import lax
from jax.experimental import pallas as pl
from jax.experimental.pallas import tpu as pltpu
from jax.experimental.pallas import tpu_sc as plsc

INPUT_DIM = 768
N_EXPERTS = 8
EXPERT_DIM = 128
HID = N_EXPERTS * EXPERT_DIM
TOP_K = 2
GRID = 2
NSX = 4
NSW = 2
TILE_B = 2048 // (GRID * NSX)
W1_ROWS = HID // NSW

_SC_INFO = plsc.get_sparse_core_info()
_NC = _SC_INFO.num_cores
_NW = _NC * _SC_INFO.num_subcores
_LANES = 16
_NEG = -3.0e38



def _logits_kernel(wg_ref, x_ref, lt_ref):
    lt_ref[...] = jax.lax.dot_general(
        wg_ref[...], x_ref[...], (((1,), (1,)), ((), ())),
        preferred_element_type=jnp.float32)


def _gate_logits_t(x, Wg):
    B = x.shape[0]
    return pl.pallas_call(
        _logits_kernel,
        out_shape=jax.ShapeDtypeStruct((N_EXPERTS, B), jnp.float32),
    )(Wg, x)



def _sc_gating(lt):
    B = lt.shape[1]
    tok_per_w = B // _NW
    n_chunks = tok_per_w // _LANES
    mesh = plsc.VectorSubcoreMesh(core_axis_name="c", subcore_axis_name="s")

    @functools.partial(
        pl.kernel, mesh=mesh,
        compiler_params=pltpu.CompilerParams(needs_layout_passes=False),
        out_type=jax.ShapeDtypeStruct((B * N_EXPERTS,), jnp.float32),
        scratch_types=[
            pltpu.VMEM((N_EXPERTS * tok_per_w,), jnp.float32),
            pltpu.VMEM((tok_per_w * N_EXPERTS,), jnp.float32),
        ],
    )
    def gate_kernel(lt_hbm, gw_hbm, lt_v, gw_v):
        wid = lax.axis_index("s") * _NC + lax.axis_index("c")
        base = wid * tok_per_w
        for e in range(N_EXPERTS):
            pltpu.sync_copy(lt_hbm.at[e, pl.ds(base, tok_per_w)],
                            lt_v.at[pl.ds(e * tok_per_w, tok_per_w)])
        for j in range(n_chunks):
            ls = [lt_v[pl.ds(e * tok_per_w + j * _LANES, _LANES)]
                  for e in range(N_EXPERTS)]
            m1 = ls[0]
            i1 = jnp.zeros((_LANES,), jnp.int32)
            for e in range(1, N_EXPERTS):
                upd = ls[e] > m1
                m1 = jnp.where(upd, ls[e], m1)
                i1 = jnp.where(upd, e, i1)
            m2 = jnp.full((_LANES,), _NEG, jnp.float32)
            i2 = jnp.zeros((_LANES,), jnp.int32)
            for e in range(N_EXPERTS):
                cand = jnp.where(i1 == e, _NEG, ls[e])
                upd = cand > m2
                m2 = jnp.where(upd, cand, m2)
                i2 = jnp.where(upd, e, i2)
            e2 = jnp.exp(m2 - m1)
            denom = 1.0 + e2
            p1 = 1.0 / denom
            p2 = e2 / denom
            flat = ((j * _LANES + lax.iota(jnp.int32, _LANES))
                    * N_EXPERTS)
            for e in range(N_EXPERTS):
                gwe = jnp.where(i1 == e, p1,
                                jnp.where(i2 == e, p2, 0.0))
                plsc.store_scatter(gw_v, [flat + e], gwe)
        pltpu.sync_copy(
            gw_v,
            gw_hbm.at[pl.ds(base * N_EXPERTS, tok_per_w * N_EXPERTS)])

    return gate_kernel(lt).reshape(B, N_EXPERTS)



def _tile(xt, gw, w1s, b1, w2, b2):
    hparts = [jax.lax.dot_general(
        xt, w1, (((1,), (1,)), ((), ())),
        preferred_element_type=jnp.float32) for w1 in w1s]
    h = (hparts[0] if len(hparts) == 1
         else jnp.concatenate(hparts, axis=1)) + b1
    h = 0.5 * h * (1.0 + jax.lax.erf(h * 0.7071067811865476))

    hs = jnp.concatenate(
        [h[:, e * EXPERT_DIM:(e + 1) * EXPERT_DIM] * gw[:, e:e + 1]
         for e in range(N_EXPERTS)], axis=1)
    out = jax.lax.dot_general(
        hs, w2, (((1,), (0,)), ((), ())),
        preferred_element_type=jnp.float32)
    out = out + jax.lax.dot_general(
        gw, b2, (((1,), (0,)), ((), ())),
        preferred_element_type=jnp.float32)
    return out


def _moe_kernel(*refs):
    x_refs = refs[:NSX]
    gw_refs = refs[NSX:2 * NSX]
    w1_refs = refs[2 * NSX:2 * NSX + NSW]
    b1_ref, w2_ref, b2_ref, out_ref = refs[2 * NSX + NSW:]
    w1s = [r[...] for r in w1_refs]
    b1 = b1_ref[...]
    w2 = w2_ref[...]
    b2 = b2_ref[...]
    for t, (x_ref, gw_ref) in enumerate(zip(x_refs, gw_refs)):
        out_t = _tile(x_ref[...], gw_ref[...], w1s, b1, w2, b2)
        out_ref[t * TILE_B:(t + 1) * TILE_B, :] = out_t


def _experts(x, gw, w1f, b1f, w2f, b2):
    B = x.shape[0]
    full = lambda *shape: pl.BlockSpec(shape, lambda i: (0,) * len(shape))
    xspec = lambda t: pl.BlockSpec((TILE_B, INPUT_DIM),
                                   lambda i, t=t: (NSX * i + t, 0))
    gspec = lambda t: pl.BlockSpec((TILE_B, N_EXPERTS),
                                   lambda i, t=t: (NSX * i + t, 0))
    wspec = lambda j: pl.BlockSpec((W1_ROWS, INPUT_DIM),
                                   lambda i, j=j: (j, 0))
    return pl.pallas_call(
        _moe_kernel,
        grid=(GRID,),
        in_specs=(
            [xspec(t) for t in range(NSX)]
            + [gspec(t) for t in range(NSX)]
            + [wspec(j) for j in range(NSW)]
            + [full(1, HID), full(HID, EXPERT_DIM),
               full(N_EXPERTS, EXPERT_DIM)]
        ),
        out_specs=pl.BlockSpec((NSX * TILE_B, EXPERT_DIM),
                               lambda i: (i, 0)),
        out_shape=jax.ShapeDtypeStruct((B, EXPERT_DIM), jnp.float32),
    )(*([x] * NSX + [gw] * NSX + [w1f] * NSW + [b1f, w2f, b2]))


@functools.partial(jax.jit, static_argnames=())
def kernel(x, Wg, W1, b1, W2, b2):
    w1f = W1.reshape(HID, INPUT_DIM)
    w2f = W2.transpose(0, 2, 1).reshape(HID, EXPERT_DIM)
    b1f = b1.reshape(1, HID)
    lt = _gate_logits_t(x, Wg)
    gw = _sc_gating(lt)
    out = _experts(x, gw, w1f, b1f, w2f, b2)
    return out, gw

# --- scband reference (transcript-rebuilt; emitter-appended) ---
"""Pipeline reference for scband-mixture-of-experts-5385888989689 (READ-ONLY COPY).

The authoritative reference and input builder live on the scoring server;
editing this copy changes nothing except your own understanding.
"""

import jax, jax.numpy as jnp
import numpy as np

INPUT_DIM = 768
N_EXPERTS = 8
EXPERT_DIM = 128
TOP_K = 2
B = 2048


def setup_inputs(seed: int = 0) -> dict:
    key = jax.random.key(seed)
    ks = jax.random.split(key, 5)
    x = jax.random.normal(ks[0], (B, INPUT_DIM), dtype=jnp.float32)
    Wg = jax.random.normal(ks[1], (N_EXPERTS, INPUT_DIM), dtype=jnp.float32) * 0.02
    W1 = jax.random.normal(ks[2], (N_EXPERTS, EXPERT_DIM, INPUT_DIM), dtype=jnp.float32) * 0.02
    b1 = jnp.zeros((N_EXPERTS, EXPERT_DIM), dtype=jnp.float32)
    W2 = jax.random.normal(ks[3], (N_EXPERTS, EXPERT_DIM, EXPERT_DIM), dtype=jnp.float32) * 0.02
    b2 = jnp.zeros((N_EXPERTS, EXPERT_DIM), dtype=jnp.float32)
    return {"x": x, "Wg": Wg, "W1": W1, "b1": b1, "W2": W2, "b2": b2}


def reference(x, Wg, W1, b1, W2, b2):
    # gating: dense logits -> top-k sparse softmax (enable_gating=True)
    gate_logits = x @ Wg.T                                   # (B, E)
    top_vals, top_idx = jax.lax.top_k(gate_logits, TOP_K)    # (B, k)
    sparse_gate = jnp.full(gate_logits.shape, -jnp.inf, dtype=gate_logits.dtype)
    rows = jnp.arange(gate_logits.shape[0])[:, None]
    sparse_gate = sparse_gate.at[rows, top_idx].set(top_vals)
    gate_weights = jax.nn.softmax(sparse_gate, axis=-1)      # (B, E)
    # experts: Linear -> GELU (exact, erf-based like torch default) -> Linear, all experts evaluated densely
    h = jnp.einsum('bi,eoi->beo', x, W1) + b1[None, :, :]    # (B, E, expert_dim)
    h = jax.nn.gelu(h, approximate=False)
    expert_outs = jnp.einsum('beh,eoh->beo', h, W2) + b2[None, :, :]  # (B, E, expert_dim)
    output = jnp.sum(gate_weights[:, :, None] * expert_outs, axis=1)  # (B, expert_dim)
    return output, gate_weights

if __name__ == "__main__":
    import jax
    _d = setup_inputs()
    print(jax.jit(kernel)(*tuple(_d.values())))

</pallas_src>

<mosaic_0001>
#map = affine_map<(d0, d1) -> (0, 0)>
#map1 = affine_map<(d0, d1) -> (0)>
module attributes {stable_mosaic.version = 14 : i64} {
  func.func @gate_kernel(%arg0: i32, %arg1: i32, %arg2: memref<8x2048xf32, #tpu.memory_space<hbm>>, %arg3: memref<16384xf32, #tpu.memory_space<hbm>>, %arg4: memref<512xf32, #tpu.memory_space<vmem>>, %arg5: memref<512xf32, #tpu.memory_space<vmem>>) attributes {dimension_semantics = [#tpu.dimension_semantics<core_parallel>, #tpu.dimension_semantics<subcore_parallel>], iteration_bounds = array<i64: 2, 16>, scalar_prefetch = 0 : i64, scratch_operands = 2 : i64, tpu.core_type = #tpu.core_type<sc_vector_subcore>, window_params = [{transform_indices = #map}, {transform_indices = #map1}]} {
    %mul3A = arith.constant 2 : i32
    %mul3A_0 = arith.muli %arg1, %mul3A : i32
    %add3A = arith.addi %mul3A_0, %arg0 : i32
    %mul3A_1 = arith.constant 64 : i32
    %mul3A_2 = arith.muli %add3A, %mul3A_1 : i32
    %run_scoped3A = arith.constant 0 : i32
    "tpu.region"() ({
      %run_scoped3A_1062 = tpu.sem_alloc : memref<!tpu.dma_semaphore, #tpu.memory_space<semaphore_mem>>
      %dma_start3A = arith.constant 0 : i32
      %dma_start3A_1063 = tpu.memref_slice %arg4[%dma_start3A] : memref<512xf32, #tpu.memory_space<vmem>> -> memref<64xf32, #tpu.memory_space<vmem>>
      %dma_start3A_1064 = tpu.memref_slice %arg2[%run_scoped3A, %mul3A_2] : memref<8x2048xf32, #tpu.memory_space<hbm>> -> memref<1x64xf32, #tpu.memory_space<hbm>>
      %dma_start3A_1065 = tpu.memref_squeeze %dma_start3A_1064 : memref<1x64xf32, #tpu.memory_space<hbm>> -> memref<64xf32, #tpu.memory_space<hbm>>
      %dma_start3A_1066 = arith.constant 0 : i32
      %dma_start3A_1067 = tpu.memref_slice %arg4[%dma_start3A_1066] : memref<512xf32, #tpu.memory_space<vmem>> -> memref<64xf32, #tpu.memory_space<vmem>>
      %dma_start3A_1068 = tpu.memref_slice %arg2[%run_scoped3A, %mul3A_2] : memref<8x2048xf32, #tpu.memory_space<hbm>> -> memref<1x64xf32, #tpu.memory_space<hbm>>
      %dma_start3A_1069 = tpu.memref_squeeze %dma_start3A_1068 : memref<1x64xf32, #tpu.memory_space<hbm>> -> memref<64xf32, #tpu.memory_space<hbm>>
      tpu.enqueue_dma source(%dma_start3A_1069 : memref<64xf32, #tpu.memory_space<hbm>>) target(%dma_start3A_1067 : memref<64xf32, #tpu.memory_space<vmem>>) target_semaphore(%run_scoped3A_1062 : memref<!tpu.dma_semaphore, #tpu.memory_space<semaphore_mem>>)
      %dma_wait3A = arith.constant 0 : i32
      %dma_wait3A_1070 = tpu.memref_slice %arg4[%dma_wait3A] : memref<512xf32, #tpu.memory_space<vmem>> -> memref<64xf32, #tpu.memory_space<vmem>>
      %dma_wait3A_1071 = tpu.memref_slice %arg2[%run_scoped3A, %mul3A_2] : memref<8x2048xf32, #tpu.memory_space<hbm>> -> memref<1x64xf32, #tpu.memory_space<hbm>>
      %dma_wait3A_1072 = tpu.memref_squeeze %dma_wait3A_1071 : memref<1x64xf32, #tpu.memory_space<hbm>> -> memref<64xf32, #tpu.memory_space<hbm>>
      %dma_wait3A_1073 = arith.constant 0 : i32
      %dma_wait3A_1074 = tpu.memref_slice %arg4[%dma_wait3A_1073] : memref<512xf32, #tpu.memory_space<vmem>> -> memref<64xf32, #tpu.memory_space<vmem>>
      %dma_wait3A_1075 = tpu.memref_slice %arg2[%run_scoped3A, %mul3A_2] : memref<8x2048xf32, #tpu.memory_space<hbm>> -> memref<1x64xf32, #tpu.memory_space<hbm>>
      %dma_wait3A_1076 = tpu.memref_squeeze %dma_wait3A_1075 : memref<1x64xf32, #tpu.memory_space<hbm>> -> memref<64xf32, #tpu.memory_space<hbm>>
      tpu.wait_dma2 semaphore(%run_scoped3A_1062 : memref<!tpu.dma_semaphore, #tpu.memory_space<semaphore_mem>>) src(%dma_wait3A_1076 : memref<64xf32, #tpu.memory_space<hbm>>) dst(%dma_wait3A_1074 : memref<64xf32, #tpu.memory_space<vmem>>)
      tpu.yield
    }) : () -> ()
    %run_scoped3A_3 = arith.constant 1 : i32
    "tpu.region"() ({
      %run_scoped3A_1062 = tpu.sem_alloc : memref<!tpu.dma_semaphore, #tpu.memory_space<semaphore_mem>>
      %dma_start3A = arith.constant 64 : i32
      %dma_start3A_1063 = tpu.memref_slice %arg4[%dma_start3A] : memref<512xf32, #tpu.memory_space<vmem>> -> memref<64xf32, #tpu.memory_space<vmem>>
      %dma_start3A_1064 = tpu.memref_slice %arg2[%run_scoped3A_3, %mul3A_2] : memref<8x2048xf32, #tpu.memory_space<hbm>> -> memref<1x64xf32, #tpu.memory_space<hbm>>
      %dma_start3A_1065 = tpu.memref_squeeze %dma_start3A_1064 : memref<1x64xf32, #tpu.memory_space<hbm>> -> memref<64xf32, #tpu.memory_space<hbm>>
      %dma_start3A_1066 = arith.constant 64 : i32
      %dma_start3A_1067 = tpu.memref_slice %arg4[%dma_start3A_1066] : memref<512xf32, #tpu.memory_space<vmem>> -> memref<64xf32, #tpu.memory_space<vmem>>
      %dma_start3A_1068 = tpu.memref_slice %arg2[%run_scoped3A_3, %mul3A_2] : memref<8x2048xf32, #tpu.memory_space<hbm>> -> memref<1x64xf32, #tpu.memory_space<hbm>>
      %dma_start3A_1069 = tpu.memref_squeeze %dma_start3A_1068 : memref<1x64xf32, #tpu.memory_space<hbm>> -> memref<64xf32, #tpu.memory_space<hbm>>
      tpu.enqueue_dma source(%dma_start3A_1069 : memref<64xf32, #tpu.memory_space<hbm>>) target(%dma_start3A_1067 : memref<64xf32, #tpu.memory_space<vmem>>) target_semaphore(%run_scoped3A_1062 : memref<!tpu.dma_semaphore, #tpu.memory_space<semaphore_mem>>)
      %dma_wait3A = arith.constant 64 : i32
      %dma_wait3A_1070 = tpu.memref_slice %arg4[%dma_wait3A] : memref<512xf32, #tpu.memory_space<vmem>> -> memref<64xf32, #tpu.memory_space<vmem>>
      %dma_wait3A_1071 = tpu.memref_slice %arg2[%run_scoped3A_3, %mul3A_2] : memref<8x2048xf32, #tpu.memory_space<hbm>> -> memref<1x64xf32, #tpu.memory_space<hbm>>
      %dma_wait3A_1072 = tpu.memref_squeeze %dma_wait3A_1071 : memref<1x64xf32, #tpu.memory_space<hbm>> -> memref<64xf32, #tpu.memory_space<hbm>>
      %dma_wait3A_1073 = arith.constant 64 : i32
      %dma_wait3A_1074 = tpu.memref_slice %arg4[%dma_wait3A_1073] : memref<512xf32, #tpu.memory_space<vmem>> -> memref<64xf32, #tpu.memory_space<vmem>>
      %dma_wait3A_1075 = tpu.memref_slice %arg2[%run_scoped3A_3, %mul3A_2] : memref<8x2048xf32, #tpu.memory_space<hbm>> -> memref<1x64xf32, #tpu.memory_space<hbm>>
      %dma_wait3A_1076 = tpu.memref_squeeze %dma_wait3A_1075 : memref<1x64xf32, #tpu.memory_space<hbm>> -> memref<64xf32, #tpu.memory_space<hbm>>
      tpu.wait_dma2 semaphore(%run_scoped3A_1062 : memref<!tpu.dma_semaphore, #tpu.memory_space<semaphore_mem>>) src(%dma_wait3A_1076 : memref<64xf32, #tpu.memory_space<hbm>>) dst(%dma_wait3A_1074 : memref<64xf32, #tpu.memory_space<vmem>>)
      tpu.yield
    }) : () -> ()
    %run_scoped3A_4 = arith.constant 2 : i32
    "tpu.region"() ({
      %run_scoped3A_1062 = tpu.sem_alloc : memref<!tpu.dma_semaphore, #tpu.memory_space<semaphore_mem>>
      %dma_start3A = arith.constant 128 : i32
      %dma_start3A_1063 = tpu.memref_slice %arg4[%dma_start3A] : memref<512xf32, #tpu.memory_space<vmem>> -> memref<64xf32, #tpu.memory_space<vmem>>
      %dma_start3A_1064 = tpu.memref_slice %arg2[%run_scoped3A_4, %mul3A_2] : memref<8x2048xf32, #tpu.memory_space<hbm>> -> memref<1x64xf32, #tpu.memory_space<hbm>>
      %dma_start3A_1065 = tpu.memref_squeeze %dma_start3A_1064 : memref<1x64xf32, #tpu.memory_space<hbm>> -> memref<64xf32, #tpu.memory_space<hbm>>
      %dma_start3A_1066 = arith.constant 128 : i32
      %dma_start3A_1067 = tpu.memref_slice %arg4[%dma_start3A_1066] : memref<512xf32, #tpu.memory_space<vmem>> -> memref<64xf32, #tpu.memory_space<vmem>>
      %dma_start3A_1068 = tpu.memref_slice %arg2[%run_scoped3A_4, %mul3A_2] : memref<8x2048xf32, #tpu.memory_space<hbm>> -> memref<1x64xf32, #tpu.memory_space<hbm>>
      %dma_start3A_1069 = tpu.memref_squeeze %dma_start3A_1068 : memref<1x64xf32, #tpu.memory_space<hbm>> -> memref<64xf32, #tpu.memory_space<hbm>>
      tpu.enqueue_dma source(%dma_start3A_1069 : memref<64xf32, #tpu.memory_space<hbm>>) target(%dma_start3A_1067 : memref<64xf32, #tpu.memory_space<vmem>>) target_semaphore(%run_scoped3A_1062 : memref<!tpu.dma_semaphore, #tpu.memory_space<semaphore_mem>>)
      %dma_wait3A = arith.constant 128 : i32
      %dma_wait3A_1070 = tpu.memref_slice %arg4[%dma_wait3A] : memref<512xf32, #tpu.memory_space<vmem>> -> memref<64xf32, #tpu.memory_space<vmem>>
      %dma_wait3A_1071 = tpu.memref_slice %arg2[%run_scoped3A_4, %mul3A_2] : memref<8x2048xf32, #tpu.memory_space<hbm>> -> memref<1x64xf32, #tpu.memory_space<hbm>>
      %dma_wait3A_1072 = tpu.memref_squeeze %dma_wait3A_1071 : memref<1x64xf32, #tpu.memory_space<hbm>> -> memref<64xf32, #tpu.memory_space<hbm>>
      %dma_wait3A_1073 = arith.constant 128 : i32
      %dma_wait3A_1074 = tpu.memref_slice %arg4[%dma_wait3A_1073] : memref<512xf32, #tpu.memory_space<vmem>> -> memref<64xf32, #tpu.memory_space<vmem>>
      %dma_wait3A_1075 = tpu.memref_slice %arg2[%run_scoped3A_4, %mul3A_2] : memref<8x2048xf32, #tpu.memory_space<hbm>> -> memref<1x64xf32, #tpu.memory_space<hbm>>
      %dma_wait3A_1076 = tpu.memref_squeeze %dma_wait3A_1075 : memref<1x64xf32, #tpu.memory_space<hbm>> -> memref<64xf32, #tpu.memory_space<hbm>>
      tpu.wait_dma2 semaphore(%run_scoped3A_1062 : memref<!tpu.dma_semaphore, #tpu.memory_space<semaphore_mem>>) src(%dma_wait3A_1076 : memref<64xf32, #tpu.memory_space<hbm>>) dst(%dma_wait3A_1074 : memref<64xf32, #tpu.memory_space<vmem>>)
      tpu.yield
    }) : () -> ()
    %run_scoped3A_5 = arith.constant 3 : i32
    "tpu.region"() ({
      %run_scoped3A_1062 = tpu.sem_alloc : memref<!tpu.dma_semaphore, #tpu.memory_space<semaphore_mem>>
      %dma_start3A = arith.constant 192 : i32
      %dma_start3A_1063 = tpu.memref_slice %arg4[%dma_start3A] : memref<512xf32, #tpu.memory_space<vmem>> -> memref<64xf32, #tpu.memory_space<vmem>>
      %dma_start3A_1064 = tpu.memref_slice %arg2[%run_scoped3A_5, %mul3A_2] : memref<8x2048xf32, #tpu.memory_space<hbm>> -> memref<1x64xf32, #tpu.memory_space<hbm>>
      %dma_start3A_1065 = tpu.memref_squeeze %dma_start3A_1064 : memref<1x64xf32, #tpu.memory_space<hbm>> -> memref<64xf32, #tpu.memory_space<hbm>>
      %dma_start3A_1066 = arith.constant 192 : i32
      %dma_start3A_1067 = tpu.memref_slice %arg4[%dma_start3A_1066] : memref<512xf32, #tpu.memory_space<vmem>> -> memref<64xf32, #tpu.memory_space<vmem>>
      %dma_start3A_1068 = tpu.memref_slice %arg2[%run_scoped3A_5, %mul3A_2] : memref<8x2048xf32, #tpu.memory_space<hbm>> -> memref<1x64xf32, #tpu.memory_space<hbm>>
      %dma_start3A_1069 = tpu.memref_squeeze %dma_start3A_1068 : memref<1x64xf32, #tpu.memory_space<hbm>> -> memref<64xf32, #tpu.memory_space<hbm>>
      tpu.enqueue_dma source(%dma_start3A_1069 : memref<64xf32, #tpu.memory_space<hbm>>) target(%dma_start3A_1067 : memref<64xf32, #tpu.memory_space<vmem>>) target_semaphore(%run_scoped3A_1062 : memref<!tpu.dma_semaphore, #tpu.memory_space<semaphore_mem>>)
      %dma_wait3A = arith.constant 192 : i32
      %dma_wait3A_1070 = tpu.memref_slice %arg4[%dma_wait3A] : memref<512xf32, #tpu.memory_space<vmem>> -> memref<64xf32, #tpu.memory_space<vmem>>
      %dma_wait3A_1071 = tpu.memref_slice %arg2[%run_scoped3A_5, %mul3A_2] : memref<8x2048xf32, #tpu.memory_space<hbm>> -> memref<1x64xf32, #tpu.memory_space<hbm>>
      %dma_wait3A_1072 = tpu.memref_squeeze %dma_wait3A_1071 : memref<1x64xf32, #tpu.memory_space<hbm>> -> memref<64xf32, #tpu.memory_space<hbm>>
      %dma_wait3A_1073 = arith.constant 192 : i32
      %dma_wait3A_1074 = tpu.memref_slice %arg4[%dma_wait3A_1073] : memref<512xf32, #tpu.memory_space<vmem>> -> memref<64xf32, #tpu.memory_space<vmem>>
      %dma_wait3A_1075 = tpu.memref_slice %arg2[%run_scoped3A_5, %mul3A_2] : memref<8x2048xf32, #tpu.memory_space<hbm>> -> memref<1x64xf32, #tpu.memory_space<hbm>>
      %dma_wait3A_1076 = tpu.memref_squeeze %dma_wait3A_1075 : memref<1x64xf32, #tpu.memory_space<hbm>> -> memref<64xf32, #tpu.memory_space<hbm>>
      tpu.wait_dma2 semaphore(%run_scoped3A_1062 : memref<!tpu.dma_semaphore, #tpu.memory_space<semaphore_mem>>) src(%dma_wait3A_1076 : memref<64xf32, #tpu.memory_space<hbm>>) dst(%dma_wait3A_1074 : memref<64xf32, #tpu.memory_space<vmem>>)
      tpu.yield
    }) : () -> ()
    %run_scoped3A_6 = arith.constant 4 : i32
    "tpu.region"() ({
      %run_scoped3A_1062 = tpu.sem_alloc : memref<!tpu.dma_semaphore, #tpu.memory_space<semaphore_mem>>
      %dma_start3A = arith.constant 256 : i32
      %dma_start3A_1063 = tpu.memref_slice %arg4[%dma_start3A] : memref<512xf32, #tpu.memory_space<vmem>> -> memref<64xf32, #tpu.memory_space<vmem>>
      %dma_start3A_1064 = tpu.memref_slice %arg2[%run_scoped3A_6, %mul3A_2] : memref<8x2048xf32, #tpu.memory_space<hbm>> -> memref<1x64xf32, #tpu.memory_space<hbm>>
      %dma_start3A_1065 = tpu.memref_squeeze %dma_start3A_1064 : memref<1x64xf32, #tpu.memory_space<hbm>> -> memref<64xf32, #tpu.memory_space<hbm>>
      %dma_start3A_1066 = arith.constant 256 : i32
      %dma_start3A_1067 = tpu.memref_slice %arg4[%dma_start3A_1066] : memref<512xf32, #tpu.memory_space<vmem>> -> memref<64xf32, #tpu.memory_space<vmem>>
      %dma_start3A_1068 = tpu.memref_slice %arg2[%run_scoped3A_6, %mul3A_2] : memref<8x2048xf32, #tpu.memory_space<hbm>> -> memref<1x64xf32, #tpu.memory_space<hbm>>
      %dma_start3A_1069 = tpu.memref_squeeze %dma_start3A_1068 : memref<1x64xf32, #tpu.memory_space<hbm>> -> memref<64xf32, #tpu.memory_space<hbm>>
      tpu.enqueue_dma source(%dma_start3A_1069 : memref<64xf32, #tpu.memory_space<hbm>>) target(%dma_start3A_1067 : memref<64xf32, #tpu.memory_space<vmem>>) target_semaphore(%run_scoped3A_1062 : memref<!tpu.dma_semaphore, #tpu.memory_space<semaphore_mem>>)
      %dma_wait3A = arith.constant 256 : i32
      %dma_wait3A_1070 = tpu.memref_slice %arg4[%dma_wait3A] : memref<512xf32, #tpu.memory_space<vmem>> -> memref<64xf32, #tpu.memory_space<vmem>>
      %dma_wait3A_1071 = tpu.memref_slice %arg2[%run_scoped3A_6, %mul3A_2] : memref<8x2048xf32, #tpu.memory_space<hbm>> -> memref<1x64xf32, #tpu.memory_space<hbm>>
      %dma_wait3A_1072 = tpu.memref_squeeze %dma_wait3A_1071 : memref<1x64xf32, #tpu.memory_space<hbm>> -> memref<64xf32, #tpu.memory_space<hbm>>
      %dma_wait3A_1073 = arith.constant 256 : i32
      %dma_wait3A_1074 = tpu.memref_slice %arg4[%dma_wait3A_1073] : memref<512xf32, #tpu.memory_space<vmem>> -> memref<64xf32, #tpu.memory_space<vmem>>
      %dma_wait3A_1075 = tpu.memref_slice %arg2[%run_scoped3A_6, %mul3A_2] : memref<8x2048xf32, #tpu.memory_space<hbm>> -> memref<1x64xf32, #tpu.memory_space<hbm>>
      %dma_wait3A_1076 = tpu.memref_squeeze %dma_wait3A_1075 : memref<1x64xf32, #tpu.memory_space<hbm>> -> memref<64xf32, #tpu.memory_space<hbm>>
      tpu.wait_dma2 semaphore(%run_scoped3A_1062 : memref<!tpu.dma_semaphore, #tpu.memory_space<semaphore_mem>>) src(%dma_wait3A_1076 : memref<64xf32, #tpu.memory_space<hbm>>) dst(%dma_wait3A_1074 : memref<64xf32, #tpu.memory_space<vmem>>)
      tpu.yield
    }) : () -> ()
    %run_scoped3A_7 = arith.constant 5 : i32
    "tpu.region"() ({
      %run_scoped3A_1062 = tpu.sem_alloc : memref<!tpu.dma_semaphore, #tpu.memory_space<semaphore_mem>>
      %dma_start3A = arith.constant 320 : i32
      %dma_start3A_1063 = tpu.memref_slice %arg4[%dma_start3A] : memref<512xf32, #tpu.memory_space<vmem>> -> memref<64xf32, #tpu.memory_space<vmem>>
      %dma_start3A_1064 = tpu.memref_slice %arg2[%run_scoped3A_7, %mul3A_2] : memref<8x2048xf32, #tpu.memory_space<hbm>> -> memref<1x64xf32, #tpu.memory_space<hbm>>
      %dma_start3A_1065 = tpu.memref_squeeze %dma_start3A_1064 : memref<1x64xf32, #tpu.memory_space<hbm>> -> memref<64xf32, #tpu.memory_space<hbm>>
      %dma_start3A_1066 = arith.constant 320 : i32
      %dma_start3A_1067 = tpu.memref_slice %arg4[%dma_start3A_1066] : memref<512xf32, #tpu.memory_space<vmem>> -> memref<64xf32, #tpu.memory_space<vmem>>
      %dma_start3A_1068 = tpu.memref_slice %arg2[%run_scoped3A_7, %mul3A_2] : memref<8x2048xf32, #tpu.memory_space<hbm>> -> memref<1x64xf32, #tpu.memory_space<hbm>>
      %dma_start3A_1069 = tpu.memref_squeeze %dma_start3A_1068 : memref<1x64xf32, #tpu.memory_space<hbm>> -> memref<64xf32, #tpu.memory_space<hbm>>
      tpu.enqueue_dma source(%dma_start3A_1069 : memref<64xf32, #tpu.memory_space<hbm>>) target(%dma_start3A_1067 : memref<64xf32, #tpu.memory_space<vmem>>) target_semaphore(%run_scoped3A_1062 : memref<!tpu.dma_semaphore, #tpu.memory_space<semaphore_mem>>)
      %dma_wait3A = arith.constant 320 : i32
      %dma_wait3A_1070 = tpu.memref_slice %arg4[%dma_wait3A] : memref<512xf32, #tpu.memory_space<vmem>> -> memref<64xf32, #tpu.memory_space<vmem>>
      %dma_wait3A_1071 = tpu.memref_slice %arg2[%run_scoped3A_7, %mul3A_2] : memref<8x2048xf32, #tpu.memory_space<hbm>> -> memref<1x64xf32, #tpu.memory_space<hbm>>
      %dma_wait3A_1072 = tpu.memref_squeeze %dma_wait3A_1071 : memref<1x64xf32, #tpu.memory_space<hbm>> -> memref<64xf32, #tpu.memory_space<hbm>>
      %dma_wait3A_1073 = arith.constant 320 : i32
      %dma_wait3A_1074 = tpu.memref_slice %arg4[%dma_wait3A_1073] : memref<512xf32, #tpu.memory_space<vmem>> -> memref<64xf32, #tpu.memory_space<vmem>>
      %dma_wait3A_1075 = tpu.memref_slice %arg2[%run_scoped3A_7, %mul3A_2] : memref<8x2048xf32, #tpu.memory_space<hbm>> -> memref<1x64xf32, #tpu.memory_space<hbm>>
      %dma_wait3A_1076 = tpu.memref_squeeze %dma_wait3A_1075 : memref<1x64xf32, #tpu.memory_space<hbm>> -> memref<64xf32, #tpu.memory_space<hbm>>
      tpu.wait_dma2 semaphore(%run_scoped3A_1062 : memref<!tpu.dma_semaphore, #tpu.memory_space<semaphore_mem>>) src(%dma_wait3A_1076 : memref<64xf32, #tpu.memory_space<hbm>>) dst(%dma_wait3A_1074 : memref<64xf32, #tpu.memory_space<vmem>>)
      tpu.yield
    }) : () -> ()
    %run_scoped3A_8 = arith.constant 6 : i32
    "tpu.region"() ({
      %run_scoped3A_1062 = tpu.sem_alloc : memref<!tpu.dma_semaphore, #tpu.memory_space<semaphore_mem>>
      %dma_start3A = arith.constant 384 : i32
      %dma_start3A_1063 = tpu.memref_slice %arg4[%dma_start3A] : memref<512xf32, #tpu.memory_space<vmem>> -> memref<64xf32, #tpu.memory_space<vmem>>
      %dma_start3A_1064 = tpu.memref_slice %arg2[%run_scoped3A_8, %mul3A_2] : memref<8x2048xf32, #tpu.memory_space<hbm>> -> memref<1x64xf32, #tpu.memory_space<hbm>>
      %dma_start3A_1065 = tpu.memref_squeeze %dma_start3A_1064 : memref<1x64xf32, #tpu.memory_space<hbm>> -> memref<64xf32, #tpu.memory_space<hbm>>
      %dma_start3A_1066 = arith.constant 384 : i32
      %dma_start3A_1067 = tpu.memref_slice %arg4[%dma_start3A_1066] : memref<512xf32, #tpu.memory_space<vmem>> -> memref<64xf32, #tpu.memory_space<vmem>>
      %dma_start3A_1068 = tpu.memref_slice %arg2[%run_scoped3A_8, %mul3A_2] : memref<8x2048xf32, #tpu.memory_space<hbm>> -> memref<1x64xf32, #tpu.memory_space<hbm>>
      %dma_start3A_1069 = tpu.memref_squeeze %dma_start3A_1068 : memref<1x64xf32, #tpu.memory_space<hbm>> -> memref<64xf32, #tpu.memory_space<hbm>>
      tpu.enqueue_dma source(%dma_start3A_1069 : memref<64xf32, #tpu.memory_space<hbm>>) target(%dma_start3A_1067 : memref<64xf32, #tpu.memory_space<vmem>>) target_semaphore(%run_scoped3A_1062 : memref<!tpu.dma_semaphore, #tpu.memory_space<semaphore_mem>>)
      %dma_wait3A = arith.constant 384 : i32
      %dma_wait3A_1070 = tpu.memref_slice %arg4[%dma_wait3A] : memref<512xf32, #tpu.memory_space<vmem>> -> memref<64xf32, #tpu.memory_space<vmem>>
      %dma_wait3A_1071 = tpu.memref_slice %arg2[%run_scoped3A_8, %mul3A_2] : memref<8x2048xf32, #tpu.memory_space<hbm>> -> memref<1x64xf32, #tpu.memory_space<hbm>>
      %dma_wait3A_1072 = tpu.memref_squeeze %dma_wait3A_1071 : memref<1x64xf32, #tpu.memory_space<hbm>> -> memref<64xf32, #tpu.memory_space<hbm>>
      %dma_wait3A_1073 = arith.constant 384 : i32
      %dma_wait3A_1074 = tpu.memref_slice %arg4[%dma_wait3A_1073] : memref<512xf32, #tpu.memory_space<vmem>> -> memref<64xf32, #tpu.memory_space<vmem>>
      %dma_wait3A_1075 = tpu.memref_slice %arg2[%run_scoped3A_8, %mul3A_2] : memref<8x2048xf32, #tpu.memory_space<hbm>> -> memref<1x64xf32, #tpu.memory_space<hbm>>
      %dma_wait3A_1076 = tpu.memref_squeeze %dma_wait3A_1075 : memref<1x64xf32, #tpu.memory_space<hbm>> -> memref<64xf32, #tpu.memory_space<hbm>>
      tpu.wait_dma2 semaphore(%run_scoped3A_1062 : memref<!tpu.dma_semaphore, #tpu.memory_space<semaphore_mem>>) src(%dma_wait3A_1076 : memref<64xf32, #tpu.memory_space<hbm>>) dst(%dma_wait3A_1074 : memref<64xf32, #tpu.memory_space<vmem>>)
      tpu.yield
    }) : () -> ()
    %run_scoped3A_9 = arith.constant 7 : i32
    "tpu.region"() ({
      %run_scoped3A_1062 = tpu.sem_alloc : memref<!tpu.dma_semaphore, #tpu.memory_space<semaphore_mem>>
      %dma_start3A = arith.constant 448 : i32
      %dma_start3A_1063 = tpu.memref_slice %arg4[%dma_start3A] : memref<512xf32, #tpu.memory_space<vmem>> -> memref<64xf32, #tpu.memory_space<vmem>>
      %dma_start3A_1064 = tpu.memref_slice %arg2[%run_scoped3A_9, %mul3A_2] : memref<8x2048xf32, #tpu.memory_space<hbm>> -> memref<1x64xf32, #tpu.memory_space<hbm>>
      %dma_start3A_1065 = tpu.memref_squeeze %dma_start3A_1064 : memref<1x64xf32, #tpu.memory_space<hbm>> -> memref<64xf32, #tpu.memory_space<hbm>>
      %dma_start3A_1066 = arith.constant 448 : i32
      %dma_start3A_1067 = tpu.memref_slice %arg4[%dma_start3A_1066] : memref<512xf32, #tpu.memory_space<vmem>> -> memref<64xf32, #tpu.memory_space<vmem>>
      %dma_start3A_1068 = tpu.memref_slice %arg2[%run_scoped3A_9, %mul3A_2] : memref<8x2048xf32, #tpu.memory_space<hbm>> -> memref<1x64xf32, #tpu.memory_space<hbm>>
      %dma_start3A_1069 = tpu.memref_squeeze %dma_start3A_1068 : memref<1x64xf32, #tpu.memory_space<hbm>> -> memref<64xf32, #tpu.memory_space<hbm>>
      tpu.enqueue_dma source(%dma_start3A_1069 : memref<64xf32, #tpu.memory_space<hbm>>) target(%dma_start3A_1067 : memref<64xf32, #tpu.memory_space<vmem>>) target_semaphore(%run_scoped3A_1062 : memref<!tpu.dma_semaphore, #tpu.memory_space<semaphore_mem>>)
      %dma_wait3A = arith.constant 448 : i32
      %dma_wait3A_1070 = tpu.memref_slice %arg4[%dma_wait3A] : memref<512xf32, #tpu.memory_space<vmem>> -> memref<64xf32, #tpu.memory_space<vmem>>
      %dma_wait3A_1071 = tpu.memref_slice %arg2[%run_scoped3A_9, %mul3A_2] : memref<8x2048xf32, #tpu.memory_space<hbm>> -> memref<1x64xf32, #tpu.memory_space<hbm>>
      %dma_wait3A_1072 = tpu.memref_squeeze %dma_wait3A_1071 : memref<1x64xf32, #tpu.memory_space<hbm>> -> memref<64xf32, #tpu.memory_space<hbm>>
      %dma_wait3A_1073 = arith.constant 448 : i32
      %dma_wait3A_1074 = tpu.memref_slice %arg4[%dma_wait3A_1073] : memref<512xf32, #tpu.memory_space<vmem>> -> memref<64xf32, #tpu.memory_space<vmem>>
      %dma_wait3A_1075 = tpu.memref_slice %arg2[%run_scoped3A_9, %mul3A_2] : memref<8x2048xf32, #tpu.memory_space<hbm>> -> memref<1x64xf32, #tpu.memory_space<hbm>>
      %dma_wait3A_1076 = tpu.memref_squeeze %dma_wait3A_1075 : memref<1x64xf32, #tpu.memory_space<hbm>> -> memref<64xf32, #tpu.memory_space<hbm>>
      tpu.wait_dma2 semaphore(%run_scoped3A_1062 : memref<!tpu.dma_semaphore, #tpu.memory_space<semaphore_mem>>) src(%dma_wait3A_1076 : memref<64xf32, #tpu.memory_space<hbm>>) dst(%dma_wait3A_1074 : memref<64xf32, #tpu.memory_space<vmem>>)
      tpu.yield
    }) : () -> ()
    %get3A = arith.constant 0 : index
    %get3A_10 = tpu.vector_load %arg4[%get3A] {strides = array<i32>} : memref<512xf32, #tpu.memory_space<vmem>>, vector<16xf32>,
    %get3A_11 = arith.constant 64 : index
    %get3A_12 = tpu.vector_load %arg4[%get3A_11] {strides = array<i32>} : memref<512xf32, #tpu.memory_space<vmem>>, vector<16xf32>,
    %get3A_13 = arith.constant 128 : index
    %get3A_14 = tpu.vector_load %arg4[%get3A_13] {strides = array<i32>} : memref<512xf32, #tpu.memory_space<vmem>>, vector<16xf32>,
    %get3A_15 = arith.constant 192 : index
    %get3A_16 = tpu.vector_load %arg4[%get3A_15] {strides = array<i32>} : memref<512xf32, #tpu.memory_space<vmem>>, vector<16xf32>,
    %get3A_17 = arith.constant 256 : index
    %get3A_18 = tpu.vector_load %arg4[%get3A_17] {strides = array<i32>} : memref<512xf32, #tpu.memory_space<vmem>>, vector<16xf32>,
    %get3A_19 = arith.constant 320 : index
    %get3A_20 = tpu.vector_load %arg4[%get3A_19] {strides = array<i32>} : memref<512xf32, #tpu.memory_space<vmem>>, vector<16xf32>,
    %get3A_21 = arith.constant 384 : index
    %get3A_22 = tpu.vector_load %arg4[%get3A_21] {strides = array<i32>} : memref<512xf32, #tpu.memory_space<vmem>>, vector<16xf32>,
    %get3A_23 = arith.constant 448 : index
    %get3A_24 = tpu.vector_load %arg4[%get3A_23] {strides = array<i32>} : memref<512xf32, #tpu.memory_space<vmem>>, vector<16xf32>,
    %broadcast_in_dim3A = arith.constant 0 : i32
    %broadcast_in_dim3A_25 = vector.broadcast %broadcast_in_dim3A : i32 to vector<16xi32>
    %gt3A = arith.cmpf ogt, %get3A_12, %get3A_10 : vector<16xf32>
    %select_n3A = arith.select %gt3A, %get3A_12, %get3A_10 : vector<16xi1>, vector<16xf32>
    %jit3A = arith.constant 1 : i32
    %broadcast_in_dim3A_26 = vector.broadcast %jit3A : i32 to vector<16xi32>
    %select_n3A_27 = arith.select %gt3A, %broadcast_in_dim3A_26, %broadcast_in_dim3A_25 : vector<16xi1>, vector<16xi32>
    %gt3A_28 = arith.cmpf ogt, %get3A_14, %select_n3A : vector<16xf32>
    %select_n3A_29 = arith.select %gt3A_28, %get3A_14, %select_n3A : vector<16xi1>, vector<16xf32>
    %jit3A_30 = arith.constant 2 : i32
    %broadcast_in_dim3A_31 = vector.broadcast %jit3A_30 : i32 to vector<16xi32>
    %select_n3A_32 = arith.select %gt3A_28, %broadcast_in_dim3A_31, %select_n3A_27 : vector<16xi1>, vector<16xi32>
    %gt3A_33 = arith.cmpf ogt, %get3A_16, %select_n3A_29 : vector<16xf32>
    %select_n3A_34 = arith.select %gt3A_33, %get3A_16, %select_n3A_29 : vector<16xi1>, vector<16xf32>
    %jit3A_35 = arith.constant 3 : i32
    %broadcast_in_dim3A_36 = vector.broadcast %jit3A_35 : i32 to vector<16xi32>
    %select_n3A_37 = arith.select %gt3A_33, %broadcast_in_dim3A_36, %select_n3A_32 : vector<16xi1>, vector<16xi32>
    %gt3A_38 = arith.cmpf ogt, %get3A_18, %select_n3A_34 : vector<16xf32>
    %select_n3A_39 = arith.select %gt3A_38, %get3A_18, %select_n3A_34 : vector<16xi1>, vector<16xf32>
    %jit3A_40 = arith.constant 4 : i32
    %broadcast_in_dim3A_41 = vector.broadcast %jit3A_40 : i32 to vector<16xi32>
    %select_n3A_42 = arith.select %gt3A_38, %broadcast_in_dim3A_41, %select_n3A_37 : vector<16xi1>, vector<16xi32>
    %gt3A_43 = arith.cmpf ogt, %get3A_20, %select_n3A_39 : vector<16xf32>
    %select_n3A_44 = arith.select %gt3A_43, %get3A_20, %select_n3A_39 : vector<16xi1>, vector<16xf32>
    %jit3A_45 = arith.constant 5 : i32
    %broadcast_in_dim3A_46 = vector.broadcast %jit3A_45 : i32 to vector<16xi32>
    %select_n3A_47 = arith.select %gt3A_43, %broadcast_in_dim3A_46, %select_n3A_42 : vector<16xi1>, vector<16xi32>
    %gt3A_48 = arith.cmpf ogt, %get3A_22, %select_n3A_44 : vector<16xf32>
    %select_n3A_49 = arith.select %gt3A_48, %get3A_22, %select_n3A_44 : vector<16xi1>, vector<16xf32>
    %jit3A_50 = arith.constant 6 : i32
    %broadcast_in_dim3A_51 = vector.broadcast %jit3A_50 : i32 to vector<16xi32>
    %select_n3A_52 = arith.select %gt3A_48, %broadcast_in_dim3A_51, %select_n3A_47 : vector<16xi1>, vector<16xi32>
    %gt3A_53 = arith.cmpf ogt, %get3A_24, %select_n3A_49 : vector<16xf32>
    %select_n3A_54 = arith.select %gt3A_53, %get3A_24, %select_n3A_49 : vector<16xi1>, vector<16xf32>
    %jit3A_55 = arith.constant 7 : i32
    %broadcast_in_dim3A_56 = vector.broadcast %jit3A_55 : i32 to vector<16xi32>
    %select_n3A_57 = arith.select %gt3A_53, %broadcast_in_dim3A_56, %select_n3A_52 : vector<16xi1>, vector<16xi32>
    %broadcast_in_dim3A_58 = arith.constant -3.000000e+38 : f32
    %broadcast_in_dim3A_59 = vector.broadcast %broadcast_in_dim3A_58 : f32 to vector<16xf32>
    %broadcast_in_dim3A_60 = arith.constant 0 : i32
    %broadcast_in_dim3A_61 = vector.broadcast %broadcast_in_dim3A_60 : i32 to vector<16xi32>
    %eq3A = arith.constant 0 : i32
    %eq3A_62 = vector.broadcast %eq3A : i32 to vector<16xi32>
    %eq3A_63 = arith.cmpi eq, %select_n3A_57, %eq3A_62 : vector<16xi32>
    %jit3A_64 = arith.constant -3.000000e+38 : f32
    %broadcast_in_dim3A_65 = vector.broadcast %jit3A_64 : f32 to vector<16xf32>
    %select_n3A_66 = arith.select %eq3A_63, %broadcast_in_dim3A_65, %get3A_10 : vector<16xi1>, vector<16xf32>
    %gt3A_67 = arith.cmpf ogt, %select_n3A_66, %broadcast_in_dim3A_59 : vector<16xf32>
    %select_n3A_68 = arith.select %gt3A_67, %select_n3A_66, %broadcast_in_dim3A_59 : vector<16xi1>, vector<16xf32>
    %jit3A_69 = arith.constant 0 : i32
    %broadcast_in_dim3A_70 = vector.broadcast %jit3A_69 : i32 to vector<16xi32>
    %select_n3A_71 = arith.select %gt3A_67, %broadcast_in_dim3A_70, %broadcast_in_dim3A_61 : vector<16xi1>, vector<16xi32>
    %eq3A_72 = arith.constant 1 : i32
    %eq3A_73 = vector.broadcast %eq3A_72 : i32 to vector<16xi32>
    %eq3A_74 = arith.cmpi eq, %select_n3A_57, %eq3A_73 : vector<16xi32>
    %jit3A_75 = arith.constant -3.000000e+38 : f32
    %broadcast_in_dim3A_76 = vector.broadcast %jit3A_75 : f32 to vector<16xf32>
    %select_n3A_77 = arith.select %eq3A_74, %broadcast_in_dim3A_76, %get3A_12 : vector<16xi1>, vector<16xf32>
    %gt3A_78 = arith.cmpf ogt, %select_n3A_77, %select_n3A_68 : vector<16xf32>
    %select_n3A_79 = arith.select %gt3A_78, %select_n3A_77, %select_n3A_68 : vector<16xi1>, vector<16xf32>
    %jit3A_80 = arith.constant 1 : i32
    %broadcast_in_dim3A_81 = vector.broadcast %jit3A_80 : i32 to vector<16xi32>
    %select_n3A_82 = arith.select %gt3A_78, %broadcast_in_dim3A_81, %select_n3A_71 : vector<16xi1>, vector<16xi32>
    %eq3A_83 = arith.constant 2 : i32
    %eq3A_84 = vector.broadcast %eq3A_83 : i32 to vector<16xi32>
    %eq3A_85 = arith.cmpi eq, %select_n3A_57, %eq3A_84 : vector<16xi32>
    %jit3A_86 = arith.constant -3.000000e+38 : f32
    %broadcast_in_dim3A_87 = vector.broadcast %jit3A_86 : f32 to vector<16xf32>
    %select_n3A_88 = arith.select %eq3A_85, %broadcast_in_dim3A_87, %get3A_14 : vector<16xi1>, vector<16xf32>
    %gt3A_89 = arith.cmpf ogt, %select_n3A_88, %select_n3A_79 : vector<16xf32>
    %select_n3A_90 = arith.select %gt3A_89, %select_n3A_88, %select_n3A_79 : vector<16xi1>, vector<16xf32>
    %jit3A_91 = arith.constant 2 : i32
    %broadcast_in_dim3A_92 = vector.broadcast %jit3A_91 : i32 to vector<16xi32>
    %select_n3A_93 = arith.select %gt3A_89, %broadcast_in_dim3A_92, %select_n3A_82 : vector<16xi1>, vector<16xi32>
    %eq3A_94 = arith.constant 3 : i32
    %eq3A_95 = vector.broadcast %eq3A_94 : i32 to vector<16xi32>
    %eq3A_96 = arith.cmpi eq, %select_n3A_57, %eq3A_95 : vector<16xi32>
    %jit3A_97 = arith.constant -3.000000e+38 : f32
    %broadcast_in_dim3A_98 = vector.broadcast %jit3A_97 : f32 to vector<16xf32>
    %select_n3A_99 = arith.select %eq3A_96, %broadcast_in_dim3A_98, %get3A_16 : vector<16xi1>, vector<16xf32>
    %gt3A_100 = arith.cmpf ogt, %select_n3A_99, %select_n3A_90 : vector<16xf32>
    %select_n3A_101 = arith.select %gt3A_100, %select_n3A_99, %select_n3A_90 : vector<16xi1>, vector<16xf32>
    %jit3A_102 = arith.constant 3 : i32
    %broadcast_in_dim3A_103 = vector.broadcast %jit3A_102 : i32 to vector<16xi32>
    %select_n3A_104 = arith.select %gt3A_100, %broadcast_in_dim3A_103, %select_n3A_93 : vector<16xi1>, vector<16xi32>
    %eq3A_105 = arith.constant 4 : i32
    %eq3A_106 = vector.broadcast %eq3A_105 : i32 to vector<16xi32>
    %eq3A_107 = arith.cmpi eq, %select_n3A_57, %eq3A_106 : vector<16xi32>
    %jit3A_108 = arith.constant -3.000000e+38 : f32
    %broadcast_in_dim3A_109 = vector.broadcast %jit3A_108 : f32 to vector<16xf32>
    %select_n3A_110 = arith.select %eq3A_107, %broadcast_in_dim3A_109, %get3A_18 : vector<16xi1>, vector<16xf32>
    %gt3A_111 = arith.cmpf ogt, %select_n3A_110, %select_n3A_101 : vector<16xf32>
    %select_n3A_112 = arith.select %gt3A_111, %select_n3A_110, %select_n3A_101 : vector<16xi1>, vector<16xf32>
    %jit3A_113 = arith.constant 4 : i32
    %broadcast_in_dim3A_114 = vector.broadcast %jit3A_113 : i32 to vector<16xi32>
    %select_n3A_115 = arith.select %gt3A_111, %broadcast_in_dim3A_114, %select_n3A_104 : vector<16xi1>, vector<16xi32>
    %eq3A_116 = arith.constant 5 : i32
    %eq3A_117 = vector.broadcast %eq3A_116 : i32 to vector<16xi32>
    %eq3A_118 = arith.cmpi eq, %select_n3A_57, %eq3A_117 : vector<16xi32>
    %jit3A_119 = arith.constant -3.000000e+38 : f32
    %broadcast_in_dim3A_120 = vector.broadcast %jit3A_119 : f32 to vector<16xf32>
    %select_n3A_121 = arith.select %eq3A_118, %broadcast_in_dim3A_120, %get3A_20 : vector<16xi1>, vector<16xf32>
    %gt3A_122 = arith.cmpf ogt, %select_n3A_121, %select_n3A_112 : vector<16xf32>
    %select_n3A_123 = arith.select %gt3A_122, %select_n3A_121, %select_n3A_112 : vector<16xi1>, vector<16xf32>
    %jit3A_124 = arith.constant 5 : i32
    %broadcast_in_dim3A_125 = vector.broadcast %jit3A_124 : i32 to vector<16xi32>
    %select_n3A_126 = arith.select %gt3A_122, %broadcast_in_dim3A_125, %select_n3A_115 : vector<16xi1>, vector<16xi32>
    %eq3A_127 = arith.constant 6 : i32
    %eq3A_128 = vector.broadcast %eq3A_127 : i32 to vector<16xi32>
    %eq3A_129 = arith.cmpi eq, %select_n3A_57, %eq3A_128 : vector<16xi32>
    %jit3A_130 = arith.constant -3.000000e+38 : f32
    %broadcast_in_dim3A_131 = vector.broadcast %jit3A_130 : f32 to vector<16xf32>
    %select_n3A_132 = arith.select %eq3A_129, %broadcast_in_dim3A_131, %get3A_22 : vector<16xi1>, vector<16xf32>
    %gt3A_133 = arith.cmpf ogt, %select_n3A_132, %select_n3A_123 : vector<16xf32>
    %select_n3A_134 = arith.select %gt3A_133, %select_n3A_132, %select_n3A_123 : vector<16xi1>, vector<16xf32>
    %jit3A_135 = arith.constant 6 : i32
    %broadcast_in_dim3A_136 = vector.broadcast %jit3A_135 : i32 to vector<16xi32>
    %select_n3A_137 = arith.select %gt3A_133, %broadcast_in_dim3A_136, %select_n3A_126 : vector<16xi1>, vector<16xi32>
    %eq3A_138 = arith.constant 7 : i32
    %eq3A_139 = vector.broadcast %eq3A_138 : i32 to vector<16xi32>
    %eq3A_140 = arith.cmpi eq, %select_n3A_57, %eq3A_139 : vector<16xi32>
    %jit3A_141 = arith.constant -3.000000e+38 : f32
    %broadcast_in_dim3A_142 = vector.broadcast %jit3A_141 : f32 to vector<16xf32>
    %select_n3A_143 = arith.select %eq3A_140, %broadcast_in_dim3A_142, %get3A_24 : vector<16xi1>, vector<16xf32>
    %gt3A_144 = arith.cmpf ogt, %select_n3A_143, %select_n3A_134 : vector<16xf32>
    %select_n3A_145 = arith.select %gt3A_144, %select_n3A_143, %select_n3A_134 : vector<16xi1>, vector<16xf32>
    %jit3A_146 = arith.constant 7 : i32
    %broadcast_in_dim3A_147 = vector.broadcast %jit3A_146 : i32 to vector<16xi32>
    %select_n3A_148 = arith.select %gt3A_144, %broadcast_in_dim3A_147, %select_n3A_137 : vector<16xi1>, vector<16xi32>
    %sub3A = arith.subf %select_n3A_145, %select_n3A_54 : vector<16xf32>
    %exp3A = math.exp %sub3A : vector<16xf32>
    %add3A_149 = arith.constant 1.000000e+00 : f32
    %add3A_150 = vector.broadcast %add3A_149 : f32 to vector<16xf32>
    %add3A_151 = arith.addf %add3A_150, %exp3A : vector<16xf32>
    %div3A = arith.constant 1.000000e+00 : f32
    %div3A_152 = vector.broadcast %div3A : f32 to vector<16xf32>
    %div3A_153 = arith.divf %div3A_152, %add3A_151 : vector<16xf32>
    %div3A_154 = arith.divf %exp3A, %add3A_151 : vector<16xf32>
    %iota3A = tpu.iota {dimensions = array<i32: 0>} : vector<16xi32>
    %add3A_155 = arith.constant 0 : i32
    %add3A_156 = vector.broadcast %add3A_155 : i32 to vector<16xi32>
    %add3A_157 = arith.addi %add3A_156, %iota3A : vector<16xi32>
    %mul3A_158 = arith.constant 8 : i32
    %mul3A_159 = vector.broadcast %mul3A_158 : i32 to vector<16xi32>
    %mul3A_160 = arith.muli %add3A_157, %mul3A_159 : vector<16xi32>
    %eq3A_161 = arith.constant 0 : i32
    %eq3A_162 = vector.broadcast %eq3A_161 : i32 to vector<16xi32>
    %eq3A_163 = arith.cmpi eq, %select_n3A_57, %eq3A_162 : vector<16xi32>
    %eq3A_164 = arith.constant 0 : i32
    %eq3A_165 = vector.broadcast %eq3A_164 : i32 to vector<16xi32>
    %eq3A_166 = arith.cmpi eq, %select_n3A_148, %eq3A_165 : vector<16xi32>
    %jit3A_167 = arith.constant 0.000000e+00 : f32
    %broadcast_in_dim3A_168 = vector.broadcast %jit3A_167 : f32 to vector<16xf32>
    %select_n3A_169 = arith.select %eq3A_166, %div3A_154, %broadcast_in_dim3A_168 : vector<16xi1>, vector<16xf32>
    %select_n3A_170 = arith.select %eq3A_163, %div3A_153, %select_n3A_169 : vector<16xi1>, vector<16xf32>
    %add3A_171 = arith.constant 0 : i32
    %add3A_172 = vector.broadcast %add3A_171 : i32 to vector<16xi32>
    %add3A_173 = arith.addi %mul3A_160, %add3A_172 : vector<16xi32>
    tpu.vector_store_idx %arg5[%add3A_173], %select_n3A_170 : memref<512xf32, #tpu.memory_space<vmem>>[vector<16xi32>], vector<16xf32>,
    %eq3A_174 = arith.constant 1 : i32
    %eq3A_175 = vector.broadcast %eq3A_174 : i32 to vector<16xi32>
    %eq3A_176 = arith.cmpi eq, %select_n3A_57, %eq3A_175 : vector<16xi32>
    %eq3A_177 = arith.constant 1 : i32
    %eq3A_178 = vector.broadcast %eq3A_177 : i32 to vector<16xi32>
    %eq3A_179 = arith.cmpi eq, %select_n3A_148, %eq3A_178 : vector<16xi32>
    %jit3A_180 = arith.constant 0.000000e+00 : f32
    %broadcast_in_dim3A_181 = vector.broadcast %jit3A_180 : f32 to vector<16xf32>
    %select_n3A_182 = arith.select %eq3A_179, %div3A_154, %broadcast_in_dim3A_181 : vector<16xi1>, vector<16xf32>
    %select_n3A_183 = arith.select %eq3A_176, %div3A_153, %select_n3A_182 : vector<16xi1>, vector<16xf32>
    %add3A_184 = arith.constant 1 : i32
    %add3A_185 = vector.broadcast %add3A_184 : i32 to vector<16xi32>
    %add3A_186 = arith.addi %mul3A_160, %add3A_185 : vector<16xi32>
    tpu.vector_store_idx %arg5[%add3A_186], %select_n3A_183 : memref<512xf32, #tpu.memory_space<vmem>>[vector<16xi32>], vector<16xf32>,
    %eq3A_187 = arith.constant 2 : i32
    %eq3A_188 = vector.broadcast %eq3A_187 : i32 to vector<16xi32>
    %eq3A_189 = arith.cmpi eq, %select_n3A_57, %eq3A_188 : vector<16xi32>
    %eq3A_190 = arith.constant 2 : i32
    %eq3A_191 = vector.broadcast %eq3A_190 : i32 to vector<16xi32>
    %eq3A_192 = arith.cmpi eq, %select_n3A_148, %eq3A_191 : vector<16xi32>
    %jit3A_193 = arith.constant 0.000000e+00 : f32
    %broadcast_in_dim3A_194 = vector.broadcast %jit3A_193 : f32 to vector<16xf32>
    %select_n3A_195 = arith.select %eq3A_192, %div3A_154, %broadcast_in_dim3A_194 : vector<16xi1>, vector<16xf32>
    %select_n3A_196 = arith.select %eq3A_189, %div3A_153, %select_n3A_195 : vector<16xi1>, vector<16xf32>
    %add3A_197 = arith.constant 2 : i32
    %add3A_198 = vector.broadcast %add3A_197 : i32 to vector<16xi32>
    %add3A_199 = arith.addi %mul3A_160, %add3A_198 : vector<16xi32>
    tpu.vector_store_idx %arg5[%add3A_199], %select_n3A_196 : memref<512xf32, #tpu.memory_space<vmem>>[vector<16xi32>], vector<16xf32>,
    %eq3A_200 = arith.constant 3 : i32
    %eq3A_201 = vector.broadcast %eq3A_200 : i32 to vector<16xi32>
    %eq3A_202 = arith.cmpi eq, %select_n3A_57, %eq3A_201 : vector<16xi32>
    %eq3A_203 = arith.constant 3 : i32
    %eq3A_204 = vector.broadcast %eq3A_203 : i32 to vector<16xi32>
    %eq3A_205 = arith.cmpi eq, %select_n3A_148, %eq3A_204 : vector<16xi32>
    %jit3A_206 = arith.constant 0.000000e+00 : f32
    %broadcast_in_dim3A_207 = vector.broadcast %jit3A_206 : f32 to vector<16xf32>
    %select_n3A_208 = arith.select %eq3A_205, %div3A_154, %broadcast_in_dim3A_207 : vector<16xi1>, vector<16xf32>
    %select_n3A_209 = arith.select %eq3A_202, %div3A_153, %select_n3A_208 : vector<16xi1>, vector<16xf32>
    %add3A_210 = arith.constant 3 : i32
    %add3A_211 = vector.broadcast %add3A_210 : i32 to vector<16xi32>
    %add3A_212 = arith.addi %mul3A_160, %add3A_211 : vector<16xi32>
    tpu.vector_store_idx %arg5[%add3A_212], %select_n3A_209 : memref<512xf32, #tpu.memory_space<vmem>>[vector<16xi32>], vector<16xf32>,
    %eq3A_213 = arith.constant 4 : i32
    %eq3A_214 = vector.broadcast %eq3A_213 : i32 to vector<16xi32>
    %eq3A_215 = arith.cmpi eq, %select_n3A_57, %eq3A_214 : vector<16xi32>
    %eq3A_216 = arith.constant 4 : i32
    %eq3A_217 = vector.broadcast %eq3A_216 : i32 to vector<16xi32>
    %eq3A_218 = arith.cmpi eq, %select_n3A_148, %eq3A_217 : vector<16xi32>
    %jit3A_219 = arith.constant 0.000000e+00 : f32
    %broadcast_in_dim3A_220 = vector.broadcast %jit3A_219 : f32 to vector<16xf32>
    %select_n3A_221 = arith.select %eq3A_218, %div3A_154, %broadcast_in_dim3A_220 : vector<16xi1>, vector<16xf32>
    %select_n3A_222 = arith.select %eq3A_215, %div3A_153, %select_n3A_221 : vector<16xi1>, vector<16xf32>
    %add3A_223 = arith.constant 4 : i32
    %add3A_224 = vector.broadcast %add3A_223 : i32 to vector<16xi32>
    %add3A_225 = arith.addi %mul3A_160, %add3A_224 : vector<16xi32>
    tpu.vector_store_idx %arg5[%add3A_225], %select_n3A_222 : memref<512xf32, #tpu.memory_space<vmem>>[vector<16xi32>], vector<16xf32>,
    %eq3A_226 = arith.constant 5 : i32
    %eq3A_227 = vector.broadcast %eq3A_226 : i32 to vector<16xi32>
    %eq3A_228 = arith.cmpi eq, %select_n3A_57, %eq3A_227 : vector<16xi32>
    %eq3A_229 = arith.constant 5 : i32
    %eq3A_230 = vector.broadcast %eq3A_229 : i32 to vector<16xi32>
    %eq3A_231 = arith.cmpi eq, %select_n3A_148, %eq3A_230 : vector<16xi32>
    %jit3A_232 = arith.constant 0.000000e+00 : f32
    %broadcast_in_dim3A_233 = vector.broadcast %jit3A_232 : f32 to vector<16xf32>
    %select_n3A_234 = arith.select %eq3A_231, %div3A_154, %broadcast_in_dim3A_233 : vector<16xi1>, vector<16xf32>
    %select_n3A_235 = arith.select %eq3A_228, %div3A_153, %select_n3A_234 : vector<16xi1>, vector<16xf32>
    %add3A_236 = arith.constant 5 : i32
    %add3A_237 = vector.broadcast %add3A_236 : i32 to vector<16xi32>
    %add3A_238 = arith.addi %mul3A_160, %add3A_237 : vector<16xi32>
    tpu.vector_store_idx %arg5[%add3A_238], %select_n3A_235 : memref<512xf32, #tpu.memory_space<vmem>>[vector<16xi32>], vector<16xf32>,
    %eq3A_239 = arith.constant 6 : i32
    %eq3A_240 = vector.broadcast %eq3A_239 : i32 to vector<16xi32>
    %eq3A_241 = arith.cmpi eq, %select_n3A_57, %eq3A_240 : vector<16xi32>
    %eq3A_242 = arith.constant 6 : i32
    %eq3A_243 = vector.broadcast %eq3A_242 : i32 to vector<16xi32>
    %eq3A_244 = arith.cmpi eq, %select_n3A_148, %eq3A_243 : vector<16xi32>
    %jit3A_245 = arith.constant 0.000000e+00 : f32
    %broadcast_in_dim3A_246 = vector.broadcast %jit3A_245 : f32 to vector<16xf32>
    %select_n3A_247 = arith.select %eq3A_244, %div3A_154, %broadcast_in_dim3A_246 : vector<16xi1>, vector<16xf32>
    %select_n3A_248 = arith.select %eq3A_241, %div3A_153, %select_n3A_247 : vector<16xi1>, vector<16xf32>
    %add3A_249 = arith.constant 6 : i32
    %add3A_250 = vector.broadcast %add3A_249 : i32 to vector<16xi32>
    %add3A_251 = arith.addi %mul3A_160, %add3A_250 : vector<16xi32>
    tpu.vector_store_idx %arg5[%add3A_251], %select_n3A_248 : memref<512xf32, #tpu.memory_space<vmem>>[vector<16xi32>], vector<16xf32>,
    %eq3A_252 = arith.constant 7 : i32
    %eq3A_253 = vector.broadcast %eq3A_252 : i32 to vector<16xi32>
    %eq3A_254 = arith.cmpi eq, %select_n3A_57, %eq3A_253 : vector<16xi32>
    %eq3A_255 = arith.constant 7 : i32
    %eq3A_256 = vector.broadcast %eq3A_255 : i32 to vector<16xi32>
    %eq3A_257 = arith.cmpi eq, %select_n3A_148, %eq3A_256 : vector<16xi32>
    %jit3A_258 = arith.constant 0.000000e+00 : f32
    %broadcast_in_dim3A_259 = vector.broadcast %jit3A_258 : f32 to vector<16xf32>
    %select_n3A_260 = arith.select %eq3A_257, %div3A_154, %broadcast_in_dim3A_259 : vector<16xi1>, vector<16xf32>
    %select_n3A_261 = arith.select %eq3A_254, %div3A_153, %select_n3A_260 : vector<16xi1>, vector<16xf32>
    %add3A_262 = arith.constant 7 : i32
    %add3A_263 = vector.broadcast %add3A_262 : i32 to vector<16xi32>
    %add3A_264 = arith.addi %mul3A_160, %add3A_263 : vector<16xi32>
    tpu.vector_store_idx %arg5[%add3A_264], %select_n3A_261 : memref<512xf32, #tpu.memory_space<vmem>>[vector<16xi32>], vector<16xf32>,
    %get3A_265 = arith.constant 16 : index
    %get3A_266 = tpu.vector_load %arg4[%get3A_265] {strides = array<i32>} : memref<512xf32, #tpu.memory_space<vmem>>, vector<16xf32>,
    %get3A_267 = arith.constant 80 : index
    %get3A_268 = tpu.vector_load %arg4[%get3A_267] {strides = array<i32>} : memref<512xf32, #tpu.memory_space<vmem>>, vector<16xf32>,
    %get3A_269 = arith.constant 144 : index
    %get3A_270 = tpu.vector_load %arg4[%get3A_269] {strides = array<i32>} : memref<512xf32, #tpu.memory_space<vmem>>, vector<16xf32>,
    %get3A_271 = arith.constant 208 : index
    %get3A_272 = tpu.vector_load %arg4[%get3A_271] {strides = array<i32>} : memref<512xf32, #tpu.memory_space<vmem>>, vector<16xf32>,
    %get3A_273 = arith.constant 272 : index
    %get3A_274 = tpu.vector_load %arg4[%get3A_273] {strides = array<i32>} : memref<512xf32, #tpu.memory_space<vmem>>, vector<16xf32>,
    %get3A_275 = arith.constant 336 : index
    %get3A_276 = tpu.vector_load %arg4[%get3A_275] {strides = array<i32>} : memref<512xf32, #tpu.memory_space<vmem>>, vector<16xf32>,
    %get3A_277 = arith.constant 400 : index
    %get3A_278 = tpu.vector_load %arg4[%get3A_277] {strides = array<i32>} : memref<512xf32, #tpu.memory_space<vmem>>, vector<16xf32>,
    %get3A_279 = arith.constant 464 : index
    %get3A_280 = tpu.vector_load %arg4[%get3A_279] {strides = array<i32>} : memref<512xf32, #tpu.memory_space<vmem>>, vector<16xf32>,
    %broadcast_in_dim3A_281 = arith.constant 0 : i32
    %broadcast_in_dim3A_282 = vector.broadcast %broadcast_in_dim3A_281 : i32 to vector<16xi32>
    %gt3A_283 = arith.cmpf ogt, %get3A_268, %get3A_266 : vector<16xf32>
    %select_n3A_284 = arith.select %gt3A_283, %get3A_268, %get3A_266 : vector<16xi1>, vector<16xf32>
    %jit3A_285 = arith.constant 1 : i32
    %broadcast_in_dim3A_286 = vector.broadcast %jit3A_285 : i32 to vector<16xi32>
    %select_n3A_287 = arith.select %gt3A_283, %broadcast_in_dim3A_286, %broadcast_in_dim3A_282 : vector<16xi1>, vector<16xi32>
    %gt3A_288 = arith.cmpf ogt, %get3A_270, %select_n3A_284 : vector<16xf32>
    %select_n3A_289 = arith.select %gt3A_288, %get3A_270, %select_n3A_284 : vector<16xi1>, vector<16xf32>
    %jit3A_290 = arith.constant 2 : i32
    %broadcast_in_dim3A_291 = vector.broadcast %jit3A_290 : i32 to vector<16xi32>
    %select_n3A_292 = arith.select %gt3A_288, %broadcast_in_dim3A_291, %select_n3A_287 : vector<16xi1>, vector<16xi32>
    %gt3A_293 = arith.cmpf ogt, %get3A_272, %select_n3A_289 : vector<16xf32>
    %select_n3A_294 = arith.select %gt3A_293, %get3A_272, %select_n3A_289 : vector<16xi1>, vector<16xf32>
    %jit3A_295 = arith.constant 3 : i32
    %broadcast_in_dim3A_296 = vector.broadcast %jit3A_295 : i32 to vector<16xi32>
    %select_n3A_297 = arith.select %gt3A_293, %broadcast_in_dim3A_296, %select_n3A_292 : vector<16xi1>, vector<16xi32>
    %gt3A_298 = arith.cmpf ogt, %get3A_274, %select_n3A_294 : vector<16xf32>
    %select_n3A_299 = arith.select %gt3A_298, %get3A_274, %select_n3A_294 : vector<16xi1>, vector<16xf32>
    %jit3A_300 = arith.constant 4 : i32
    %broadcast_in_dim3A_301 = vector.broadcast %jit3A_300 : i32 to vector<16xi32>
    %select_n3A_302 = arith.select %gt3A_298, %broadcast_in_dim3A_301, %select_n3A_297 : vector<16xi1>, vector<16xi32>
    %gt3A_303 = arith.cmpf ogt, %get3A_276, %select_n3A_299 : vector<16xf32>
    %select_n3A_304 = arith.select %gt3A_303, %get3A_276, %select_n3A_299 : vector<16xi1>, vector<16xf32>
    %jit3A_305 = arith.constant 5 : i32
    %broadcast_in_dim3A_306 = vector.broadcast %jit3A_305 : i32 to vector<16xi32>
    %select_n3A_307 = arith.select %gt3A_303, %broadcast_in_dim3A_306, %select_n3A_302 : vector<16xi1>, vector<16xi32>
    %gt3A_308 = arith.cmpf ogt, %get3A_278, %select_n3A_304 : vector<16xf32>
    %select_n3A_309 = arith.select %gt3A_308, %get3A_278, %select_n3A_304 : vector<16xi1>, vector<16xf32>
    %jit3A_310 = arith.constant 6 : i32
    %broadcast_in_dim3A_311 = vector.broadcast %jit3A_310 : i32 to vector<16xi32>
    %select_n3A_312 = arith.select %gt3A_308, %broadcast_in_dim3A_311, %select_n3A_307 : vector<16xi1>, vector<16xi32>
    %gt3A_313 = arith.cmpf ogt, %get3A_280, %select_n3A_309 : vector<16xf32>
    %select_n3A_314 = arith.select %gt3A_313, %get3A_280, %select_n3A_309 : vector<16xi1>, vector<16xf32>
    %jit3A_315 = arith.constant 7 : i32
    %broadcast_in_dim3A_316 = vector.broadcast %jit3A_315 : i32 to vector<16xi32>
    %select_n3A_317 = arith.select %gt3A_313, %broadcast_in_dim3A_316, %select_n3A_312 : vector<16xi1>, vector<16xi32>
    %broadcast_in_dim3A_318 = arith.constant -3.000000e+38 : f32
    %broadcast_in_dim3A_319 = vector.broadcast %broadcast_in_dim3A_318 : f32 to vector<16xf32>
    %broadcast_in_dim3A_320 = arith.constant 0 : i32
    %broadcast_in_dim3A_321 = vector.broadcast %broadcast_in_dim3A_320 : i32 to vector<16xi32>
    %eq3A_322 = arith.constant 0 : i32
    %eq3A_323 = vector.broadcast %eq3A_322 : i32 to vector<16xi32>
    %eq3A_324 = arith.cmpi eq, %select_n3A_317, %eq3A_323 : vector<16xi32>
    %jit3A_325 = arith.constant -3.000000e+38 : f32
    %broadcast_in_dim3A_326 = vector.broadcast %jit3A_325 : f32 to vector<16xf32>
    %select_n3A_327 = arith.select %eq3A_324, %broadcast_in_dim3A_326, %get3A_266 : vector<16xi1>, vector<16xf32>
    %gt3A_328 = arith.cmpf ogt, %select_n3A_327, %broadcast_in_dim3A_319 : vector<16xf32>
    %select_n3A_329 = arith.select %gt3A_328, %select_n3A_327, %broadcast_in_dim3A_319 : vector<16xi1>, vector<16xf32>
    %jit3A_330 = arith.constant 0 : i32
    %broadcast_in_dim3A_331 = vector.broadcast %jit3A_330 : i32 to vector<16xi32>
    %select_n3A_332 = arith.select %gt3A_328, %broadcast_in_dim3A_331, %broadcast_in_dim3A_321 : vector<16xi1>, vector<16xi32>
    %eq3A_333 = arith.constant 1 : i32
    %eq3A_334 = vector.broadcast %eq3A_333 : i32 to vector<16xi32>
    %eq3A_335 = arith.cmpi eq, %select_n3A_317, %eq3A_334 : vector<16xi32>
    %jit3A_336 = arith.constant -3.000000e+38 : f32
    %broadcast_in_dim3A_337 = vector.broadcast %jit3A_336 : f32 to vector<16xf32>
    %select_n3A_338 = arith.select %eq3A_335, %broadcast_in_dim3A_337, %get3A_268 : vector<16xi1>, vector<16xf32>
    %gt3A_339 = arith.cmpf ogt, %select_n3A_338, %select_n3A_329 : vector<16xf32>
    %select_n3A_340 = arith.select %gt3A_339, %select_n3A_338, %select_n3A_329 : vector<16xi1>, vector<16xf32>
    %jit3A_341 = arith.constant 1 : i32
    %broadcast_in_dim3A_342 = vector.broadcast %jit3A_341 : i32 to vector<16xi32>
    %select_n3A_343 = arith.select %gt3A_339, %broadcast_in_dim3A_342, %select_n3A_332 : vector<16xi1>, vector<16xi32>
    %eq3A_344 = arith.constant 2 : i32
    %eq3A_345 = vector.broadcast %eq3A_344 : i32 to vector<16xi32>
    %eq3A_346 = arith.cmpi eq, %select_n3A_317, %eq3A_345 : vector<16xi32>
    %jit3A_347 = arith.constant -3.000000e+38 : f32
    %broadcast_in_dim3A_348 = vector.broadcast %jit3A_347 : f32 to vector<16xf32>
    %select_n3A_349 = arith.select %eq3A_346, %broadcast_in_dim3A_348, %get3A_270 : vector<16xi1>, vector<16xf32>
    %gt3A_350 = arith.cmpf ogt, %select_n3A_349, %select_n3A_340 : vector<16xf32>
    %select_n3A_351 = arith.select %gt3A_350, %select_n3A_349, %select_n3A_340 : vector<16xi1>, vector<16xf32>
    %jit3A_352 = arith.constant 2 : i32
    %broadcast_in_dim3A_353 = vector.broadcast %jit3A_352 : i32 to vector<16xi32>
    %select_n3A_354 = arith.select %gt3A_350, %broadcast_in_dim3A_353, %select_n3A_343 : vector<16xi1>, vector<16xi32>
    %eq3A_355 = arith.constant 3 : i32
    %eq3A_356 = vector.broadcast %eq3A_355 : i32 to vector<16xi32>
    %eq3A_357 = arith.cmpi eq, %select_n3A_317, %eq3A_356 : vector<16xi32>
    %jit3A_358 = arith.constant -3.000000e+38 : f32
    %broadcast_in_dim3A_359 = vector.broadcast %jit3A_358 : f32 to vector<16xf32>
    %select_n3A_360 = arith.select %eq3A_357, %broadcast_in_dim3A_359, %get3A_272 : vector<16xi1>, vector<16xf32>
    %gt3A_361 = arith.cmpf ogt, %select_n3A_360, %select_n3A_351 : vector<16xf32>
    %select_n3A_362 = arith.select %gt3A_361, %select_n3A_360, %select_n3A_351 : vector<16xi1>, vector<16xf32>
    %jit3A_363 = arith.constant 3 : i32
    %broadcast_in_dim3A_364 = vector.broadcast %jit3A_363 : i32 to vector<16xi32>
    %select_n3A_365 = arith.select %gt3A_361, %broadcast_in_dim3A_364, %select_n3A_354 : vector<16xi1>, vector<16xi32>
    %eq3A_366 = arith.constant 4 : i32
    %eq3A_367 = vector.broadcast %eq3A_366 : i32 to vector<16xi32>
    %eq3A_368 = arith.cmpi eq, %select_n3A_317, %eq3A_367 : vector<16xi32>
    %jit3A_369 = arith.constant -3.000000e+38 : f32
    %broadcast_in_dim3A_370 = vector.broadcast %jit3A_369 : f32 to vector<16xf32>
    %select_n3A_371 = arith.select %eq3A_368, %broadcast_in_dim3A_370, %get3A_274 : vector<16xi1>, vector<16xf32>
    %gt3A_372 = arith.cmpf ogt, %select_n3A_371, %select_n3A_362 : vector<16xf32>
    %select_n3A_373 = arith.select %gt3A_372, %select_n3A_371, %select_n3A_362 : vector<16xi1>, vector<16xf32>
    %jit3A_374 = arith.constant 4 : i32
    %broadcast_in_dim3A_375 = vector.broadcast %jit3A_374 : i32 to vector<16xi32>
    %select_n3A_376 = arith.select %gt3A_372, %broadcast_in_dim3A_375, %select_n3A_365 : vector<16xi1>, vector<16xi32>
    %eq3A_377 = arith.constant 5 : i32
    %eq3A_378 = vector.broadcast %eq3A_377 : i32 to vector<16xi32>
    %eq3A_379 = arith.cmpi eq, %select_n3A_317, %eq3A_378 : vector<16xi32>
    %jit3A_380 = arith.constant -3.000000e+38 : f32
    %broadcast_in_dim3A_381 = vector.broadcast %jit3A_380 : f32 to vector<16xf32>
    %select_n3A_382 = arith.select %eq3A_379, %broadcast_in_dim3A_381, %get3A_276 : vector<16xi1>, vector<16xf32>
    %gt3A_383 = arith.cmpf ogt, %select_n3A_382, %select_n3A_373 : vector<16xf32>
    %select_n3A_384 = arith.select %gt3A_383, %select_n3A_382, %select_n3A_373 : vector<16xi1>, vector<16xf32>
    %jit3A_385 = arith.constant 5 : i32
    %broadcast_in_dim3A_386 = vector.broadcast %jit3A_385 : i32 to vector<16xi32>
    %select_n3A_387 = arith.select %gt3A_383, %broadcast_in_dim3A_386, %select_n3A_376 : vector<16xi1>, vector<16xi32>
    %eq3A_388 = arith.constant 6 : i32
    %eq3A_389 = vector.broadcast %eq3A_388 : i32 to vector<16xi32>
    %eq3A_390 = arith.cmpi eq, %select_n3A_317, %eq3A_389 : vector<16xi32>
    %jit3A_391 = arith.constant -3.000000e+38 : f32
    %broadcast_in_dim3A_392 = vector.broadcast %jit3A_391 : f32 to vector<16xf32>
    %select_n3A_393 = arith.select %eq3A_390, %broadcast_in_dim3A_392, %get3A_278 : vector<16xi1>, vector<16xf32>
    %gt3A_394 = arith.cmpf ogt, %select_n3A_393, %select_n3A_384 : vector<16xf32>
    %select_n3A_395 = arith.select %gt3A_394, %select_n3A_393, %select_n3A_384 : vector<16xi1>, vector<16xf32>
    %jit3A_396 = arith.constant 6 : i32
    %broadcast_in_dim3A_397 = vector.broadcast %jit3A_396 : i32 to vector<16xi32>
    %select_n3A_398 = arith.select %gt3A_394, %broadcast_in_dim3A_397, %select_n3A_387 : vector<16xi1>, vector<16xi32>
    %eq3A_399 = arith.constant 7 : i32
    %eq3A_400 = vector.broadcast %eq3A_399 : i32 to vector<16xi32>
    %eq3A_401 = arith.cmpi eq, %select_n3A_317, %eq3A_400 : vector<16xi32>
    %jit3A_402 = arith.constant -3.000000e+38 : f32
    %broadcast_in_dim3A_403 = vector.broadcast %jit3A_402 : f32 to vector<16xf32>
    %select_n3A_404 = arith.select %eq3A_401, %broadcast_in_dim3A_403, %get3A_280 : vector<16xi1>, vector<16xf32>
    %gt3A_405 = arith.cmpf ogt, %select_n3A_404, %select_n3A_395 : vector<16xf32>
    %select_n3A_406 = arith.select %gt3A_405, %select_n3A_404, %select_n3A_395 : vector<16xi1>, vector<16xf32>
    %jit3A_407 = arith.constant 7 : i32
    %broadcast_in_dim3A_408 = vector.broadcast %jit3A_407 : i32 to vector<16xi32>
    %select_n3A_409 = arith.select %gt3A_405, %broadcast_in_dim3A_408, %select_n3A_398 : vector<16xi1>, vector<16xi32>
    %sub3A_410 = arith.subf %select_n3A_406, %select_n3A_314 : vector<16xf32>
    %exp3A_411 = math.exp %sub3A_410 : vector<16xf32>
    %add3A_412 = arith.constant 1.000000e+00 : f32
    %add3A_413 = vector.broadcast %add3A_412 : f32 to vector<16xf32>
    %add3A_414 = arith.addf %add3A_413, %exp3A_411 : vector<16xf32>
    %div3A_415 = arith.constant 1.000000e+00 : f32
    %div3A_416 = vector.broadcast %div3A_415 : f32 to vector<16xf32>
    %div3A_417 = arith.divf %div3A_416, %add3A_414 : vector<16xf32>
    %div3A_418 = arith.divf %exp3A_411, %add3A_414 : vector<16xf32>
    %iota3A_419 = tpu.iota {dimensions = array<i32: 0>} : vector<16xi32>
    %add3A_420 = arith.constant 16 : i32
    %add3A_421 = vector.broadcast %add3A_420 : i32 to vector<16xi32>
    %add3A_422 = arith.addi %add3A_421, %iota3A_419 : vector<16xi32>
    %mul3A_423 = arith.constant 8 : i32
    %mul3A_424 = vector.broadcast %mul3A_423 : i32 to vector<16xi32>
    %mul3A_425 = arith.muli %add3A_422, %mul3A_424 : vector<16xi32>
    %eq3A_426 = arith.constant 0 : i32
    %eq3A_427 = vector.broadcast %eq3A_426 : i32 to vector<16xi32>
    %eq3A_428 = arith.cmpi eq, %select_n3A_317, %eq3A_427 : vector<16xi32>
    %eq3A_429 = arith.constant 0 : i32
    %eq3A_430 = vector.broadcast %eq3A_429 : i32 to vector<16xi32>
    %eq3A_431 = arith.cmpi eq, %select_n3A_409, %eq3A_430 : vector<16xi32>
    %jit3A_432 = arith.constant 0.000000e+00 : f32
    %broadcast_in_dim3A_433 = vector.broadcast %jit3A_432 : f32 to vector<16xf32>
    %select_n3A_434 = arith.select %eq3A_431, %div3A_418, %broadcast_in_dim3A_433 : vector<16xi1>, vector<16xf32>
    %select_n3A_435 = arith.select %eq3A_428, %div3A_417, %select_n3A_434 : vector<16xi1>, vector<16xf32>
    %add3A_436 = arith.constant 0 : i32
    %add3A_437 = vector.broadcast %add3A_436 : i32 to vector<16xi32>
    %add3A_438 = arith.addi %mul3A_425, %add3A_437 : vector<16xi32>
    tpu.vector_store_idx %arg5[%add3A_438], %select_n3A_435 : memref<512xf32, #tpu.memory_space<vmem>>[vector<16xi32>], vector<16xf32>,
    %eq3A_439 = arith.constant 1 : i32
    %eq3A_440 = vector.broadcast %eq3A_439 : i32 to vector<16xi32>
    %eq3A_441 = arith.cmpi eq, %select_n3A_317, %eq3A_440 : vector<16xi32>
    %eq3A_442 = arith.constant 1 : i32
    %eq3A_443 = vector.broadcast %eq3A_442 : i32 to vector<16xi32>
    %eq3A_444 = arith.cmpi eq, %select_n3A_409, %eq3A_443 : vector<16xi32>
    %jit3A_445 = arith.constant 0.000000e+00 : f32
    %broadcast_in_dim3A_446 = vector.broadcast %jit3A_445 : f32 to vector<16xf32>
    %select_n3A_447 = arith.select %eq3A_444, %div3A_418, %broadcast_in_dim3A_446 : vector<16xi1>, vector<16xf32>
    %select_n3A_448 = arith.select %eq3A_441, %div3A_417, %select_n3A_447 : vector<16xi1>, vector<16xf32>
    %add3A_449 = arith.constant 1 : i32
    %add3A_450 = vector.broadcast %add3A_449 : i32 to vector<16xi32>
    %add3A_451 = arith.addi %mul3A_425, %add3A_450 : vector<16xi32>
    tpu.vector_store_idx %arg5[%add3A_451], %select_n3A_448 : memref<512xf32, #tpu.memory_space<vmem>>[vector<16xi32>], vector<16xf32>,
    %eq3A_452 = arith.constant 2 : i32
    %eq3A_453 = vector.broadcast %eq3A_452 : i32 to vector<16xi32>
    %eq3A_454 = arith.cmpi eq, %select_n3A_317, %eq3A_453 : vector<16xi32>
    %eq3A_455 = arith.constant 2 : i32
    %eq3A_456 = vector.broadcast %eq3A_455 : i32 to vector<16xi32>
    %eq3A_457 = arith.cmpi eq, %select_n3A_409, %eq3A_456 : vector<16xi32>
    %jit3A_458 = arith.constant 0.000000e+00 : f32
    %broadcast_in_dim3A_459 = vector.broadcast %jit3A_458 : f32 to vector<16xf32>
    %select_n3A_460 = arith.select %eq3A_457, %div3A_418, %broadcast_in_dim3A_459 : vector<16xi1>, vector<16xf32>
    %select_n3A_461 = arith.select %eq3A_454, %div3A_417, %select_n3A_460 : vector<16xi1>, vector<16xf32>
    %add3A_462 = arith.constant 2 : i32
    %add3A_463 = vector.broadcast %add3A_462 : i32 to vector<16xi32>
    %add3A_464 = arith.addi %mul3A_425, %add3A_463 : vector<16xi32>
    tpu.vector_store_idx %arg5[%add3A_464], %select_n3A_461 : memref<512xf32, #tpu.memory_space<vmem>>[vector<16xi32>], vector<16xf32>,
    %eq3A_465 = arith.constant 3 : i32
    %eq3A_466 = vector.broadcast %eq3A_465 : i32 to vector<16xi32>
    %eq3A_467 = arith.cmpi eq, %select_n3A_317, %eq3A_466 : vector<16xi32>
    %eq3A_468 = arith.constant 3 : i32
    %eq3A_469 = vector.broadcast %eq3A_468 : i32 to vector<16xi32>
    %eq3A_470 = arith.cmpi eq, %select_n3A_409, %eq3A_469 : vector<16xi32>
    %jit3A_471 = arith.constant 0.000000e+00 : f32
    %broadcast_in_dim3A_472 = vector.broadcast %jit3A_471 : f32 to vector<16xf32>
    %select_n3A_473 = arith.select %eq3A_470, %div3A_418, %broadcast_in_dim3A_472 : vector<16xi1>, vector<16xf32>
    %select_n3A_474 = arith.select %eq3A_467, %div3A_417, %select_n3A_473 : vector<16xi1>, vector<16xf32>
    %add3A_475 = arith.constant 3 : i32
    %add3A_476 = vector.broadcast %add3A_475 : i32 to vector<16xi32>
    %add3A_477 = arith.addi %mul3A_425, %add3A_476 : vector<16xi32>
    tpu.vector_store_idx %arg5[%add3A_477], %select_n3A_474 : memref<512xf32, #tpu.memory_space<vmem>>[vector<16xi32>], vector<16xf32>,
    %eq3A_478 = arith.constant 4 : i32
    %eq3A_479 = vector.broadcast %eq3A_478 : i32 to vector<16xi32>
    %eq3A_480 = arith.cmpi eq, %select_n3A_317, %eq3A_479 : vector<16xi32>
    %eq3A_481 = arith.constant 4 : i32
    %eq3A_482 = vector.broadcast %eq3A_481 : i32 to vector<16xi32>
    %eq3A_483 = arith.cmpi eq, %select_n3A_409, %eq3A_482 : vector<16xi32>
    %jit3A_484 = arith.constant 0.000000e+00 : f32
    %broadcast_in_dim3A_485 = vector.broadcast %jit3A_484 : f32 to vector<16xf32>
    %select_n3A_486 = arith.select %eq3A_483, %div3A_418, %broadcast_in_dim3A_485 : vector<16xi1>, vector<16xf32>
    %select_n3A_487 = arith.select %eq3A_480, %div3A_417, %select_n3A_486 : vector<16xi1>, vector<16xf32>
    %add3A_488 = arith.constant 4 : i32
    %add3A_489 = vector.broadcast %add3A_488 : i32 to vector<16xi32>
    %add3A_490 = arith.addi %mul3A_425, %add3A_489 : vector<16xi32>
    tpu.vector_store_idx %arg5[%add3A_490], %select_n3A_487 : memref<512xf32, #tpu.memory_space<vmem>>[vector<16xi32>], vector<16xf32>,
    %eq3A_491 = arith.constant 5 : i32
    %eq3A_492 = vector.broadcast %eq3A_491 : i32 to vector<16xi32>
    %eq3A_493 = arith.cmpi eq, %select_n3A_317, %eq3A_492 : vector<16xi32>
    %eq3A_494 = arith.constant 5 : i32
    %eq3A_495 = vector.broadcast %eq3A_494 : i32 to vector<16xi32>
    %eq3A_496 = arith.cmpi eq, %select_n3A_409, %eq3A_495 : vector<16xi32>
    %jit3A_497 = arith.constant 0.000000e+00 : f32
    %broadcast_in_dim3A_498 = vector.broadcast %jit3A_497 : f32 to vector<16xf32>
    %select_n3A_499 = arith.select %eq3A_496, %div3A_418, %broadcast_in_dim3A_498 : vector<16xi1>, vector<16xf32>
    %select_n3A_500 = arith.select %eq3A_493, %div3A_417, %select_n3A_499 : vector<16xi1>, vector<16xf32>
    %add3A_501 = arith.constant 5 : i32
    %add3A_502 = vector.broadcast %add3A_501 : i32 to vector<16xi32>
    %add3A_503 = arith.addi %mul3A_425, %add3A_502 : vector<16xi32>
    tpu.vector_store_idx %arg5[%add3A_503], %select_n3A_500 : memref<512xf32, #tpu.memory_space<vmem>>[vector<16xi32>], vector<16xf32>,
    %eq3A_504 = arith.constant 6 : i32
    %eq3A_505 = vector.broadcast %eq3A_504 : i32 to vector<16xi32>
    %eq3A_506 = arith.cmpi eq, %select_n3A_317, %eq3A_505 : vector<16xi32>
    %eq3A_507 = arith.constant 6 : i32
    %eq3A_508 = vector.broadcast %eq3A_507 : i32 to vector<16xi32>
    %eq3A_509 = arith.cmpi eq, %select_n3A_409, %eq3A_508 : vector<16xi32>
    %jit3A_510 = arith.constant 0.000000e+00 : f32
    %broadcast_in_dim3A_511 = vector.broadcast %jit3A_510 : f32 to vector<16xf32>
    %select_n3A_512 = arith.select %eq3A_509, %div3A_418, %broadcast_in_dim3A_511 : vector<16xi1>, vector<16xf32>
    %select_n3A_513 = arith.select %eq3A_506, %div3A_417, %select_n3A_512 : vector<16xi1>, vector<16xf32>
    %add3A_514 = arith.constant 6 : i32
    %add3A_515 = vector.broadcast %add3A_514 : i32 to vector<16xi32>
    %add3A_516 = arith.addi %mul3A_425, %add3A_515 : vector<16xi32>
    tpu.vector_store_idx %arg5[%add3A_516], %select_n3A_513 : memref<512xf32, #tpu.memory_space<vmem>>[vector<16xi32>], vector<16xf32>,
    %eq3A_517 = arith.constant 7 : i32
    %eq3A_518 = vector.broadcast %eq3A_517 : i32 to vector<16xi32>
    %eq3A_519 = arith.cmpi eq, %select_n3A_317, %eq3A_518 : vector<16xi32>
    %eq3A_520 = arith.constant 7 : i32
    %eq3A_521 = vector.broadcast %eq3A_520 : i32 to vector<16xi32>
    %eq3A_522 = arith.cmpi eq, %select_n3A_409, %eq3A_521 : vector<16xi32>
    %jit3A_523 = arith.constant 0.000000e+00 : f32
    %broadcast_in_dim3A_524 = vector.broadcast %jit3A_523 : f32 to vector<16xf32>
    %select_n3A_525 = arith.select %eq3A_522, %div3A_418, %broadcast_in_dim3A_524 : vector<16xi1>, vector<16xf32>
    %select_n3A_526 = arith.select %eq3A_519, %div3A_417, %select_n3A_525 : vector<16xi1>, vector<16xf32>
    %add3A_527 = arith.constant 7 : i32
    %add3A_528 = vector.broadcast %add3A_527 : i32 to vector<16xi32>
    %add3A_529 = arith.addi %mul3A_425, %add3A_528 : vector<16xi32>
    tpu.vector_store_idx %arg5[%add3A_529], %select_n3A_526 : memref<512xf32, #tpu.memory_space<vmem>>[vector<16xi32>], vector<16xf32>,
    %get3A_530 = arith.constant 32 : index
    %get3A_531 = tpu.vector_load %arg4[%get3A_530] {strides = array<i32>} : memref<512xf32, #tpu.memory_space<vmem>>, vector<16xf32>,
    %get3A_532 = arith.constant 96 : index
    %get3A_533 = tpu.vector_load %arg4[%get3A_532] {strides = array<i32>} : memref<512xf32, #tpu.memory_space<vmem>>, vector<16xf32>,
    %get3A_534 = arith.constant 160 : index
    %get3A_535 = tpu.vector_load %arg4[%get3A_534] {strides = array<i32>} : memref<512xf32, #tpu.memory_space<vmem>>, vector<16xf32>,
    %get3A_536 = arith.constant 224 : index
    %get3A_537 = tpu.vector_load %arg4[%get3A_536] {strides = array<i32>} : memref<512xf32, #tpu.memory_space<vmem>>, vector<16xf32>,
    %get3A_538 = arith.constant 288 : index
    %get3A_539 = tpu.vector_load %arg4[%get3A_538] {strides = array<i32>} : memref<512xf32, #tpu.memory_space<vmem>>, vector<16xf32>,
    %get3A_540 = arith.constant 352 : index
    %get3A_541 = tpu.vector_load %arg4[%get3A_540] {strides = array<i32>} : memref<512xf32, #tpu.memory_space<vmem>>, vector<16xf32>,
    %get3A_542 = arith.constant 416 : index
    %get3A_543 = tpu.vector_load %arg4[%get3A_542] {strides = array<i32>} : memref<512xf32, #tpu.memory_space<vmem>>, vector<16xf32>,
    %get3A_544 = arith.constant 480 : index
    %get3A_545 = tpu.vector_load %arg4[%get3A_544] {strides = array<i32>} : memref<512xf32, #tpu.memory_space<vmem>>, vector<16xf32>,
    %broadcast_in_dim3A_546 = arith.constant 0 : i32
    %broadcast_in_dim3A_547 = vector.broadcast %broadcast_in_dim3A_546 : i32 to vector<16xi32>
    %gt3A_548 = arith.cmpf ogt, %get3A_533, %get3A_531 : vector<16xf32>
    %select_n3A_549 = arith.select %gt3A_548, %get3A_533, %get3A_531 : vector<16xi1>, vector<16xf32>
    %jit3A_550 = arith.constant 1 : i32
    %broadcast_in_dim3A_551 = vector.broadcast %jit3A_550 : i32 to vector<16xi32>
    %select_n3A_552 = arith.select %gt3A_548, %broadcast_in_dim3A_551, %broadcast_in_dim3A_547 : vector<16xi1>, vector<16xi32>
    %gt3A_553 = arith.cmpf ogt, %get3A_535, %select_n3A_549 : vector<16xf32>
    %select_n3A_554 = arith.select %gt3A_553, %get3A_535, %select_n3A_549 : vector<16xi1>, vector<16xf32>
    %jit3A_555 = arith.constant 2 : i32
    %broadcast_in_dim3A_556 = vector.broadcast %jit3A_555 : i32 to vector<16xi32>
    %select_n3A_557 = arith.select %gt3A_553, %broadcast_in_dim3A_556, %select_n3A_552 : vector<16xi1>, vector<16xi32>
    %gt3A_558 = arith.cmpf ogt, %get3A_537, %select_n3A_554 : vector<16xf32>
    %select_n3A_559 = arith.select %gt3A_558, %get3A_537, %select_n3A_554 : vector<16xi1>, vector<16xf32>
    %jit3A_560 = arith.constant 3 : i32
    %broadcast_in_dim3A_561 = vector.broadcast %jit3A_560 : i32 to vector<16xi32>
    %select_n3A_562 = arith.select %gt3A_558, %broadcast_in_dim3A_561, %select_n3A_557 : vector<16xi1>, vector<16xi32>
    %gt3A_563 = arith.cmpf ogt, %get3A_539, %select_n3A_559 : vector<16xf32>
    %select_n3A_564 = arith.select %gt3A_563, %get3A_539, %select_n3A_559 : vector<16xi1>, vector<16xf32>
    %jit3A_565 = arith.constant 4 : i32
    %broadcast_in_dim3A_566 = vector.broadcast %jit3A_565 : i32 to vector<16xi32>
    %select_n3A_567 = arith.select %gt3A_563, %broadcast_in_dim3A_566, %select_n3A_562 : vector<16xi1>, vector<16xi32>
    %gt3A_568 = arith.cmpf ogt, %get3A_541, %select_n3A_564 : vector<16xf32>
    %select_n3A_569 = arith.select %gt3A_568, %get3A_541, %select_n3A_564 : vector<16xi1>, vector<16xf32>
    %jit3A_570 = arith.constant 5 : i32
    %broadcast_in_dim3A_571 = vector.broadcast %jit3A_570 : i32 to vector<16xi32>
    %select_n3A_572 = arith.select %gt3A_568, %broadcast_in_dim3A_571, %select_n3A_567 : vector<16xi1>, vector<16xi32>
    %gt3A_573 = arith.cmpf ogt, %get3A_543, %select_n3A_569 : vector<16xf32>
    %select_n3A_574 = arith.select %gt3A_573, %get3A_543, %select_n3A_569 : vector<16xi1>, vector<16xf32>
    %jit3A_575 = arith.constant 6 : i32
    %broadcast_in_dim3A_576 = vector.broadcast %jit3A_575 : i32 to vector<16xi32>
    %select_n3A_577 = arith.select %gt3A_573, %broadcast_in_dim3A_576, %select_n3A_572 : vector<16xi1>, vector<16xi32>
    %gt3A_578 = arith.cmpf ogt, %get3A_545, %select_n3A_574 : vector<16xf32>
    %select_n3A_579 = arith.select %gt3A_578, %get3A_545, %select_n3A_574 : vector<16xi1>, vector<16xf32>
    %jit3A_580 = arith.constant 7 : i32
    %broadcast_in_dim3A_581 = vector.broadcast %jit3A_580 : i32 to vector<16xi32>
    %select_n3A_582 = arith.select %gt3A_578, %broadcast_in_dim3A_581, %select_n3A_577 : vector<16xi1>, vector<16xi32>
    %broadcast_in_dim3A_583 = arith.constant -3.000000e+38 : f32
    %broadcast_in_dim3A_584 = vector.broadcast %broadcast_in_dim3A_583 : f32 to vector<16xf32>
    %broadcast_in_dim3A_585 = arith.constant 0 : i32
    %broadcast_in_dim3A_586 = vector.broadcast %broadcast_in_dim3A_585 : i32 to vector<16xi32>
    %eq3A_587 = arith.constant 0 : i32
    %eq3A_588 = vector.broadcast %eq3A_587 : i32 to vector<16xi32>
    %eq3A_589 = arith.cmpi eq, %select_n3A_582, %eq3A_588 : vector<16xi32>
    %jit3A_590 = arith.constant -3.000000e+38 : f32
    %broadcast_in_dim3A_591 = vector.broadcast %jit3A_590 : f32 to vector<16xf32>
    %select_n3A_592 = arith.select %eq3A_589, %broadcast_in_dim3A_591, %get3A_531 : vector<16xi1>, vector<16xf32>
    %gt3A_593 = arith.cmpf ogt, %select_n3A_592, %broadcast_in_dim3A_584 : vector<16xf32>
    %select_n3A_594 = arith.select %gt3A_593, %select_n3A_592, %broadcast_in_dim3A_584 : vector<16xi1>, vector<16xf32>
    %jit3A_595 = arith.constant 0 : i32
    %broadcast_in_dim3A_596 = vector.broadcast %jit3A_595 : i32 to vector<16xi32>
    %select_n3A_597 = arith.select %gt3A_593, %broadcast_in_dim3A_596, %broadcast_in_dim3A_586 : vector<16xi1>, vector<16xi32>
    %eq3A_598 = arith.constant 1 : i32
    %eq3A_599 = vector.broadcast %eq3A_598 : i32 to vector<16xi32>
    %eq3A_600 = arith.cmpi eq, %select_n3A_582, %eq3A_599 : vector<16xi32>
    %jit3A_601 = arith.constant -3.000000e+38 : f32
    %broadcast_in_dim3A_602 = vector.broadcast %jit3A_601 : f32 to vector<16xf32>
    %select_n3A_603 = arith.select %eq3A_600, %broadcast_in_dim3A_602, %get3A_533 : vector<16xi1>, vector<16xf32>
    %gt3A_604 = arith.cmpf ogt, %select_n3A_603, %select_n3A_594 : vector<16xf32>
    %select_n3A_605 = arith.select %gt3A_604, %select_n3A_603, %select_n3A_594 : vector<16xi1>, vector<16xf32>
    %jit3A_606 = arith.constant 1 : i32
    %broadcast_in_dim3A_607 = vector.broadcast %jit3A_606 : i32 to vector<16xi32>
    %select_n3A_608 = arith.select %gt3A_604, %broadcast_in_dim3A_607, %select_n3A_597 : vector<16xi1>, vector<16xi32>
    %eq3A_609 = arith.constant 2 : i32
    %eq3A_610 = vector.broadcast %eq3A_609 : i32 to vector<16xi32>
    %eq3A_611 = arith.cmpi eq, %select_n3A_582, %eq3A_610 : vector<16xi32>
    %jit3A_612 = arith.constant -3.000000e+38 : f32
    %broadcast_in_dim3A_613 = vector.broadcast %jit3A_612 : f32 to vector<16xf32>
    %select_n3A_614 = arith.select %eq3A_611, %broadcast_in_dim3A_613, %get3A_535 : vector<16xi1>, vector<16xf32>
    %gt3A_615 = arith.cmpf ogt, %select_n3A_614, %select_n3A_605 : vector<16xf32>
    %select_n3A_616 = arith.select %gt3A_615, %select_n3A_614, %select_n3A_605 : vector<16xi1>, vector<16xf32>
    %jit3A_617 = arith.constant 2 : i32
    %broadcast_in_dim3A_618 = vector.broadcast %jit3A_617 : i32 to vector<16xi32>
    %select_n3A_619 = arith.select %gt3A_615, %broadcast_in_dim3A_618, %select_n3A_608 : vector<16xi1>, vector<16xi32>
    %eq3A_620 = arith.constant 3 : i32
    %eq3A_621 = vector.broadcast %eq3A_620 : i32 to vector<16xi32>
    %eq3A_622 = arith.cmpi eq, %select_n3A_582, %eq3A_621 : vector<16xi32>
    %jit3A_623 = arith.constant -3.000000e+38 : f32
    %broadcast_in_dim3A_624 = vector.broadcast %jit3A_623 : f32 to vector<16xf32>
    %select_n3A_625 = arith.select %eq3A_622, %broadcast_in_dim3A_624, %get3A_537 : vector<16xi1>, vector<16xf32>
    %gt3A_626 = arith.cmpf ogt, %select_n3A_625, %select_n3A_616 : vector<16xf32>
    %select_n3A_627 = arith.select %gt3A_626, %select_n3A_625, %select_n3A_616 : vector<16xi1>, vector<16xf32>
    %jit3A_628 = arith.constant 3 : i32
    %broadcast_in_dim3A_629 = vector.broadcast %jit3A_628 : i32 to vector<16xi32>
    %select_n3A_630 = arith.select %gt3A_626, %broadcast_in_dim3A_629, %select_n3A_619 : vector<16xi1>, vector<16xi32>
    %eq3A_631 = arith.constant 4 : i32
    %eq3A_632 = vector.broadcast %eq3A_631 : i32 to vector<16xi32>
    %eq3A_633 = arith.cmpi eq, %select_n3A_582, %eq3A_632 : vector<16xi32>
    %jit3A_634 = arith.constant -3.000000e+38 : f32
    %broadcast_in_dim3A_635 = vector.broadcast %jit3A_634 : f32 to vector<16xf32>
    %select_n3A_636 = arith.select %eq3A_633, %broadcast_in_dim3A_635, %get3A_539 : vector<16xi1>, vector<16xf32>
    %gt3A_637 = arith.cmpf ogt, %select_n3A_636, %select_n3A_627 : vector<16xf32>
    %select_n3A_638 = arith.select %gt3A_637, %select_n3A_636, %select_n3A_627 : vector<16xi1>, vector<16xf32>
    %jit3A_639 = arith.constant 4 : i32
    %broadcast_in_dim3A_640 = vector.broadcast %jit3A_639 : i32 to vector<16xi32>
    %select_n3A_641 = arith.select %gt3A_637, %broadcast_in_dim3A_640, %select_n3A_630 : vector<16xi1>, vector<16xi32>
    %eq3A_642 = arith.constant 5 : i32
    %eq3A_643 = vector.broadcast %eq3A_642 : i32 to vector<16xi32>
    %eq3A_644 = arith.cmpi eq, %select_n3A_582, %eq3A_643 : vector<16xi32>
    %jit3A_645 = arith.constant -3.000000e+38 : f32
    %broadcast_in_dim3A_646 = vector.broadcast %jit3A_645 : f32 to vector<16xf32>
    %select_n3A_647 = arith.select %eq3A_644, %broadcast_in_dim3A_646, %get3A_541 : vector<16xi1>, vector<16xf32>
    %gt3A_648 = arith.cmpf ogt, %select_n3A_647, %select_n3A_638 : vector<16xf32>
    %select_n3A_649 = arith.select %gt3A_648, %select_n3A_647, %select_n3A_638 : vector<16xi1>, vector<16xf32>
    %jit3A_650 = arith.constant 5 : i32
    %broadcast_in_dim3A_651 = vector.broadcast %jit3A_650 : i32 to vector<16xi32>
    %select_n3A_652 = arith.select %gt3A_648, %broadcast_in_dim3A_651, %select_n3A_641 : vector<16xi1>, vector<16xi32>
    %eq3A_653 = arith.constant 6 : i32
    %eq3A_654 = vector.broadcast %eq3A_653 : i32 to vector<16xi32>
    %eq3A_655 = arith.cmpi eq, %select_n3A_582, %eq3A_654 : vector<16xi32>
    %jit3A_656 = arith.constant -3.000000e+38 : f32
    %broadcast_in_dim3A_657 = vector.broadcast %jit3A_656 : f32 to vector<16xf32>
    %select_n3A_658 = arith.select %eq3A_655, %broadcast_in_dim3A_657, %get3A_543 : vector<16xi1>, vector<16xf32>
    %gt3A_659 = arith.cmpf ogt, %select_n3A_658, %select_n3A_649 : vector<16xf32>
    %select_n3A_660 = arith.select %gt3A_659, %select_n3A_658, %select_n3A_649 : vector<16xi1>, vector<16xf32>
    %jit3A_661 = arith.constant 6 : i32
    %broadcast_in_dim3A_662 = vector.broadcast %jit3A_661 : i32 to vector<16xi32>
    %select_n3A_663 = arith.select %gt3A_659, %broadcast_in_dim3A_662, %select_n3A_652 : vector<16xi1>, vector<16xi32>
    %eq3A_664 = arith.constant 7 : i32
    %eq3A_665 = vector.broadcast %eq3A_664 : i32 to vector<16xi32>
    %eq3A_666 = arith.cmpi eq, %select_n3A_582, %eq3A_665 : vector<16xi32>
    %jit3A_667 = arith.constant -3.000000e+38 : f32
    %broadcast_in_dim3A_668 = vector.broadcast %jit3A_667 : f32 to vector<16xf32>
    %select_n3A_669 = arith.select %eq3A_666, %broadcast_in_dim3A_668, %get3A_545 : vector<16xi1>, vector<16xf32>
    %gt3A_670 = arith.cmpf ogt, %select_n3A_669, %select_n3A_660 : vector<16xf32>
    %select_n3A_671 = arith.select %gt3A_670, %select_n3A_669, %select_n3A_660 : vector<16xi1>, vector<16xf32>
    %jit3A_672 = arith.constant 7 : i32
    %broadcast_in_dim3A_673 = vector.broadcast %jit3A_672 : i32 to vector<16xi32>
    %select_n3A_674 = arith.select %gt3A_670, %broadcast_in_dim3A_673, %select_n3A_663 : vector<16xi1>, vector<16xi32>
    %sub3A_675 = arith.subf %select_n3A_671, %select_n3A_579 : vector<16xf32>
    %exp3A_676 = math.exp %sub3A_675 : vector<16xf32>
    %add3A_677 = arith.constant 1.000000e+00 : f32
    %add3A_678 = vector.broadcast %add3A_677 : f32 to vector<16xf32>
    %add3A_679 = arith.addf %add3A_678, %exp3A_676 : vector<16xf32>
    %div3A_680 = arith.constant 1.000000e+00 : f32
    %div3A_681 = vector.broadcast %div3A_680 : f32 to vector<16xf32>
    %div3A_682 = arith.divf %div3A_681, %add3A_679 : vector<16xf32>
    %div3A_683 = arith.divf %exp3A_676, %add3A_679 : vector<16xf32>
    %iota3A_684 = tpu.iota {dimensions = array<i32: 0>} : vector<16xi32>
    %add3A_685 = arith.constant 32 : i32
    %add3A_686 = vector.broadcast %add3A_685 : i32 to vector<16xi32>
    %add3A_687 = arith.addi %add3A_686, %iota3A_684 : vector<16xi32>
    %mul3A_688 = arith.constant 8 : i32
    %mul3A_689 = vector.broadcast %mul3A_688 : i32 to vector<16xi32>
    %mul3A_690 = arith.muli %add3A_687, %mul3A_689 : vector<16xi32>
    %eq3A_691 = arith.constant 0 : i32
    %eq3A_692 = vector.broadcast %eq3A_691 : i32 to vector<16xi32>
    %eq3A_693 = arith.cmpi eq, %select_n3A_582, %eq3A_692 : vector<16xi32>
    %eq3A_694 = arith.constant 0 : i32
    %eq3A_695 = vector.broadcast %eq3A_694 : i32 to vector<16xi32>
    %eq3A_696 = arith.cmpi eq, %select_n3A_674, %eq3A_695 : vector<16xi32>
    %jit3A_697 = arith.constant 0.000000e+00 : f32
    %broadcast_in_dim3A_698 = vector.broadcast %jit3A_697 : f32 to vector<16xf32>
    %select_n3A_699 = arith.select %eq3A_696, %div3A_683, %broadcast_in_dim3A_698 : vector<16xi1>, vector<16xf32>
    %select_n3A_700 = arith.select %eq3A_693, %div3A_682, %select_n3A_699 : vector<16xi1>, vector<16xf32>
    %add3A_701 = arith.constant 0 : i32
    %add3A_702 = vector.broadcast %add3A_701 : i32 to vector<16xi32>
    %add3A_703 = arith.addi %mul3A_690, %add3A_702 : vector<16xi32>
    tpu.vector_store_idx %arg5[%add3A_703], %select_n3A_700 : memref<512xf32, #tpu.memory_space<vmem>>[vector<16xi32>], vector<16xf32>,
    %eq3A_704 = arith.constant 1 : i32
    %eq3A_705 = vector.broadcast %eq3A_704 : i32 to vector<16xi32>
    %eq3A_706 = arith.cmpi eq, %select_n3A_582, %eq3A_705 : vector<16xi32>
    %eq3A_707 = arith.constant 1 : i32
    %eq3A_708 = vector.broadcast %eq3A_707 : i32 to vector<16xi32>
    %eq3A_709 = arith.cmpi eq, %select_n3A_674, %eq3A_708 : vector<16xi32>
    %jit3A_710 = arith.constant 0.000000e+00 : f32
    %broadcast_in_dim3A_711 = vector.broadcast %jit3A_710 : f32 to vector<16xf32>
    %select_n3A_712 = arith.select %eq3A_709, %div3A_683, %broadcast_in_dim3A_711 : vector<16xi1>, vector<16xf32>
    %select_n3A_713 = arith.select %eq3A_706, %div3A_682, %select_n3A_712 : vector<16xi1>, vector<16xf32>
    %add3A_714 = arith.constant 1 : i32
    %add3A_715 = vector.broadcast %add3A_714 : i32 to vector<16xi32>
    %add3A_716 = arith.addi %mul3A_690, %add3A_715 : vector<16xi32>
    tpu.vector_store_idx %arg5[%add3A_716], %select_n3A_713 : memref<512xf32, #tpu.memory_space<vmem>>[vector<16xi32>], vector<16xf32>,
    %eq3A_717 = arith.constant 2 : i32
    %eq3A_718 = vector.broadcast %eq3A_717 : i32 to vector<16xi32>
    %eq3A_719 = arith.cmpi eq, %select_n3A_582, %eq3A_718 : vector<16xi32>
    %eq3A_720 = arith.constant 2 : i32
    %eq3A_721 = vector.broadcast %eq3A_720 : i32 to vector<16xi32>
    %eq3A_722 = arith.cmpi eq, %select_n3A_674, %eq3A_721 : vector<16xi32>
    %jit3A_723 = arith.constant 0.000000e+00 : f32
    %broadcast_in_dim3A_724 = vector.broadcast %jit3A_723 : f32 to vector<16xf32>
    %select_n3A_725 = arith.select %eq3A_722, %div3A_683, %broadcast_in_dim3A_724 : vector<16xi1>, vector<16xf32>
    %select_n3A_726 = arith.select %eq3A_719, %div3A_682, %select_n3A_725 : vector<16xi1>, vector<16xf32>
    %add3A_727 = arith.constant 2 : i32
    %add3A_728 = vector.broadcast %add3A_727 : i32 to vector<16xi32>
    %add3A_729 = arith.addi %mul3A_690, %add3A_728 : vector<16xi32>
    tpu.vector_store_idx %arg5[%add3A_729], %select_n3A_726 : memref<512xf32, #tpu.memory_space<vmem>>[vector<16xi32>], vector<16xf32>,
    %eq3A_730 = arith.constant 3 : i32
    %eq3A_731 = vector.broadcast %eq3A_730 : i32 to vector<16xi32>
    %eq3A_732 = arith.cmpi eq, %select_n3A_582, %eq3A_731 : vector<16xi32>
    %eq3A_733 = arith.constant 3 : i32
    %eq3A_734 = vector.broadcast %eq3A_733 : i32 to vector<16xi32>
    %eq3A_735 = arith.cmpi eq, %select_n3A_674, %eq3A_734 : vector<16xi32>
    %jit3A_736 = arith.constant 0.000000e+00 : f32
    %broadcast_in_dim3A_737 = vector.broadcast %jit3A_736 : f32 to vector<16xf32>
    %select_n3A_738 = arith.select %eq3A_735, %div3A_683, %broadcast_in_dim3A_737 : vector<16xi1>, vector<16xf32>
    %select_n3A_739 = arith.select %eq3A_732, %div3A_682, %select_n3A_738 : vector<16xi1>, vector<16xf32>
    %add3A_740 = arith.constant 3 : i32
    %add3A_741 = vector.broadcast %add3A_740 : i32 to vector<16xi32>
    %add3A_742 = arith.addi %mul3A_690, %add3A_741 : vector<16xi32>
    tpu.vector_store_idx %arg5[%add3A_742], %select_n3A_739 : memref<512xf32, #tpu.memory_space<vmem>>[vector<16xi32>], vector<16xf32>,
    %eq3A_743 = arith.constant 4 : i32
    %eq3A_744 = vector.broadcast %eq3A_743 : i32 to vector<16xi32>
    %eq3A_745 = arith.cmpi eq, %select_n3A_582, %eq3A_744 : vector<16xi32>
    %eq3A_746 = arith.constant 4 : i32
    %eq3A_747 = vector.broadcast %eq3A_746 : i32 to vector<16xi32>
    %eq3A_748 = arith.cmpi eq, %select_n3A_674, %eq3A_747 : vector<16xi32>
    %jit3A_749 = arith.constant 0.000000e+00 : f32
    %broadcast_in_dim3A_750 = vector.broadcast %jit3A_749 : f32 to vector<16xf32>
    %select_n3A_751 = arith.select %eq3A_748, %div3A_683, %broadcast_in_dim3A_750 : vector<16xi1>, vector<16xf32>
    %select_n3A_752 = arith.select %eq3A_745, %div3A_682, %select_n3A_751 : vector<16xi1>, vector<16xf32>
    %add3A_753 = arith.constant 4 : i32
    %add3A_754 = vector.broadcast %add3A_753 : i32 to vector<16xi32>
    %add3A_755 = arith.addi %mul3A_690, %add3A_754 : vector<16xi32>
    tpu.vector_store_idx %arg5[%add3A_755], %select_n3A_752 : memref<512xf32, #tpu.memory_space<vmem>>[vector<16xi32>], vector<16xf32>,
    %eq3A_756 = arith.constant 5 : i32
    %eq3A_757 = vector.broadcast %eq3A_756 : i32 to vector<16xi32>
    %eq3A_758 = arith.cmpi eq, %select_n3A_582, %eq3A_757 : vector<16xi32>
    %eq3A_759 = arith.constant 5 : i32
    %eq3A_760 = vector.broadcast %eq3A_759 : i32 to vector<16xi32>
    %eq3A_761 = arith.cmpi eq, %select_n3A_674, %eq3A_760 : vector<16xi32>
    %jit3A_762 = arith.constant 0.000000e+00 : f32
    %broadcast_in_dim3A_763 = vector.broadcast %jit3A_762 : f32 to vector<16xf32>
    %select_n3A_764 = arith.select %eq3A_761, %div3A_683, %broadcast_in_dim3A_763 : vector<16xi1>, vector<16xf32>
    %select_n3A_765 = arith.select %eq3A_758, %div3A_682, %select_n3A_764 : vector<16xi1>, vector<16xf32>
    %add3A_766 = arith.constant 5 : i32
    %add3A_767 = vector.broadcast %add3A_766 : i32 to vector<16xi32>
    %add3A_768 = arith.addi %mul3A_690, %add3A_767 : vector<16xi32>
    tpu.vector_store_idx %arg5[%add3A_768], %select_n3A_765 : memref<512xf32, #tpu.memory_space<vmem>>[vector<16xi32>], vector<16xf32>,
    %eq3A_769 = arith.constant 6 : i32
    %eq3A_770 = vector.broadcast %eq3A_769 : i32 to vector<16xi32>
    %eq3A_771 = arith.cmpi eq, %select_n3A_582, %eq3A_770 : vector<16xi32>
    %eq3A_772 = arith.constant 6 : i32
    %eq3A_773 = vector.broadcast %eq3A_772 : i32 to vector<16xi32>
    %eq3A_774 = arith.cmpi eq, %select_n3A_674, %eq3A_773 : vector<16xi32>
    %jit3A_775 = arith.constant 0.000000e+00 : f32
    %broadcast_in_dim3A_776 = vector.broadcast %jit3A_775 : f32 to vector<16xf32>
    %select_n3A_777 = arith.select %eq3A_774, %div3A_683, %broadcast_in_dim3A_776 : vector<16xi1>, vector<16xf32>
    %select_n3A_778 = arith.select %eq3A_771, %div3A_682, %select_n3A_777 : vector<16xi1>, vector<16xf32>
    %add3A_779 = arith.constant 6 : i32
    %add3A_780 = vector.broadcast %add3A_779 : i32 to vector<16xi32>
    %add3A_781 = arith.addi %mul3A_690, %add3A_780 : vector<16xi32>
    tpu.vector_store_idx %arg5[%add3A_781], %select_n3A_778 : memref<512xf32, #tpu.memory_space<vmem>>[vector<16xi32>], vector<16xf32>,
    %eq3A_782 = arith.constant 7 : i32
    %eq3A_783 = vector.broadcast %eq3A_782 : i32 to vector<16xi32>
    %eq3A_784 = arith.cmpi eq, %select_n3A_582, %eq3A_783 : vector<16xi32>
    %eq3A_785 = arith.constant 7 : i32
    %eq3A_786 = vector.broadcast %eq3A_785 : i32 to vector<16xi32>
    %eq3A_787 = arith.cmpi eq, %select_n3A_674, %eq3A_786 : vector<16xi32>
    %jit3A_788 = arith.constant 0.000000e+00 : f32
    %broadcast_in_dim3A_789 = vector.broadcast %jit3A_788 : f32 to vector<16xf32>
    %select_n3A_790 = arith.select %eq3A_787, %div3A_683, %broadcast_in_dim3A_789 : vector<16xi1>, vector<16xf32>
    %select_n3A_791 = arith.select %eq3A_784, %div3A_682, %select_n3A_790 : vector<16xi1>, vector<16xf32>
    %add3A_792 = arith.constant 7 : i32
    %add3A_793 = vector.broadcast %add3A_792 : i32 to vector<16xi32>
    %add3A_794 = arith.addi %mul3A_690, %add3A_793 : vector<16xi32>
    tpu.vector_store_idx %arg5[%add3A_794], %select_n3A_791 : memref<512xf32, #tpu.memory_space<vmem>>[vector<16xi32>], vector<16xf32>,
    %get3A_795 = arith.constant 48 : index
    %get3A_796 = tpu.vector_load %arg4[%get3A_795] {strides = array<i32>} : memref<512xf32, #tpu.memory_space<vmem>>, vector<16xf32>,
    %get3A_797 = arith.constant 112 : index
    %get3A_798 = tpu.vector_load %arg4[%get3A_797] {strides = array<i32>} : memref<512xf32, #tpu.memory_space<vmem>>, vector<16xf32>,
    %get3A_799 = arith.constant 176 : index
    %get3A_800 = tpu.vector_load %arg4[%get3A_799] {strides = array<i32>} : memref<512xf32, #tpu.memory_space<vmem>>, vector<16xf32>,
    %get3A_801 = arith.constant 240 : index
    %get3A_802 = tpu.vector_load %arg4[%get3A_801] {strides = array<i32>} : memref<512xf32, #tpu.memory_space<vmem>>, vector<16xf32>,
    %get3A_803 = arith.constant 304 : index
    %get3A_804 = tpu.vector_load %arg4[%get3A_803] {strides = array<i32>} : memref<512xf32, #tpu.memory_space<vmem>>, vector<16xf32>,
    %get3A_805 = arith.constant 368 : index
    %get3A_806 = tpu.vector_load %arg4[%get3A_805] {strides = array<i32>} : memref<512xf32, #tpu.memory_space<vmem>>, vector<16xf32>,
    %get3A_807 = arith.constant 432 : index
    %get3A_808 = tpu.vector_load %arg4[%get3A_807] {strides = array<i32>} : memref<512xf32, #tpu.memory_space<vmem>>, vector<16xf32>,
    %get3A_809 = arith.constant 496 : index
    %get3A_810 = tpu.vector_load %arg4[%get3A_809] {strides = array<i32>} : memref<512xf32, #tpu.memory_space<vmem>>, vector<16xf32>,
    %broadcast_in_dim3A_811 = arith.constant 0 : i32
    %broadcast_in_dim3A_812 = vector.broadcast %broadcast_in_dim3A_811 : i32 to vector<16xi32>
    %gt3A_813 = arith.cmpf ogt, %get3A_798, %get3A_796 : vector<16xf32>
    %select_n3A_814 = arith.select %gt3A_813, %get3A_798, %get3A_796 : vector<16xi1>, vector<16xf32>
    %jit3A_815 = arith.constant 1 : i32
    %broadcast_in_dim3A_816 = vector.broadcast %jit3A_815 : i32 to vector<16xi32>
    %select_n3A_817 = arith.select %gt3A_813, %broadcast_in_dim3A_816, %broadcast_in_dim3A_812 : vector<16xi1>, vector<16xi32>
    %gt3A_818 = arith.cmpf ogt, %get3A_800, %select_n3A_814 : vector<16xf32>
    %select_n3A_819 = arith.select %gt3A_818, %get3A_800, %select_n3A_814 : vector<16xi1>, vector<16xf32>
    %jit3A_820 = arith.constant 2 : i32
    %broadcast_in_dim3A_821 = vector.broadcast %jit3A_820 : i32 to vector<16xi32>
    %select_n3A_822 = arith.select %gt3A_818, %broadcast_in_dim3A_821, %select_n3A_817 : vector<16xi1>, vector<16xi32>
    %gt3A_823 = arith.cmpf ogt, %get3A_802, %select_n3A_819 : vector<16xf32>
    %select_n3A_824 = arith.select %gt3A_823, %get3A_802, %select_n3A_819 : vector<16xi1>, vector<16xf32>
    %jit3A_825 = arith.constant 3 : i32
    %broadcast_in_dim3A_826 = vector.broadcast %jit3A_825 : i32 to vector<16xi32>
    %select_n3A_827 = arith.select %gt3A_823, %broadcast_in_dim3A_826, %select_n3A_822 : vector<16xi1>, vector<16xi32>
    %gt3A_828 = arith.cmpf ogt, %get3A_804, %select_n3A_824 : vector<16xf32>
    %select_n3A_829 = arith.select %gt3A_828, %get3A_804, %select_n3A_824 : vector<16xi1>, vector<16xf32>
    %jit3A_830 = arith.constant 4 : i32
    %broadcast_in_dim3A_831 = vector.broadcast %jit3A_830 : i32 to vector<16xi32>
    %select_n3A_832 = arith.select %gt3A_828, %broadcast_in_dim3A_831, %select_n3A_827 : vector<16xi1>, vector<16xi32>
    %gt3A_833 = arith.cmpf ogt, %get3A_806, %select_n3A_829 : vector<16xf32>
    %select_n3A_834 = arith.select %gt3A_833, %get3A_806, %select_n3A_829 : vector<16xi1>, vector<16xf32>
    %jit3A_835 = arith.constant 5 : i32
    %broadcast_in_dim3A_836 = vector.broadcast %jit3A_835 : i32 to vector<16xi32>
    %select_n3A_837 = arith.select %gt3A_833, %broadcast_in_dim3A_836, %select_n3A_832 : vector<16xi1>, vector<16xi32>
    %gt3A_838 = arith.cmpf ogt, %get3A_808, %select_n3A_834 : vector<16xf32>
    %select_n3A_839 = arith.select %gt3A_838, %get3A_808, %select_n3A_834 : vector<16xi1>, vector<16xf32>
    %jit3A_840 = arith.constant 6 : i32
    %broadcast_in_dim3A_841 = vector.broadcast %jit3A_840 : i32 to vector<16xi32>
    %select_n3A_842 = arith.select %gt3A_838, %broadcast_in_dim3A_841, %select_n3A_837 : vector<16xi1>, vector<16xi32>
    %gt3A_843 = arith.cmpf ogt, %get3A_810, %select_n3A_839 : vector<16xf32>
    %select_n3A_844 = arith.select %gt3A_843, %get3A_810, %select_n3A_839 : vector<16xi1>, vector<16xf32>
    %jit3A_845 = arith.constant 7 : i32
    %broadcast_in_dim3A_846 = vector.broadcast %jit3A_845 : i32 to vector<16xi32>
    %select_n3A_847 = arith.select %gt3A_843, %broadcast_in_dim3A_846, %select_n3A_842 : vector<16xi1>, vector<16xi32>
    %broadcast_in_dim3A_848 = arith.constant -3.000000e+38 : f32
    %broadcast_in_dim3A_849 = vector.broadcast %broadcast_in_dim3A_848 : f32 to vector<16xf32>
    %broadcast_in_dim3A_850 = arith.constant 0 : i32
    %broadcast_in_dim3A_851 = vector.broadcast %broadcast_in_dim3A_850 : i32 to vector<16xi32>
    %eq3A_852 = arith.constant 0 : i32
    %eq3A_853 = vector.broadcast %eq3A_852 : i32 to vector<16xi32>
    %eq3A_854 = arith.cmpi eq, %select_n3A_847, %eq3A_853 : vector<16xi32>
    %jit3A_855 = arith.constant -3.000000e+38 : f32
    %broadcast_in_dim3A_856 = vector.broadcast %jit3A_855 : f32 to vector<16xf32>
    %select_n3A_857 = arith.select %eq3A_854, %broadcast_in_dim3A_856, %get3A_796 : vector<16xi1>, vector<16xf32>
    %gt3A_858 = arith.cmpf ogt, %select_n3A_857, %broadcast_in_dim3A_849 : vector<16xf32>
    %select_n3A_859 = arith.select %gt3A_858, %select_n3A_857, %broadcast_in_dim3A_849 : vector<16xi1>, vector<16xf32>
    %jit3A_860 = arith.constant 0 : i32
    %broadcast_in_dim3A_861 = vector.broadcast %jit3A_860 : i32 to vector<16xi32>
    %select_n3A_862 = arith.select %gt3A_858, %broadcast_in_dim3A_861, %broadcast_in_dim3A_851 : vector<16xi1>, vector<16xi32>
    %eq3A_863 = arith.constant 1 : i32
    %eq3A_864 = vector.broadcast %eq3A_863 : i32 to vector<16xi32>
    %eq3A_865 = arith.cmpi eq, %select_n3A_847, %eq3A_864 : vector<16xi32>
    %jit3A_866 = arith.constant -3.000000e+38 : f32
    %broadcast_in_dim3A_867 = vector.broadcast %jit3A_866 : f32 to vector<16xf32>
    %select_n3A_868 = arith.select %eq3A_865, %broadcast_in_dim3A_867, %get3A_798 : vector<16xi1>, vector<16xf32>
    %gt3A_869 = arith.cmpf ogt, %select_n3A_868, %select_n3A_859 : vector<16xf32>
    %select_n3A_870 = arith.select %gt3A_869, %select_n3A_868, %select_n3A_859 : vector<16xi1>, vector<16xf32>
    %jit3A_871 = arith.constant 1 : i32
    %broadcast_in_dim3A_872 = vector.broadcast %jit3A_871 : i32 to vector<16xi32>
    %select_n3A_873 = arith.select %gt3A_869, %broadcast_in_dim3A_872, %select_n3A_862 : vector<16xi1>, vector<16xi32>
    %eq3A_874 = arith.constant 2 : i32
    %eq3A_875 = vector.broadcast %eq3A_874 : i32 to vector<16xi32>
    %eq3A_876 = arith.cmpi eq, %select_n3A_847, %eq3A_875 : vector<16xi32>
    %jit3A_877 = arith.constant -3.000000e+38 : f32
    %broadcast_in_dim3A_878 = vector.broadcast %jit3A_877 : f32 to vector<16xf32>
    %select_n3A_879 = arith.select %eq3A_876, %broadcast_in_dim3A_878, %get3A_800 : vector<16xi1>, vector<16xf32>
    %gt3A_880 = arith.cmpf ogt, %select_n3A_879, %select_n3A_870 : vector<16xf32>
    %select_n3A_881 = arith.select %gt3A_880, %select_n3A_879, %select_n3A_870 : vector<16xi1>, vector<16xf32>
    %jit3A_882 = arith.constant 2 : i32
    %broadcast_in_dim3A_883 = vector.broadcast %jit3A_882 : i32 to vector<16xi32>
    %select_n3A_884 = arith.select %gt3A_880, %broadcast_in_dim3A_883, %select_n3A_873 : vector<16xi1>, vector<16xi32>
    %eq3A_885 = arith.constant 3 : i32
    %eq3A_886 = vector.broadcast %eq3A_885 : i32 to vector<16xi32>
    %eq3A_887 = arith.cmpi eq, %select_n3A_847, %eq3A_886 : vector<16xi32>
    %jit3A_888 = arith.constant -3.000000e+38 : f32
    %broadcast_in_dim3A_889 = vector.broadcast %jit3A_888 : f32 to vector<16xf32>
    %select_n3A_890 = arith.select %eq3A_887, %broadcast_in_dim3A_889, %get3A_802 : vector<16xi1>, vector<16xf32>
    %gt3A_891 = arith.cmpf ogt, %select_n3A_890, %select_n3A_881 : vector<16xf32>
    %select_n3A_892 = arith.select %gt3A_891, %select_n3A_890, %select_n3A_881 : vector<16xi1>, vector<16xf32>
    %jit3A_893 = arith.constant 3 : i32
    %broadcast_in_dim3A_894 = vector.broadcast %jit3A_893 : i32 to vector<16xi32>
    %select_n3A_895 = arith.select %gt3A_891, %broadcast_in_dim3A_894, %select_n3A_884 : vector<16xi1>, vector<16xi32>
    %eq3A_896 = arith.constant 4 : i32
    %eq3A_897 = vector.broadcast %eq3A_896 : i32 to vector<16xi32>
    %eq3A_898 = arith.cmpi eq, %select_n3A_847, %eq3A_897 : vector<16xi32>
    %jit3A_899 = arith.constant -3.000000e+38 : f32
    %broadcast_in_dim3A_900 = vector.broadcast %jit3A_899 : f32 to vector<16xf32>
    %select_n3A_901 = arith.select %eq3A_898, %broadcast_in_dim3A_900, %get3A_804 : vector<16xi1>, vector<16xf32>
    %gt3A_902 = arith.cmpf ogt, %select_n3A_901, %select_n3A_892 : vector<16xf32>
    %select_n3A_903 = arith.select %gt3A_902, %select_n3A_901, %select_n3A_892 : vector<16xi1>, vector<16xf32>
    %jit3A_904 = arith.constant 4 : i32
    %broadcast_in_dim3A_905 = vector.broadcast %jit3A_904 : i32 to vector<16xi32>
    %select_n3A_906 = arith.select %gt3A_902, %broadcast_in_dim3A_905, %select_n3A_895 : vector<16xi1>, vector<16xi32>
    %eq3A_907 = arith.constant 5 : i32
    %eq3A_908 = vector.broadcast %eq3A_907 : i32 to vector<16xi32>
    %eq3A_909 = arith.cmpi eq, %select_n3A_847, %eq3A_908 : vector<16xi32>
    %jit3A_910 = arith.constant -3.000000e+38 : f32
    %broadcast_in_dim3A_911 = vector.broadcast %jit3A_910 : f32 to vector<16xf32>
    %select_n3A_912 = arith.select %eq3A_909, %broadcast_in_dim3A_911, %get3A_806 : vector<16xi1>, vector<16xf32>
    %gt3A_913 = arith.cmpf ogt, %select_n3A_912, %select_n3A_903 : vector<16xf32>
    %select_n3A_914 = arith.select %gt3A_913, %select_n3A_912, %select_n3A_903 : vector<16xi1>, vector<16xf32>
    %jit3A_915 = arith.constant 5 : i32
    %broadcast_in_dim3A_916 = vector.broadcast %jit3A_915 : i32 to vector<16xi32>
    %select_n3A_917 = arith.select %gt3A_913, %broadcast_in_dim3A_916, %select_n3A_906 : vector<16xi1>, vector<16xi32>
    %eq3A_918 = arith.constant 6 : i32
    %eq3A_919 = vector.broadcast %eq3A_918 : i32 to vector<16xi32>
    %eq3A_920 = arith.cmpi eq, %select_n3A_847, %eq3A_919 : vector<16xi32>
    %jit3A_921 = arith.constant -3.000000e+38 : f32
    %broadcast_in_dim3A_922 = vector.broadcast %jit3A_921 : f32 to vector<16xf32>
    %select_n3A_923 = arith.select %eq3A_920, %broadcast_in_dim3A_922, %get3A_808 : vector<16xi1>, vector<16xf32>
    %gt3A_924 = arith.cmpf ogt, %select_n3A_923, %select_n3A_914 : vector<16xf32>
    %select_n3A_925 = arith.select %gt3A_924, %select_n3A_923, %select_n3A_914 : vector<16xi1>, vector<16xf32>
    %jit3A_926 = arith.constant 6 : i32
    %broadcast_in_dim3A_927 = vector.broadcast %jit3A_926 : i32 to vector<16xi32>
    %select_n3A_928 = arith.select %gt3A_924, %broadcast_in_dim3A_927, %select_n3A_917 : vector<16xi1>, vector<16xi32>
    %eq3A_929 = arith.constant 7 : i32
    %eq3A_930 = vector.broadcast %eq3A_929 : i32 to vector<16xi32>
    %eq3A_931 = arith.cmpi eq, %select_n3A_847, %eq3A_930 : vector<16xi32>
    %jit3A_932 = arith.constant -3.000000e+38 : f32
    %broadcast_in_dim3A_933 = vector.broadcast %jit3A_932 : f32 to vector<16xf32>
    %select_n3A_934 = arith.select %eq3A_931, %broadcast_in_dim3A_933, %get3A_810 : vector<16xi1>, vector<16xf32>
    %gt3A_935 = arith.cmpf ogt, %select_n3A_934, %select_n3A_925 : vector<16xf32>
    %select_n3A_936 = arith.select %gt3A_935, %select_n3A_934, %select_n3A_925 : vector<16xi1>, vector<16xf32>
    %jit3A_937 = arith.constant 7 : i32
    %broadcast_in_dim3A_938 = vector.broadcast %jit3A_937 : i32 to vector<16xi32>
    %select_n3A_939 = arith.select %gt3A_935, %broadcast_in_dim3A_938, %select_n3A_928 : vector<16xi1>, vector<16xi32>
    %sub3A_940 = arith.subf %select_n3A_936, %select_n3A_844 : vector<16xf32>
    %exp3A_941 = math.exp %sub3A_940 : vector<16xf32>
    %add3A_942 = arith.constant 1.000000e+00 : f32
    %add3A_943 = vector.broadcast %add3A_942 : f32 to vector<16xf32>
    %add3A_944 = arith.addf %add3A_943, %exp3A_941 : vector<16xf32>
    %div3A_945 = arith.constant 1.000000e+00 : f32
    %div3A_946 = vector.broadcast %div3A_945 : f32 to vector<16xf32>
    %div3A_947 = arith.divf %div3A_946, %add3A_944 : vector<16xf32>
    %div3A_948 = arith.divf %exp3A_941, %add3A_944 : vector<16xf32>
    %iota3A_949 = tpu.iota {dimensions = array<i32: 0>} : vector<16xi32>
    %add3A_950 = arith.constant 48 : i32
    %add3A_951 = vector.broadcast %add3A_950 : i32 to vector<16xi32>
    %add3A_952 = arith.addi %add3A_951, %iota3A_949 : vector<16xi32>
    %mul3A_953 = arith.constant 8 : i32
    %mul3A_954 = vector.broadcast %mul3A_953 : i32 to vector<16xi32>
    %mul3A_955 = arith.muli %add3A_952, %mul3A_954 : vector<16xi32>
    %eq3A_956 = arith.constant 0 : i32
    %eq3A_957 = vector.broadcast %eq3A_956 : i32 to vector<16xi32>
    %eq3A_958 = arith.cmpi eq, %select_n3A_847, %eq3A_957 : vector<16xi32>
    %eq3A_959 = arith.constant 0 : i32
    %eq3A_960 = vector.broadcast %eq3A_959 : i32 to vector<16xi32>
    %eq3A_961 = arith.cmpi eq, %select_n3A_939, %eq3A_960 : vector<16xi32>
    %jit3A_962 = arith.constant 0.000000e+00 : f32
    %broadcast_in_dim3A_963 = vector.broadcast %jit3A_962 : f32 to vector<16xf32>
    %select_n3A_964 = arith.select %eq3A_961, %div3A_948, %broadcast_in_dim3A_963 : vector<16xi1>, vector<16xf32>
    %select_n3A_965 = arith.select %eq3A_958, %div3A_947, %select_n3A_964 : vector<16xi1>, vector<16xf32>
    %add3A_966 = arith.constant 0 : i32
    %add3A_967 = vector.broadcast %add3A_966 : i32 to vector<16xi32>
    %add3A_968 = arith.addi %mul3A_955, %add3A_967 : vector<16xi32>
    tpu.vector_store_idx %arg5[%add3A_968], %select_n3A_965 : memref<512xf32, #tpu.memory_space<vmem>>[vector<16xi32>], vector<16xf32>,
    %eq3A_969 = arith.constant 1 : i32
    %eq3A_970 = vector.broadcast %eq3A_969 : i32 to vector<16xi32>
    %eq3A_971 = arith.cmpi eq, %select_n3A_847, %eq3A_970 : vector<16xi32>
    %eq3A_972 = arith.constant 1 : i32
    %eq3A_973 = vector.broadcast %eq3A_972 : i32 to vector<16xi32>
    %eq3A_974 = arith.cmpi eq, %select_n3A_939, %eq3A_973 : vector<16xi32>
    %jit3A_975 = arith.constant 0.000000e+00 : f32
    %broadcast_in_dim3A_976 = vector.broadcast %jit3A_975 : f32 to vector<16xf32>
    %select_n3A_977 = arith.select %eq3A_974, %div3A_948, %broadcast_in_dim3A_976 : vector<16xi1>, vector<16xf32>
    %select_n3A_978 = arith.select %eq3A_971, %div3A_947, %select_n3A_977 : vector<16xi1>, vector<16xf32>
    %add3A_979 = arith.constant 1 : i32
    %add3A_980 = vector.broadcast %add3A_979 : i32 to vector<16xi32>
    %add3A_981 = arith.addi %mul3A_955, %add3A_980 : vector<16xi32>
    tpu.vector_store_idx %arg5[%add3A_981], %select_n3A_978 : memref<512xf32, #tpu.memory_space<vmem>>[vector<16xi32>], vector<16xf32>,
    %eq3A_982 = arith.constant 2 : i32
    %eq3A_983 = vector.broadcast %eq3A_982 : i32 to vector<16xi32>
    %eq3A_984 = arith.cmpi eq, %select_n3A_847, %eq3A_983 : vector<16xi32>
    %eq3A_985 = arith.constant 2 : i32
    %eq3A_986 = vector.broadcast %eq3A_985 : i32 to vector<16xi32>
    %eq3A_987 = arith.cmpi eq, %select_n3A_939, %eq3A_986 : vector<16xi32>
    %jit3A_988 = arith.constant 0.000000e+00 : f32
    %broadcast_in_dim3A_989 = vector.broadcast %jit3A_988 : f32 to vector<16xf32>
    %select_n3A_990 = arith.select %eq3A_987, %div3A_948, %broadcast_in_dim3A_989 : vector<16xi1>, vector<16xf32>
    %select_n3A_991 = arith.select %eq3A_984, %div3A_947, %select_n3A_990 : vector<16xi1>, vector<16xf32>
    %add3A_992 = arith.constant 2 : i32
    %add3A_993 = vector.broadcast %add3A_992 : i32 to vector<16xi32>
    %add3A_994 = arith.addi %mul3A_955, %add3A_993 : vector<16xi32>
    tpu.vector_store_idx %arg5[%add3A_994], %select_n3A_991 : memref<512xf32, #tpu.memory_space<vmem>>[vector<16xi32>], vector<16xf32>,
    %eq3A_995 = arith.constant 3 : i32
    %eq3A_996 = vector.broadcast %eq3A_995 : i32 to vector<16xi32>
    %eq3A_997 = arith.cmpi eq, %select_n3A_847, %eq3A_996 : vector<16xi32>
    %eq3A_998 = arith.constant 3 : i32
    %eq3A_999 = vector.broadcast %eq3A_998 : i32 to vector<16xi32>
    %eq3A_1000 = arith.cmpi eq, %select_n3A_939, %eq3A_999 : vector<16xi32>
    %jit3A_1001 = arith.constant 0.000000e+00 : f32
    %broadcast_in_dim3A_1002 = vector.broadcast %jit3A_1001 : f32 to vector<16xf32>
    %select_n3A_1003 = arith.select %eq3A_1000, %div3A_948, %broadcast_in_dim3A_1002 : vector<16xi1>, vector<16xf32>
    %select_n3A_1004 = arith.select %eq3A_997, %div3A_947, %select_n3A_1003 : vector<16xi1>, vector<16xf32>
    %add3A_1005 = arith.constant 3 : i32
    %add3A_1006 = vector.broadcast %add3A_1005 : i32 to vector<16xi32>
    %add3A_1007 = arith.addi %mul3A_955, %add3A_1006 : vector<16xi32>
    tpu.vector_store_idx %arg5[%add3A_1007], %select_n3A_1004 : memref<512xf32, #tpu.memory_space<vmem>>[vector<16xi32>], vector<16xf32>,
    %eq3A_1008 = arith.constant 4 : i32
    %eq3A_1009 = vector.broadcast %eq3A_1008 : i32 to vector<16xi32>
    %eq3A_1010 = arith.cmpi eq, %select_n3A_847, %eq3A_1009 : vector<16xi32>
    %eq3A_1011 = arith.constant 4 : i32
    %eq3A_1012 = vector.broadcast %eq3A_1011 : i32 to vector<16xi32>
    %eq3A_1013 = arith.cmpi eq, %select_n3A_939, %eq3A_1012 : vector<16xi32>
    %jit3A_1014 = arith.constant 0.000000e+00 : f32
    %broadcast_in_dim3A_1015 = vector.broadcast %jit3A_1014 : f32 to vector<16xf32>
    %select_n3A_1016 = arith.select %eq3A_1013, %div3A_948, %broadcast_in_dim3A_1015 : vector<16xi1>, vector<16xf32>
    %select_n3A_1017 = arith.select %eq3A_1010, %div3A_947, %select_n3A_1016 : vector<16xi1>, vector<16xf32>
    %add3A_1018 = arith.constant 4 : i32
    %add3A_1019 = vector.broadcast %add3A_1018 : i32 to vector<16xi32>
    %add3A_1020 = arith.addi %mul3A_955, %add3A_1019 : vector<16xi32>
    tpu.vector_store_idx %arg5[%add3A_1020], %select_n3A_1017 : memref<512xf32, #tpu.memory_space<vmem>>[vector<16xi32>], vector<16xf32>,
    %eq3A_1021 = arith.constant 5 : i32
    %eq3A_1022 = vector.broadcast %eq3A_1021 : i32 to vector<16xi32>
    %eq3A_1023 = arith.cmpi eq, %select_n3A_847, %eq3A_1022 : vector<16xi32>
    %eq3A_1024 = arith.constant 5 : i32
    %eq3A_1025 = vector.broadcast %eq3A_1024 : i32 to vector<16xi32>
    %eq3A_1026 = arith.cmpi eq, %select_n3A_939, %eq3A_1025 : vector<16xi32>
    %jit3A_1027 = arith.constant 0.000000e+00 : f32
    %broadcast_in_dim3A_1028 = vector.broadcast %jit3A_1027 : f32 to vector<16xf32>
    %select_n3A_1029 = arith.select %eq3A_1026, %div3A_948, %broadcast_in_dim3A_1028 : vector<16xi1>, vector<16xf32>
    %select_n3A_1030 = arith.select %eq3A_1023, %div3A_947, %select_n3A_1029 : vector<16xi1>, vector<16xf32>
    %add3A_1031 = arith.constant 5 : i32
    %add3A_1032 = vector.broadcast %add3A_1031 : i32 to vector<16xi32>
    %add3A_1033 = arith.addi %mul3A_955, %add3A_1032 : vector<16xi32>
    tpu.vector_store_idx %arg5[%add3A_1033], %select_n3A_1030 : memref<512xf32, #tpu.memory_space<vmem>>[vector<16xi32>], vector<16xf32>,
    %eq3A_1034 = arith.constant 6 : i32
    %eq3A_1035 = vector.broadcast %eq3A_1034 : i32 to vector<16xi32>
    %eq3A_1036 = arith.cmpi eq, %select_n3A_847, %eq3A_1035 : vector<16xi32>
    %eq3A_1037 = arith.constant 6 : i32
    %eq3A_1038 = vector.broadcast %eq3A_1037 : i32 to vector<16xi32>
    %eq3A_1039 = arith.cmpi eq, %select_n3A_939, %eq3A_1038 : vector<16xi32>
    %jit3A_1040 = arith.constant 0.000000e+00 : f32
    %broadcast_in_dim3A_1041 = vector.broadcast %jit3A_1040 : f32 to vector<16xf32>
    %select_n3A_1042 = arith.select %eq3A_1039, %div3A_948, %broadcast_in_dim3A_1041 : vector<16xi1>, vector<16xf32>
    %select_n3A_1043 = arith.select %eq3A_1036, %div3A_947, %select_n3A_1042 : vector<16xi1>, vector<16xf32>
    %add3A_1044 = arith.constant 6 : i32
    %add3A_1045 = vector.broadcast %add3A_1044 : i32 to vector<16xi32>
    %add3A_1046 = arith.addi %mul3A_955, %add3A_1045 : vector<16xi32>
    tpu.vector_store_idx %arg5[%add3A_1046], %select_n3A_1043 : memref<512xf32, #tpu.memory_space<vmem>>[vector<16xi32>], vector<16xf32>,
    %eq3A_1047 = arith.constant 7 : i32
    %eq3A_1048 = vector.broadcast %eq3A_1047 : i32 to vector<16xi32>
    %eq3A_1049 = arith.cmpi eq, %select_n3A_847, %eq3A_1048 : vector<16xi32>
    %eq3A_1050 = arith.constant 7 : i32
    %eq3A_1051 = vector.broadcast %eq3A_1050 : i32 to vector<16xi32>
    %eq3A_1052 = arith.cmpi eq, %select_n3A_939, %eq3A_1051 : vector<16xi32>
    %jit3A_1053 = arith.constant 0.000000e+00 : f32
    %broadcast_in_dim3A_1054 = vector.broadcast %jit3A_1053 : f32 to vector<16xf32>
    %select_n3A_1055 = arith.select %eq3A_1052, %div3A_948, %broadcast_in_dim3A_1054 : vector<16xi1>, vector<16xf32>
    %select_n3A_1056 = arith.select %eq3A_1049, %div3A_947, %select_n3A_1055 : vector<16xi1>, vector<16xf32>
    %add3A_1057 = arith.constant 7 : i32
    %add3A_1058 = vector.broadcast %add3A_1057 : i32 to vector<16xi32>
    %add3A_1059 = arith.addi %mul3A_955, %add3A_1058 : vector<16xi32>
    tpu.vector_store_idx %arg5[%add3A_1059], %select_n3A_1056 : memref<512xf32, #tpu.memory_space<vmem>>[vector<16xi32>], vector<16xf32>,
    %mul3A_1060 = arith.constant 8 : i32
    %mul3A_1061 = arith.muli %mul3A_2, %mul3A_1060 : i32
    "tpu.region"() ({
      %run_scoped3A_1062 = tpu.sem_alloc : memref<!tpu.dma_semaphore, #tpu.memory_space<semaphore_mem>>
      %dma_start3A = tpu.memref_slice %arg3[%mul3A_1061] : memref<16384xf32, #tpu.memory_space<hbm>> -> memref<512xf32, #tpu.memory_space<hbm>>
      %dma_start3A_1063 = tpu.memref_slice %arg3[%mul3A_1061] : memref<16384xf32, #tpu.memory_space<hbm>> -> memref<512xf32, #tpu.memory_space<hbm>>
      tpu.enqueue_dma source(%arg5 : memref<512xf32, #tpu.memory_space<vmem>>) target(%dma_start3A_1063 : memref<512xf32, #tpu.memory_space<hbm>>) target_semaphore(%run_scoped3A_1062 : memref<!tpu.dma_semaphore, #tpu.memory_space<semaphore_mem>>)
      %dma_wait3A = tpu.memref_slice %arg3[%mul3A_1061] : memref<16384xf32, #tpu.memory_space<hbm>> -> memref<512xf32, #tpu.memory_space<hbm>>
      %dma_wait3A_1064 = tpu.memref_slice %arg3[%mul3A_1061] : memref<16384xf32, #tpu.memory_space<hbm>> -> memref<512xf32, #tpu.memory_space<hbm>>
      tpu.wait_dma2 semaphore(%run_scoped3A_1062 : memref<!tpu.dma_semaphore, #tpu.memory_space<semaphore_mem>>) src(%arg5 : memref<512xf32, #tpu.memory_space<vmem>>) dst(%dma_wait3A_1064 : memref<512xf32, #tpu.memory_space<hbm>>)
      tpu.yield
    }) : () -> ()
    return
  }
}

module attributes {stable_mosaic.version = 14 : i64} {
  func.func @_moe_kernel(%arg0: i32, %arg1: memref<256x768xf32, #tpu.memory_space<vmem>>, %arg2: memref<256x768xf32, #tpu.memory_space<vmem>>, %arg3: memref<256x768xf32, #tpu.memory_space<vmem>>, %arg4: memref<256x768xf32, #tpu.memory_space<vmem>>, %arg5: memref<256x8xf32, #tpu.memory_space<vmem>>, %arg6: memref<256x8xf32, #tpu.memory_space<vmem>>, %arg7: memref<256x8xf32, #tpu.memory_space<vmem>>, %arg8: memref<256x8xf32, #tpu.memory_space<vmem>>, %arg9: memref<512x768xf32, #tpu.memory_space<vmem>>, %arg10: memref<512x768xf32, #tpu.memory_space<vmem>>, %arg11: memref<1x1024xf32, #tpu.memory_space<vmem>>, %arg12: memref<1024x128xf32, #tpu.memory_space<vmem>>, %arg13: memref<8x128xf32, #tpu.memory_space<vmem>>, %arg14: memref<1024x128xf32, #tpu.memory_space<vmem>>) attributes {dimension_semantics = [#tpu.dimension_semantics<arbitrary>], iteration_bounds = array<i64: 2>, scalar_prefetch = 0 : i64, scratch_operands = 0 : i64, tpu.core_type = #tpu.core_type<tc>, window_params = [{transform_indices = @transform_0, window_bounds = array<i64: 256, 768>}, {transform_indices = @transform_1, window_bounds = array<i64: 256, 768>}, {transform_indices = @transform_2, window_bounds = array<i64: 256, 768>}, {transform_indices = @transform_3, window_bounds = array<i64: 256, 768>}, {transform_indices = @transform_4, window_bounds = array<i64: 256, 8>}, {transform_indices = @transform_5, window_bounds = array<i64: 256, 8>}, {transform_indices = @transform_6, window_bounds = array<i64: 256, 8>}, {transform_indices = @transform_7, window_bounds = array<i64: 256, 8>}, {transform_indices = @transform_8, window_bounds = array<i64: 512, 768>}, {transform_indices = @transform_9, window_bounds = array<i64: 512, 768>}, {pipeline_mode = #tpu.pipeline_mode<synchronous>, transform_indices = @transform_10, window_bounds = array<i64: 1, 1024>}, {pipeline_mode = #tpu.pipeline_mode<synchronous>, transform_indices = @transform_11, window_bounds = array<i64: 1024, 128>}, {pipeline_mode = #tpu.pipeline_mode<synchronous>, transform_indices = @transform_12, window_bounds = array<i64: 8, 128>}, {transform_indices = @transform_13, window_bounds = array<i64: 1024, 128>}]} {
    %get3A = arith.constant 0 : index
    %get3A_0 = arith.constant 0 : index
    %get3A_1 = vector.load %arg9[%get3A, %get3A_0] : memref<512x768xf32, #tpu.memory_space<vmem>>, vector<512x768xf32>
    %get3A_2 = arith.constant 0 : index
    %get3A_3 = arith.constant 0 : index
    %get3A_4 = vector.load %arg10[%get3A_2, %get3A_3] : memref<512x768xf32, #tpu.memory_space<vmem>>, vector<512x768xf32>
    %get3A_5 = arith.constant 0 : index
    %get3A_6 = arith.constant 0 : index
    %get3A_7 = vector.load %arg11[%get3A_5, %get3A_6] : memref<1x1024xf32, #tpu.memory_space<vmem>>, vector<1x1024xf32>
    %get3A_8 = arith.constant 0 : index
    %get3A_9 = arith.constant 0 : index
    %get3A_10 = vector.load %arg12[%get3A_8, %get3A_9] : memref<1024x128xf32, #tpu.memory_space<vmem>>, vector<1024x128xf32>
    %get3A_11 = arith.constant 0 : index
    %get3A_12 = arith.constant 0 : index
    %get3A_13 = vector.load %arg13[%get3A_11, %get3A_12] : memref<8x128xf32, #tpu.memory_space<vmem>>, vector<8x128xf32>
    %get3A_14 = arith.constant 0 : index
    %get3A_15 = arith.constant 0 : index
    %get3A_16 = vector.load %arg1[%get3A_14, %get3A_15] : memref<256x768xf32, #tpu.memory_space<vmem>>, vector<256x768xf32>
    %get3A_17 = arith.constant 0 : index
    %get3A_18 = arith.constant 0 : index
    %get3A_19 = vector.load %arg5[%get3A_17, %get3A_18] : memref<256x8xf32, #tpu.memory_space<vmem>>, vector<256x8xf32>
    %dot_general3A = arith.constant dense<0.000000e+00> : vector<256x512xf32>
    %dot_general3A_20 = tpu.matmul %get3A_16, %get3A_1, %dot_general3A {dimension_numbers = #tpu.dot_dimension_numbers<[1], [1], [0], [0], [0, 0, 1, 0], [], []>, transpose_lhs_hint = false} : vector<256x768xf32>, vector<512x768xf32>, vector<256x512xf32> -> vector<256x512xf32>
    %dot_general3A_21 = arith.constant dense<0.000000e+00> : vector<256x512xf32>
    %dot_general3A_22 = tpu.matmul %get3A_16, %get3A_4, %dot_general3A_21 {dimension_numbers = #tpu.dot_dimension_numbers<[1], [1], [0], [0], [0, 0, 1, 0], [], []>, transpose_lhs_hint = false} : vector<256x768xf32>, vector<512x768xf32>, vector<256x512xf32> -> vector<256x512xf32>
    %concatenate3A = tpu.concatenate %dot_general3A_20, %dot_general3A_22 in 1 : vector<256x512xf32>, vector<256x512xf32> -> vector<256x1024xf32>
    %add3A = vector.broadcast %get3A_7 : vector<1x1024xf32> to vector<256x1024xf32>
    %add3A_23 = arith.addf %concatenate3A, %add3A : vector<256x1024xf32>
    %mul3A = arith.constant 5.000000e-01 : f32
    %mul3A_24 = vector.broadcast %mul3A : f32 to vector<256x1024xf32>
    %mul3A_25 = arith.mulf %mul3A_24, %add3A_23 : vector<256x1024xf32>
    %mul3A_26 = arith.constant 0.707106769 : f32
    %mul3A_27 = vector.broadcast %mul3A_26 : f32 to vector<256x1024xf32>
    %mul3A_28 = arith.mulf %add3A_23, %mul3A_27 : vector<256x1024xf32>
    %erf3A = math.erf %mul3A_28 : vector<256x1024xf32>
    %add3A_29 = arith.constant 1.000000e+00 : f32
    %add3A_30 = vector.broadcast %add3A_29 : f32 to vector<256x1024xf32>
    %add3A_31 = arith.addf %add3A_30, %erf3A : vector<256x1024xf32>
    %mul3A_32 = arith.mulf %mul3A_25, %add3A_31 : vector<256x1024xf32>
    %slice3A = vector.extract_strided_slice %mul3A_32 {offsets = [0, 0], sizes = [256, 128], strides = [1, 1]} : vector<256x1024xf32> to vector<256x128xf32>
    %slice3A_33 = vector.extract_strided_slice %get3A_19 {offsets = [0, 0], sizes = [256, 1], strides = [1, 1]} : vector<256x8xf32> to vector<256x1xf32>
    %mul3A_34 = vector.broadcast %slice3A_33 : vector<256x1xf32> to vector<256x128xf32>
    %mul3A_35 = arith.mulf %slice3A, %mul3A_34 : vector<256x128xf32>
    %slice3A_36 = vector.extract_strided_slice %mul3A_32 {offsets = [0, 128], sizes = [256, 128], strides = [1, 1]} : vector<256x1024xf32> to vector<256x128xf32>
    %slice3A_37 = vector.extract_strided_slice %get3A_19 {offsets = [0, 1], sizes = [256, 1], strides = [1, 1]} : vector<256x8xf32> to vector<256x1xf32>
    %mul3A_38 = vector.broadcast %slice3A_37 : vector<256x1xf32> to vector<256x128xf32>
    %mul3A_39 = arith.mulf %slice3A_36, %mul3A_38 : vector<256x128xf32>
    %slice3A_40 = vector.extract_strided_slice %mul3A_32 {offsets = [0, 256], sizes = [256, 128], strides = [1, 1]} : vector<256x1024xf32> to vector<256x128xf32>
    %slice3A_41 = vector.extract_strided_slice %get3A_19 {offsets = [0, 2], sizes = [256, 1], strides = [1, 1]} : vector<256x8xf32> to vector<256x1xf32>
    %mul3A_42 = vector.broadcast %slice3A_41 : vector<256x1xf32> to vector<256x128xf32>
    %mul3A_43 = arith.mulf %slice3A_40, %mul3A_42 : vector<256x128xf32>
    %slice3A_44 = vector.extract_strided_slice %mul3A_32 {offsets = [0, 384], sizes = [256, 128], strides = [1, 1]} : vector<256x1024xf32> to vector<256x128xf32>
    %slice3A_45 = vector.extract_strided_slice %get3A_19 {offsets = [0, 3], sizes = [256, 1], strides = [1, 1]} : vector<256x8xf32> to vector<256x1xf32>
    %mul3A_46 = vector.broadcast %slice3A_45 : vector<256x1xf32> to vector<256x128xf32>
    %mul3A_47 = arith.mulf %slice3A_44, %mul3A_46 : vector<256x128xf32>
    %slice3A_48 = vector.extract_strided_slice %mul3A_32 {offsets = [0, 512], sizes = [256, 128], strides = [1, 1]} : vector<256x1024xf32> to vector<256x128xf32>
    %slice3A_49 = vector.extract_strided_slice %get3A_19 {offsets = [0, 4], sizes = [256, 1], strides = [1, 1]} : vector<256x8xf32> to vector<256x1xf32>
    %mul3A_50 = vector.broadcast %slice3A_49 : vector<256x1xf32> to vector<256x128xf32>
    %mul3A_51 = arith.mulf %slice3A_48, %mul3A_50 : vector<256x128xf32>
    %slice3A_52 = vector.extract_strided_slice %mul3A_32 {offsets = [0, 640], sizes = [256, 128], strides = [1, 1]} : vector<256x1024xf32> to vector<256x128xf32>
    %slice3A_53 = vector.extract_strided_slice %get3A_19 {offsets = [0, 5], sizes = [256, 1], strides = [1, 1]} : vector<256x8xf32> to vector<256x1xf32>
    %mul3A_54 = vector.broadcast %slice3A_53 : vector<256x1xf32> to vector<256x128xf32>
    %mul3A_55 = arith.mulf %slice3A_52, %mul3A_54 : vector<256x128xf32>
    %slice3A_56 = vector.extract_strided_slice %mul3A_32 {offsets = [0, 768], sizes = [256, 128], strides = [1, 1]} : vector<256x1024xf32> to vector<256x128xf32>
    %slice3A_57 = vector.extract_strided_slice %get3A_19 {offsets = [0, 6], sizes = [256, 1], strides = [1, 1]} : vector<256x8xf32> to vector<256x1xf32>
    %mul3A_58 = vector.broadcast %slice3A_57 : vector<256x1xf32> to vector<256x128xf32>
    %mul3A_59 = arith.mulf %slice3A_56, %mul3A_58 : vector<256x128xf32>
    %slice3A_60 = vector.extract_strided_slice %mul3A_32 {offsets = [0, 896], sizes = [256, 128], strides = [1, 1]} : vector<256x1024xf32> to vector<256x128xf32>
    %slice3A_61 = vector.extract_strided_slice %get3A_19 {offsets = [0, 7], sizes = [256, 1], strides = [1, 1]} : vector<256x8xf32> to vector<256x1xf32>
    %mul3A_62 = vector.broadcast %slice3A_61 : vector<256x1xf32> to vector<256x128xf32>
    %mul3A_63 = arith.mulf %slice3A_60, %mul3A_62 : vector<256x128xf32>
    %concatenate3A_64 = tpu.concatenate %mul3A_35, %mul3A_39, %mul3A_43, %mul3A_47, %mul3A_51, %mul3A_55, %mul3A_59, %mul3A_63 in 1 : vector<256x128xf32>, vector<256x128xf32>, vector<256x128xf32>, vector<256x128xf32>, vector<256x128xf32>, vector<256x128xf32>, vector<256x128xf32>, vector<256x128xf32> -> vector<256x1024xf32>
    %dot_general3A_65 = arith.constant dense<0.000000e+00> : vector<256x128xf32>
    %dot_general3A_66 = tpu.matmul %concatenate3A_64, %get3A_10, %dot_general3A_65 {dimension_numbers = #tpu.dot_dimension_numbers<[1], [0], [0], [1], [0, 0, 1, 1], [], []>, transpose_lhs_hint = false} : vector<256x1024xf32>, vector<1024x128xf32>, vector<256x128xf32> -> vector<256x128xf32>
    %dot_general3A_67 = arith.constant dense<0.000000e+00> : vector<256x128xf32>
    %dot_general3A_68 = tpu.matmul %get3A_19, %get3A_13, %dot_general3A_67 {dimension_numbers = #tpu.dot_dimension_numbers<[1], [0], [0], [1], [0, 0, 1, 1], [], []>, transpose_lhs_hint = false} : vector<256x8xf32>, vector<8x128xf32>, vector<256x128xf32> -> vector<256x128xf32>
    %add3A_69 = arith.addf %dot_general3A_66, %dot_general3A_68 : vector<256x128xf32>
    %swap3A = arith.constant 0 : index
    %swap3A_70 = arith.constant 0 : index
    %swap3A_71 = vector.load %arg14[%swap3A, %swap3A_70] : memref<1024x128xf32, #tpu.memory_space<vmem>>, vector<256x128xf32>
    tpu.vector_store %arg14[%swap3A, %swap3A_70], %add3A_69 {strides = array<i32>} : memref<1024x128xf32, #tpu.memory_space<vmem>>, vector<256x128xf32>,
    %get3A_72 = arith.constant 0 : index
    %get3A_73 = arith.constant 0 : index
    %get3A_74 = vector.load %arg2[%get3A_72, %get3A_73] : memref<256x768xf32, #tpu.memory_space<vmem>>, vector<256x768xf32>
    %get3A_75 = arith.constant 0 : index
    %get3A_76 = arith.constant 0 : index
    %get3A_77 = vector.load %arg6[%get3A_75, %get3A_76] : memref<256x8xf32, #tpu.memory_space<vmem>>, vector<256x8xf32>
    %dot_general3A_78 = arith.constant dense<0.000000e+00> : vector<256x512xf32>
    %dot_general3A_79 = tpu.matmul %get3A_74, %get3A_1, %dot_general3A_78 {dimension_numbers = #tpu.dot_dimension_numbers<[1], [1], [0], [0], [0, 0, 1, 0], [], []>, transpose_lhs_hint = false} : vector<256x768xf32>, vector<512x768xf32>, vector<256x512xf32> -> vector<256x512xf32>
    %dot_general3A_80 = arith.constant dense<0.000000e+00> : vector<256x512xf32>
    %dot_general3A_81 = tpu.matmul %get3A_74, %get3A_4, %dot_general3A_80 {dimension_numbers = #tpu.dot_dimension_numbers<[1], [1], [0], [0], [0, 0, 1, 0], [], []>, transpose_lhs_hint = false} : vector<256x768xf32>, vector<512x768xf32>, vector<256x512xf32> -> vector<256x512xf32>
    %concatenate3A_82 = tpu.concatenate %dot_general3A_79, %dot_general3A_81 in 1 : vector<256x512xf32>, vector<256x512xf32> -> vector<256x1024xf32>
    %add3A_83 = vector.broadcast %get3A_7 : vector<1x1024xf32> to vector<256x1024xf32>
    %add3A_84 = arith.addf %concatenate3A_82, %add3A_83 : vector<256x1024xf32>
    %mul3A_85 = arith.constant 5.000000e-01 : f32
    %mul3A_86 = vector.broadcast %mul3A_85 : f32 to vector<256x1024xf32>
    %mul3A_87 = arith.mulf %mul3A_86, %add3A_84 : vector<256x1024xf32>
    %mul3A_88 = arith.constant 0.707106769 : f32
    %mul3A_89 = vector.broadcast %mul3A_88 : f32 to vector<256x1024xf32>
    %mul3A_90 = arith.mulf %add3A_84, %mul3A_89 : vector<256x1024xf32>
    %erf3A_91 = math.erf %mul3A_90 : vector<256x1024xf32>
    %add3A_92 = arith.constant 1.000000e+00 : f32
    %add3A_93 = vector.broadcast %add3A_92 : f32 to vector<256x1024xf32>
    %add3A_94 = arith.addf %add3A_93, %erf3A_91 : vector<256x1024xf32>
    %mul3A_95 = arith.mulf %mul3A_87, %add3A_94 : vector<256x1024xf32>
    %slice3A_96 = vector.extract_strided_slice %mul3A_95 {offsets = [0, 0], sizes = [256, 128], strides = [1, 1]} : vector<256x1024xf32> to vector<256x128xf32>
    %slice3A_97 = vector.extract_strided_slice %get3A_77 {offsets = [0, 0], sizes = [256, 1], strides = [1, 1]} : vector<256x8xf32> to vector<256x1xf32>
    %mul3A_98 = vector.broadcast %slice3A_97 : vector<256x1xf32> to vector<256x128xf32>
    %mul3A_99 = arith.mulf %slice3A_96, %mul3A_98 : vector<256x128xf32>
    %slice3A_100 = vector.extract_strided_slice %mul3A_95 {offsets = [0, 128], sizes = [256, 128], strides = [1, 1]} : vector<256x1024xf32> to vector<256x128xf32>
    %slice3A_101 = vector.extract_strided_slice %get3A_77 {offsets = [0, 1], sizes = [256, 1], strides = [1, 1]} : vector<256x8xf32> to vector<256x1xf32>
    %mul3A_102 = vector.broadcast %slice3A_101 : vector<256x1xf32> to vector<256x128xf32>
    %mul3A_103 = arith.mulf %slice3A_100, %mul3A_102 : vector<256x128xf32>
    %slice3A_104 = vector.extract_strided_slice %mul3A_95 {offsets = [0, 256], sizes = [256, 128], strides = [1, 1]} : vector<256x1024xf32> to vector<256x128xf32>
    %slice3A_105 = vector.extract_strided_slice %get3A_77 {offsets = [0, 2], sizes = [256, 1], strides = [1, 1]} : vector<256x8xf32> to vector<256x1xf32>
    %mul3A_106 = vector.broadcast %slice3A_105 : vector<256x1xf32> to vector<256x128xf32>
    %mul3A_107 = arith.mulf %slice3A_104, %mul3A_106 : vector<256x128xf32>
    %slice3A_108 = vector.extract_strided_slice %mul3A_95 {offsets = [0, 384], sizes = [256, 128], strides = [1, 1]} : vector<256x1024xf32> to vector<256x128xf32>
    %slice3A_109 = vector.extract_strided_slice %get3A_77 {offsets = [0, 3], sizes = [256, 1], strides = [1, 1]} : vector<256x8xf32> to vector<256x1xf32>
    %mul3A_110 = vector.broadcast %slice3A_109 : vector<256x1xf32> to vector<256x128xf32>
    %mul3A_111 = arith.mulf %slice3A_108, %mul3A_110 : vector<256x128xf32>
    %slice3A_112 = vector.extract_strided_slice %mul3A_95 {offsets = [0, 512], sizes = [256, 128], strides = [1, 1]} : vector<256x1024xf32> to vector<256x128xf32>
    %slice3A_113 = vector.extract_strided_slice %get3A_77 {offsets = [0, 4], sizes = [256, 1], strides = [1, 1]} : vector<256x8xf32> to vector<256x1xf32>
    %mul3A_114 = vector.broadcast %slice3A_113 : vector<256x1xf32> to vector<256x128xf32>
    %mul3A_115 = arith.mulf %slice3A_112, %mul3A_114 : vector<256x128xf32>
    %slice3A_116 = vector.extract_strided_slice %mul3A_95 {offsets = [0, 640], sizes = [256, 128], strides = [1, 1]} : vector<256x1024xf32> to vector<256x128xf32>
    %slice3A_117 = vector.extract_strided_slice %get3A_77 {offsets = [0, 5], sizes = [256, 1], strides = [1, 1]} : vector<256x8xf32> to vector<256x1xf32>
    %mul3A_118 = vector.broadcast %slice3A_117 : vector<256x1xf32> to vector<256x128xf32>
    %mul3A_119 = arith.mulf %slice3A_116, %mul3A_118 : vector<256x128xf32>
    %slice3A_120 = vector.extract_strided_slice %mul3A_95 {offsets = [0, 768], sizes = [256, 128], strides = [1, 1]} : vector<256x1024xf32> to vector<256x128xf32>
    %slice3A_121 = vector.extract_strided_slice %get3A_77 {offsets = [0, 6], sizes = [256, 1], strides = [1, 1]} : vector<256x8xf32> to vector<256x1xf32>
    %mul3A_122 = vector.broadcast %slice3A_121 : vector<256x1xf32> to vector<256x128xf32>
    %mul3A_123 = arith.mulf %slice3A_120, %mul3A_122 : vector<256x128xf32>
    %slice3A_124 = vector.extract_strided_slice %mul3A_95 {offsets = [0, 896], sizes = [256, 128], strides = [1, 1]} : vector<256x1024xf32> to vector<256x128xf32>
    %slice3A_125 = vector.extract_strided_slice %get3A_77 {offsets = [0, 7], sizes = [256, 1], strides = [1, 1]} : vector<256x8xf32> to vector<256x1xf32>
    %mul3A_126 = vector.broadcast %slice3A_125 : vector<256x1xf32> to vector<256x128xf32>
    %mul3A_127 = arith.mulf %slice3A_124, %mul3A_126 : vector<256x128xf32>
    %concatenate3A_128 = tpu.concatenate %mul3A_99, %mul3A_103, %mul3A_107, %mul3A_111, %mul3A_115, %mul3A_119, %mul3A_123, %mul3A_127 in 1 : vector<256x128xf32>, vector<256x128xf32>, vector<256x128xf32>, vector<256x128xf32>, vector<256x128xf32>, vector<256x128xf32>, vector<256x128xf32>, vector<256x128xf32> -> vector<256x1024xf32>
    %dot_general3A_129 = arith.constant dense<0.000000e+00> : vector<256x128xf32>
    %dot_general3A_130 = tpu.matmul %concatenate3A_128, %get3A_10, %dot_general3A_129 {dimension_numbers = #tpu.dot_dimension_numbers<[1], [0], [0], [1], [0, 0, 1, 1], [], []>, transpose_lhs_hint = false} : vector<256x1024xf32>, vector<1024x128xf32>, vector<256x128xf32> -> vector<256x128xf32>
    %dot_general3A_131 = arith.constant dense<0.000000e+00> : vector<256x128xf32>
    %dot_general3A_132 = tpu.matmul %get3A_77, %get3A_13, %dot_general3A_131 {dimension_numbers = #tpu.dot_dimension_numbers<[1], [0], [0], [1], [0, 0, 1, 1], [], []>, transpose_lhs_hint = false} : vector<256x8xf32>, vector<8x128xf32>, vector<256x128xf32> -> vector<256x128xf32>
    %add3A_133 = arith.addf %dot_general3A_130, %dot_general3A_132 : vector<256x128xf32>
    %swap3A_134 = arith.constant 256 : index
    %swap3A_135 = arith.constant 0 : index
    %swap3A_136 = vector.load %arg14[%swap3A_134, %swap3A_135] : memref<1024x128xf32, #tpu.memory_space<vmem>>, vector<256x128xf32>
    tpu.vector_store %arg14[%swap3A_134, %swap3A_135], %add3A_133 {strides = array<i32>} : memref<1024x128xf32, #tpu.memory_space<vmem>>, vector<256x128xf32>,
    %get3A_137 = arith.constant 0 : index
    %get3A_138 = arith.constant 0 : index
    %get3A_139 = vector.load %arg3[%get3A_137, %get3A_138] : memref<256x768xf32, #tpu.memory_space<vmem>>, vector<256x768xf32>
    %get3A_140 = arith.constant 0 : index
    %get3A_141 = arith.constant 0 : index
    %get3A_142 = vector.load %arg7[%get3A_140, %get3A_141] : memref<256x8xf32, #tpu.memory_space<vmem>>, vector<256x8xf32>
    %dot_general3A_143 = arith.constant dense<0.000000e+00> : vector<256x512xf32>
    %dot_general3A_144 = tpu.matmul %get3A_139, %get3A_1, %dot_general3A_143 {dimension_numbers = #tpu.dot_dimension_numbers<[1], [1], [0], [0], [0, 0, 1, 0], [], []>, transpose_lhs_hint = false} : vector<256x768xf32>, vector<512x768xf32>, vector<256x512xf32> -> vector<256x512xf32>
    %dot_general3A_145 = arith.constant dense<0.000000e+00> : vector<256x512xf32>
    %dot_general3A_146 = tpu.matmul %get3A_139, %get3A_4, %dot_general3A_145 {dimension_numbers = #tpu.dot_dimension_numbers<[1], [1], [0], [0], [0, 0, 1, 0], [], []>, transpose_lhs_hint = false} : vector<256x768xf32>, vector<512x768xf32>, vector<256x512xf32> -> vector<256x512xf32>
    %concatenate3A_147 = tpu.concatenate %dot_general3A_144, %dot_general3A_146 in 1 : vector<256x512xf32>, vector<256x512xf32> -> vector<256x1024xf32>
    %add3A_148 = vector.broadcast %get3A_7 : vector<1x1024xf32> to vector<256x1024xf32>
    %add3A_149 = arith.addf %concatenate3A_147, %add3A_148 : vector<256x1024xf32>
    %mul3A_150 = arith.constant 5.000000e-01 : f32
    %mul3A_151 = vector.broadcast %mul3A_150 : f32 to vector<256x1024xf32>
    %mul3A_152 = arith.mulf %mul3A_151, %add3A_149 : vector<256x1024xf32>
    %mul3A_153 = arith.constant 0.707106769 : f32
    %mul3A_154 = vector.broadcast %mul3A_153 : f32 to vector<256x1024xf32>
    %mul3A_155 = arith.mulf %add3A_149, %mul3A_154 : vector<256x1024xf32>
    %erf3A_156 = math.erf %mul3A_155 : vector<256x1024xf32>
    %add3A_157 = arith.constant 1.000000e+00 : f32
    %add3A_158 = vector.broadcast %add3A_157 : f32 to vector<256x1024xf32>
    %add3A_159 = arith.addf %add3A_158, %erf3A_156 : vector<256x1024xf32>
    %mul3A_160 = arith.mulf %mul3A_152, %add3A_159 : vector<256x1024xf32>
    %slice3A_161 = vector.extract_strided_slice %mul3A_160 {offsets = [0, 0], sizes = [256, 128], strides = [1, 1]} : vector<256x1024xf32> to vector<256x128xf32>
    %slice3A_162 = vector.extract_strided_slice %get3A_142 {offsets = [0, 0], sizes = [256, 1], strides = [1, 1]} : vector<256x8xf32> to vector<256x1xf32>
    %mul3A_163 = vector.broadcast %slice3A_162 : vector<256x1xf32> to vector<256x128xf32>
    %mul3A_164 = arith.mulf %slice3A_161, %mul3A_163 : vector<256x128xf32>
    %slice3A_165 = vector.extract_strided_slice %mul3A_160 {offsets = [0, 128], sizes = [256, 128], strides = [1, 1]} : vector<256x1024xf32> to vector<256x128xf32>
    %slice3A_166 = vector.extract_strided_slice %get3A_142 {offsets = [0, 1], sizes = [256, 1], strides = [1, 1]} : vector<256x8xf32> to vector<256x1xf32>
    %mul3A_167 = vector.broadcast %slice3A_166 : vector<256x1xf32> to vector<256x128xf32>
    %mul3A_168 = arith.mulf %slice3A_165, %mul3A_167 : vector<256x128xf32>
    %slice3A_169 = vector.extract_strided_slice %mul3A_160 {offsets = [0, 256], sizes = [256, 128], strides = [1, 1]} : vector<256x1024xf32> to vector<256x128xf32>
    %slice3A_170 = vector.extract_strided_slice %get3A_142 {offsets = [0, 2], sizes = [256, 1], strides = [1, 1]} : vector<256x8xf32> to vector<256x1xf32>
    %mul3A_171 = vector.broadcast %slice3A_170 : vector<256x1xf32> to vector<256x128xf32>
    %mul3A_172 = arith.mulf %slice3A_169, %mul3A_171 : vector<256x128xf32>
    %slice3A_173 = vector.extract_strided_slice %mul3A_160 {offsets = [0, 384], sizes = [256, 128], strides = [1, 1]} : vector<256x1024xf32> to vector<256x128xf32>
    %slice3A_174 = vector.extract_strided_slice %get3A_142 {offsets = [0, 3], sizes = [256, 1], strides = [1, 1]} : vector<256x8xf32> to vector<256x1xf32>
    %mul3A_175 = vector.broadcast %slice3A_174 : vector<256x1xf32> to vector<256x128xf32>
    %mul3A_176 = arith.mulf %slice3A_173, %mul3A_175 : vector<256x128xf32>
    %slice3A_177 = vector.extract_strided_slice %mul3A_160 {offsets = [0, 512], sizes = [256, 128], strides = [1, 1]} : vector<256x1024xf32> to vector<256x128xf32>
    %slice3A_178 = vector.extract_strided_slice %get3A_142 {offsets = [0, 4], sizes = [256, 1], strides = [1, 1]} : vector<256x8xf32> to vector<256x1xf32>
    %mul3A_179 = vector.broadcast %slice3A_178 : vector<256x1xf32> to vector<256x128xf32>
    %mul3A_180 = arith.mulf %slice3A_177, %mul3A_179 : vector<256x128xf32>
    %slice3A_181 = vector.extract_strided_slice %mul3A_160 {offsets = [0, 640], sizes = [256, 128], strides = [1, 1]} : vector<256x1024xf32> to vector<256x128xf32>
    %slice3A_182 = vector.extract_strided_slice %get3A_142 {offsets = [0, 5], sizes = [256, 1], strides = [1, 1]} : vector<256x8xf32> to vector<256x1xf32>
    %mul3A_183 = vector.broadcast %slice3A_182 : vector<256x1xf32> to vector<256x128xf32>
    %mul3A_184 = arith.mulf %slice3A_181, %mul3A_183 : vector<256x128xf32>
    %slice3A_185 = vector.extract_strided_slice %mul3A_160 {offsets = [0, 768], sizes = [256, 128], strides = [1, 1]} : vector<256x1024xf32> to vector<256x128xf32>
    %slice3A_186 = vector.extract_strided_slice %get3A_142 {offsets = [0, 6], sizes = [256, 1], strides = [1, 1]} : vector<256x8xf32> to vector<256x1xf32>
    %mul3A_187 = vector.broadcast %slice3A_186 : vector<256x1xf32> to vector<256x128xf32>
    %mul3A_188 = arith.mulf %slice3A_185, %mul3A_187 : vector<256x128xf32>
    %slice3A_189 = vector.extract_strided_slice %mul3A_160 {offsets = [0, 896], sizes = [256, 128], strides = [1, 1]} : vector<256x1024xf32> to vector<256x128xf32>
    %slice3A_190 = vector.extract_strided_slice %get3A_142 {offsets = [0, 7], sizes = [256, 1], strides = [1, 1]} : vector<256x8xf32> to vector<256x1xf32>
    %mul3A_191 = vector.broadcast %slice3A_190 : vector<256x1xf32> to vector<256x128xf32>
    %mul3A_192 = arith.mulf %slice3A_189, %mul3A_191 : vector<256x128xf32>
    %concatenate3A_193 = tpu.concatenate %mul3A_164, %mul3A_168, %mul3A_172, %mul3A_176, %mul3A_180, %mul3A_184, %mul3A_188, %mul3A_192 in 1 : vector<256x128xf32>, vector<256x128xf32>, vector<256x128xf32>, vector<256x128xf32>, vector<256x128xf32>, vector<256x128xf32>, vector<256x128xf32>, vector<256x128xf32> -> vector<256x1024xf32>
    %dot_general3A_194 = arith.constant dense<0.000000e+00> : vector<256x128xf32>
    %dot_general3A_195 = tpu.matmul %concatenate3A_193, %get3A_10, %dot_general3A_194 {dimension_numbers = #tpu.dot_dimension_numbers<[1], [0], [0], [1], [0, 0, 1, 1], [], []>, transpose_lhs_hint = false} : vector<256x1024xf32>, vector<1024x128xf32>, vector<256x128xf32> -> vector<256x128xf32>
    %dot_general3A_196 = arith.constant dense<0.000000e+00> : vector<256x128xf32>
    %dot_general3A_197 = tpu.matmul %get3A_142, %get3A_13, %dot_general3A_196 {dimension_numbers = #tpu.dot_dimension_numbers<[1], [0], [0], [1], [0, 0, 1, 1], [], []>, transpose_lhs_hint = false} : vector<256x8xf32>, vector<8x128xf32>, vector<256x128xf32> -> vector<256x128xf32>
    %add3A_198 = arith.addf %dot_general3A_195, %dot_general3A_197 : vector<256x128xf32>
    %swap3A_199 = arith.constant 512 : index
    %swap3A_200 = arith.constant 0 : index
    %swap3A_201 = vector.load %arg14[%swap3A_199, %swap3A_200] : memref<1024x128xf32, #tpu.memory_space<vmem>>, vector<256x128xf32>
    tpu.vector_store %arg14[%swap3A_199, %swap3A_200], %add3A_198 {strides = array<i32>} : memref<1024x128xf32, #tpu.memory_space<vmem>>, vector<256x128xf32>,
    %get3A_202 = arith.constant 0 : index
    %get3A_203 = arith.constant 0 : index
    %get3A_204 = vector.load %arg4[%get3A_202, %get3A_203] : memref<256x768xf32, #tpu.memory_space<vmem>>, vector<256x768xf32>
    %get3A_205 = arith.constant 0 : index
    %get3A_206 = arith.constant 0 : index
    %get3A_207 = vector.load %arg8[%get3A_205, %get3A_206] : memref<256x8xf32, #tpu.memory_space<vmem>>, vector<256x8xf32>
    %dot_general3A_208 = arith.constant dense<0.000000e+00> : vector<256x512xf32>
    %dot_general3A_209 = tpu.matmul %get3A_204, %get3A_1, %dot_general3A_208 {dimension_numbers = #tpu.dot_dimension_numbers<[1], [1], [0], [0], [0, 0, 1, 0], [], []>, transpose_lhs_hint = false} : vector<256x768xf32>, vector<512x768xf32>, vector<256x512xf32> -> vector<256x512xf32>
    %dot_general3A_210 = arith.constant dense<0.000000e+00> : vector<256x512xf32>
    %dot_general3A_211 = tpu.matmul %get3A_204, %get3A_4, %dot_general3A_210 {dimension_numbers = #tpu.dot_dimension_numbers<[1], [1], [0], [0], [0, 0, 1, 0], [], []>, transpose_lhs_hint = false} : vector<256x768xf32>, vector<512x768xf32>, vector<256x512xf32> -> vector<256x512xf32>
    %concatenate3A_212 = tpu.concatenate %dot_general3A_209, %dot_general3A_211 in 1 : vector<256x512xf32>, vector<256x512xf32> -> vector<256x1024xf32>
    %add3A_213 = vector.broadcast %get3A_7 : vector<1x1024xf32> to vector<256x1024xf32>
    %add3A_214 = arith.addf %concatenate3A_212, %add3A_213 : vector<256x1024xf32>
    %mul3A_215 = arith.constant 5.000000e-01 : f32
    %mul3A_216 = vector.broadcast %mul3A_215 : f32 to vector<256x1024xf32>
    %mul3A_217 = arith.mulf %mul3A_216, %add3A_214 : vector<256x1024xf32>
    %mul3A_218 = arith.constant 0.707106769 : f32
    %mul3A_219 = vector.broadcast %mul3A_218 : f32 to vector<256x1024xf32>
    %mul3A_220 = arith.mulf %add3A_214, %mul3A_219 : vector<256x1024xf32>
    %erf3A_221 = math.erf %mul3A_220 : vector<256x1024xf32>
    %add3A_222 = arith.constant 1.000000e+00 : f32
    %add3A_223 = vector.broadcast %add3A_222 : f32 to vector<256x1024xf32>
    %add3A_224 = arith.addf %add3A_223, %erf3A_221 : vector<256x1024xf32>
    %mul3A_225 = arith.mulf %mul3A_217, %add3A_224 : vector<256x1024xf32>
    %slice3A_226 = vector.extract_strided_slice %mul3A_225 {offsets = [0, 0], sizes = [256, 128], strides = [1, 1]} : vector<256x1024xf32> to vector<256x128xf32>
    %slice3A_227 = vector.extract_strided_slice %get3A_207 {offsets = [0, 0], sizes = [256, 1], strides = [1, 1]} : vector<256x8xf32> to vector<256x1xf32>
    %mul3A_228 = vector.broadcast %slice3A_227 : vector<256x1xf32> to vector<256x128xf32>
    %mul3A_229 = arith.mulf %slice3A_226, %mul3A_228 : vector<256x128xf32>
    %slice3A_230 = vector.extract_strided_slice %mul3A_225 {offsets = [0, 128], sizes = [256, 128], strides = [1, 1]} : vector<256x1024xf32> to vector<256x128xf32>
    %slice3A_231 = vector.extract_strided_slice %get3A_207 {offsets = [0, 1], sizes = [256, 1], strides = [1, 1]} : vector<256x8xf32> to vector<256x1xf32>
    %mul3A_232 = vector.broadcast %slice3A_231 : vector<256x1xf32> to vector<256x128xf32>
    %mul3A_233 = arith.mulf %slice3A_230, %mul3A_232 : vector<256x128xf32>
    %slice3A_234 = vector.extract_strided_slice %mul3A_225 {offsets = [0, 256], sizes = [256, 128], strides = [1, 1]} : vector<256x1024xf32> to vector<256x128xf32>
    %slice3A_235 = vector.extract_strided_slice %get3A_207 {offsets = [0, 2], sizes = [256, 1], strides = [1, 1]} : vector<256x8xf32> to vector<256x1xf32>
    %mul3A_236 = vector.broadcast %slice3A_235 : vector<256x1xf32> to vector<256x128xf32>
    %mul3A_237 = arith.mulf %slice3A_234, %mul3A_236 : vector<256x128xf32>
    %slice3A_238 = vector.extract_strided_slice %mul3A_225 {offsets = [0, 384], sizes = [256, 128], strides = [1, 1]} : vector<256x1024xf32> to vector<256x128xf32>
    %slice3A_239 = vector.extract_strided_slice %get3A_207 {offsets = [0, 3], sizes = [256, 1], strides = [1, 1]} : vector<256x8xf32> to vector<256x1xf32>
    %mul3A_240 = vector.broadcast %slice3A_239 : vector<256x1xf32> to vector<256x128xf32>
    %mul3A_241 = arith.mulf %slice3A_238, %mul3A_240 : vector<256x128xf32>
    %slice3A_242 = vector.extract_strided_slice %mul3A_225 {offsets = [0, 512], sizes = [256, 128], strides = [1, 1]} : vector<256x1024xf32> to vector<256x128xf32>
    %slice3A_243 = vector.extract_strided_slice %get3A_207 {offsets = [0, 4], sizes = [256, 1], strides = [1, 1]} : vector<256x8xf32> to vector<256x1xf32>
    %mul3A_244 = vector.broadcast %slice3A_243 : vector<256x1xf32> to vector<256x128xf32>
    %mul3A_245 = arith.mulf %slice3A_242, %mul3A_244 : vector<256x128xf32>
    %slice3A_246 = vector.extract_strided_slice %mul3A_225 {offsets = [0, 640], sizes = [256, 128], strides = [1, 1]} : vector<256x1024xf32> to vector<256x128xf32>
    %slice3A_247 = vector.extract_strided_slice %get3A_207 {offsets = [0, 5], sizes = [256, 1], strides = [1, 1]} : vector<256x8xf32> to vector<256x1xf32>
    %mul3A_248 = vector.broadcast %slice3A_247 : vector<256x1xf32> to vector<256x128xf32>
    %mul3A_249 = arith.mulf %slice3A_246, %mul3A_248 : vector<256x128xf32>
    %slice3A_250 = vector.extract_strided_slice %mul3A_225 {offsets = [0, 768], sizes = [256, 128], strides = [1, 1]} : vector<256x1024xf32> to vector<256x128xf32>
    %slice3A_251 = vector.extract_strided_slice %get3A_207 {offsets = [0, 6], sizes = [256, 1], strides = [1, 1]} : vector<256x8xf32> to vector<256x1xf32>
    %mul3A_252 = vector.broadcast %slice3A_251 : vector<256x1xf32> to vector<256x128xf32>
    %mul3A_253 = arith.mulf %slice3A_250, %mul3A_252 : vector<256x128xf32>
    %slice3A_254 = vector.extract_strided_slice %mul3A_225 {offsets = [0, 896], sizes = [256, 128], strides = [1, 1]} : vector<256x1024xf32> to vector<256x128xf32>
    %slice3A_255 = vector.extract_strided_slice %get3A_207 {offsets = [0, 7], sizes = [256, 1], strides = [1, 1]} : vector<256x8xf32> to vector<256x1xf32>
    %mul3A_256 = vector.broadcast %slice3A_255 : vector<256x1xf32> to vector<256x128xf32>
    %mul3A_257 = arith.mulf %slice3A_254, %mul3A_256 : vector<256x128xf32>
    %concatenate3A_258 = tpu.concatenate %mul3A_229, %mul3A_233, %mul3A_237, %mul3A_241, %mul3A_245, %mul3A_249, %mul3A_253, %mul3A_257 in 1 : vector<256x128xf32>, vector<256x128xf32>, vector<256x128xf32>, vector<256x128xf32>, vector<256x128xf32>, vector<256x128xf32>, vector<256x128xf32>, vector<256x128xf32> -> vector<256x1024xf32>
    %dot_general3A_259 = arith.constant dense<0.000000e+00> : vector<256x128xf32>
    %dot_general3A_260 = tpu.matmul %concatenate3A_258, %get3A_10, %dot_general3A_259 {dimension_numbers = #tpu.dot_dimension_numbers<[1], [0], [0], [1], [0, 0, 1, 1], [], []>, transpose_lhs_hint = false} : vector<256x1024xf32>, vector<1024x128xf32>, vector<256x128xf32> -> vector<256x128xf32>
    %dot_general3A_261 = arith.constant dense<0.000000e+00> : vector<256x128xf32>
    %dot_general3A_262 = tpu.matmul %get3A_207, %get3A_13, %dot_general3A_261 {dimension_numbers = #tpu.dot_dimension_numbers<[1], [0], [0], [1], [0, 0, 1, 1], [], []>, transpose_lhs_hint = false} : vector<256x8xf32>, vector<8x128xf32>, vector<256x128xf32> -> vector<256x128xf32>
    %add3A_263 = arith.addf %dot_general3A_260, %dot_general3A_262 : vector<256x128xf32>
    %swap3A_264 = arith.constant 768 : index
    %swap3A_265 = arith.constant 0 : index
    %swap3A_266 = vector.load %arg14[%swap3A_264, %swap3A_265] : memref<1024x128xf32, #tpu.memory_space<vmem>>, vector<256x128xf32>
    tpu.vector_store %arg14[%swap3A_264, %swap3A_265], %add3A_263 {strides = array<i32>} : memref<1024x128xf32, #tpu.memory_space<vmem>>, vector<256x128xf32>,
    return
  }
  func.func @transform_0(%arg0: i32) -> (i32, i32) {
    %mul3A = arith.constant 4 : i32
    %mul3A_0 = arith.muli %mul3A, %arg0 : i32
    %add3A = arith.constant 0 : i32
    %add3A_1 = arith.addi %mul3A_0, %add3A : i32
    %c0_i32 = arith.constant 0 : i32
    %c0_i32_2 = arith.constant 0 : i32
    return %add3A_1, %c0_i32 : i32, i32
  }
  func.func @transform_1(%arg0: i32) -> (i32, i32) {
    %mul3A = arith.constant 4 : i32
    %mul3A_0 = arith.muli %mul3A, %arg0 : i32
    %add3A = arith.constant 1 : i32
    %add3A_1 = arith.addi %mul3A_0, %add3A : i32
    %c0_i32 = arith.constant 0 : i32
    %c0_i32_2 = arith.constant 0 : i32
    return %add3A_1, %c0_i32 : i32, i32
  }
  func.func @transform_2(%arg0: i32) -> (i32, i32) {
    %mul3A = arith.constant 4 : i32
    %mul3A_0 = arith.muli %mul3A, %arg0 : i32
    %add3A = arith.constant 2 : i32
    %add3A_1 = arith.addi %mul3A_0, %add3A : i32
    %c0_i32 = arith.constant 0 : i32
    %c0_i32_2 = arith.constant 0 : i32
    return %add3A_1, %c0_i32 : i32, i32
  }
  func.func @transform_3(%arg0: i32) -> (i32, i32) {
    %mul3A = arith.constant 4 : i32
    %mul3A_0 = arith.muli %mul3A, %arg0 : i32
    %add3A = arith.constant 3 : i32
    %add3A_1 = arith.addi %mul3A_0, %add3A : i32
    %c0_i32 = arith.constant 0 : i32
    %c0_i32_2 = arith.constant 0 : i32
    return %add3A_1, %c0_i32 : i32, i32
  }
  func.func @transform_4(%arg0: i32) -> (i32, i32) {
    %mul3A = arith.constant 4 : i32
    %mul3A_0 = arith.muli %mul3A, %arg0 : i32
    %add3A = arith.constant 0 : i32
    %add3A_1 = arith.addi %mul3A_0, %add3A : i32
    %c0_i32 = arith.constant 0 : i32
    %c0_i32_2 = arith.constant 0 : i32
    return %add3A_1, %c0_i32 : i32, i32
  }
  func.func @transform_5(%arg0: i32) -> (i32, i32) {
    %mul3A = arith.constant 4 : i32
    %mul3A_0 = arith.muli %mul3A, %arg0 : i32
    %add3A = arith.constant 1 : i32
    %add3A_1 = arith.addi %mul3A_0, %add3A : i32
    %c0_i32 = arith.constant 0 : i32
    %c0_i32_2 = arith.constant 0 : i32
    return %add3A_1, %c0_i32 : i32, i32
  }
  func.func @transform_6(%arg0: i32) -> (i32, i32) {
    %mul3A = arith.constant 4 : i32
    %mul3A_0 = arith.muli %mul3A, %arg0 : i32
    %add3A = arith.constant 2 : i32
    %add3A_1 = arith.addi %mul3A_0, %add3A : i32
    %c0_i32 = arith.constant 0 : i32
    %c0_i32_2 = arith.constant 0 : i32
    return %add3A_1, %c0_i32 : i32, i32
  }
  func.func @transform_7(%arg0: i32) -> (i32, i32) {
    %mul3A = arith.constant 4 : i32
    %mul3A_0 = arith.muli %mul3A, %arg0 : i32
    %add3A = arith.constant 3 : i32
    %add3A_1 = arith.addi %mul3A_0, %add3A : i32
    %c0_i32 = arith.constant 0 : i32
    %c0_i32_2 = arith.constant 0 : i32
    return %add3A_1, %c0_i32 : i32, i32
  }
  func.func @transform_8(%arg0: i32) -> (i32, i32) {
    %c0_i32 = arith.constant 0 : i32
    %c0_i32_0 = arith.constant 0 : i32
    %c0_i32_1 = arith.constant 0 : i32
    return %c0_i32, %c0_i32_0 : i32, i32
  }
  func.func @transform_9(%arg0: i32) -> (i32, i32) {
    %c1_i32 = arith.constant 1 : i32
    %c0_i32 = arith.constant 0 : i32
    %c0_i32_0 = arith.constant 0 : i32
    return %c1_i32, %c0_i32 : i32, i32
  }
  func.func @transform_10(%arg0: i32) -> (i32, i32) {
    %c0_i32 = arith.constant 0 : i32
    %c0_i32_0 = arith.constant 0 : i32
    %c0_i32_1 = arith.constant 0 : i32
    return %c0_i32, %c0_i32_0 : i32, i32
  }
  func.func @transform_11(%arg0: i32) -> (i32, i32) {
    %c0_i32 = arith.constant 0 : i32
    %c0_i32_0 = arith.constant 0 : i32
    %c0_i32_1 = arith.constant 0 : i32
    return %c0_i32, %c0_i32_0 : i32, i32
  }
  func.func @transform_12(%arg0: i32) -> (i32, i32) {
    %c0_i32 = arith.constant 0 : i32
    %c0_i32_0 = arith.constant 0 : i32
    %c0_i32_1 = arith.constant 0 : i32
    return %c0_i32, %c0_i32_0 : i32, i32
  }
  func.func @transform_13(%arg0: i32) -> (i32, i32) {
    %c0_i32 = arith.constant 0 : i32
    %c0_i32_0 = arith.constant 0 : i32
    return %arg0, %c0_i32 : i32, i32
  }
}

module attributes {stable_mosaic.version = 14 : i64} {
  func.func @_logits_kernel(%arg0: memref<8x768xf32, #tpu.memory_space<vmem>>, %arg1: memref<2048x768xf32, #tpu.memory_space<vmem>>, %arg2: memref<8x2048xf32, #tpu.memory_space<vmem>>) attributes {dimension_semantics = [], scalar_prefetch = 0 : i64, scratch_operands = 0 : i64, tpu.core_type = #tpu.core_type<tc>} {
    %get3A = arith.constant 0 : index
    %get3A_0 = arith.constant 0 : index
    %get3A_1 = vector.load %arg0[%get3A, %get3A_0] : memref<8x768xf32, #tpu.memory_space<vmem>>, vector<8x768xf32>
    %get3A_2 = arith.constant 0 : index
    %get3A_3 = arith.constant 0 : index
    %get3A_4 = vector.load %arg1[%get3A_2, %get3A_3] : memref<2048x768xf32, #tpu.memory_space<vmem>>, vector<2048x768xf32>
    %dot_general3A = arith.constant dense<0.000000e+00> : vector<8x2048xf32>
    %dot_general3A_5 = tpu.matmul %get3A_1, %get3A_4, %dot_general3A {dimension_numbers = #tpu.dot_dimension_numbers<[1], [1], [0], [0], [0, 0, 1, 0], [], []>, transpose_lhs_hint = false} : vector<8x768xf32>, vector<2048x768xf32>, vector<8x2048xf32> -> vector<8x2048xf32>
    %swap3A = arith.constant 0 : index
    %swap3A_6 = arith.constant 0 : index
    %swap3A_7 = vector.load %arg2[%swap3A, %swap3A_6] : memref<8x2048xf32, #tpu.memory_space<vmem>>, vector<8x2048xf32>
    tpu.vector_store %arg2[%swap3A, %swap3A_6], %dot_general3A_5 {strides = array<i32>} : memref<8x2048xf32, #tpu.memory_space<vmem>>, vector<8x2048xf32>,
    return
  }
}

</mosaic_0001>

<sc_bundles>
// kernel: kernel.5.cloned.1.call-start
scs
__scs_entry_jumppad:
0x0: {  	(pc) =	sbr.rel $0x88, $3  }
0x1: {  	(tag) =	ssettag $0x0;
	lr =	simm.s32 $0x1  }
0x2: {  	[smem:$0x3F9B] =	sst lr;
	_ =	strace $0xD0000000  }
0x3: {  	_ = 	snop  }
0x4: {  	_ = 	snop  }
0x5: {  	_ = 	snop  }
0x6: {  	_ = 	snop  }
0x7: {  	_ = 	snop  }
__scs_overlays_trampoline_lowered:
0x8: {  	[smem:$0x3FAA] =	sst s0  }
0x9: {  	[smem:$0x3FAB] =	sst s1  }
0xa: {  	[smem:$0x3FAC] =	sst s2  }
0xb: {  	[smem:$0x3FAD] =	sst s3  }
0xc: {  	[smem:$0x3FAE] =	sst s4  }
0xd: {  	[smem:$0x3FAF] =	sst s5  }
0xe: {  	[smem:$0x3FB0] =	sst s6  }
0xf: {  	[smem:$0x3FB1] =	sst s7  }
0x10: {  	[smem:$0x3FB2] =	sst s8  }
0x11: {  	[smem:$0x3FB3] =	sst s9;
	s0 =	simm.s32 @!p0 $0x0  }
0x12: {  	s1 =	sld [smem:$0x3F99];
	s0 =	simm.s32 @p0 $0x1  }
0x13: {  	[smem:$0x3FB4] =	sst s0;
	s0 =	simm.s32 @!p1 $0x0  }
0x14: {  	s2 =	sld [smem:$0x3F98];
	s0 =	simm.s32 @p1 $0x1  }
0x15: {  	[smem:$0x3FB5] =	sst s0;
	s0 =	simm.s32 @!p2 $0x0  }
0x16: {  	s3 =	sld [smem:$0x3FDB];
	s0 =	simm.s32 @p2 $0x1  }
0x17: {  	s4 =	simm.s32 $0x1BF5;
	[smem:$0x3FB7] =	sst s0  }
0x18: {  	s0 =	sld [smem:$0x3F9A];
	_ =	swait.ge [sflag:s4], $0x0  }
0x19: {  	s7 =	sld [smem:$0x3F9B]  }
0x1a: {  	s8 =	sadd.s32 $0xFFFFE003, lr  }
0x1b: {  	s9 =	sadd.s32 $0xFFFFFEF7, lr;
	s5 =	simm.s32 $0xFFFFFFFF;
	p2 =	slt.u32 s8, $0xFFFFF086  }
0x1c: {  	p1 =	slt.u32 s9, $0xF7A;
	s5 =	simm.s32 @!p2 $0x0  }
0x1d: {  	s5 =	simm.s32 @p1 $0x1;
	p0 =	seq.s32 s7, s2  }
0x1e: {  	s7 =	smul.u32 @!p0 $0xF7A, s2;
	p2 =	seq.s32 @!p0 s5, $0x0  }
0x1f: {  	s9 =	smul.u32 $0xF7A, s1;
	s8 =	simm.s32 @!p0 $0x1BF5;
	p2 =	por !p2, p0  }
0x20: {  	[sflag:s8] =	ssyncset.s32 @!p0 $0xFFFFF086;
	s6 =	sadd.s32 @!p0 s3, s7;
	s7 =	simm.s32 @!p0 $0x108  }
0x21: {  	s3 =	sadd.s32 s3, s9;
	s6 =	sadd.s32 @!p0 $0x88, s6;
	s7 =	simm.s32 @p2 $0x1082  }
0x22: {  	[simem:s7], [sflag:s8] =	dma.local @!p0 [hbm:s6], $0xF7A  }
0x23: {  	s9 =	sor.u32 $0xD0000000, s2;
	s6 =	simm.s32 $0x108;
	_ =	swait.ge @!p0 [sflag:s8], $0x0  }
0x24: {  	s3 =	sadd.s32 $0x88, s3;
	s6 =	simm.s32 @!p1 $0x1082;
	[sflag:s4] =	ssyncset.s32 $0xFFFFF086  }
0x25: {  	[simem:s6], [sflag:s4] =	dma.local [hbm:s3], $0xF7A  }
0x26: {  	[smem:$0x3F9B] =	sst s1;
	(tag) =	ssettag s2;
	_ =	strace s9  }
0x27: {  	s1 =	sld [smem:$0x3FAB]  }
0x28: {  	s2 =	sld [smem:$0x3FAC]  }
0x29: {  	s4 =	sld [smem:$0x3FAE]  }
0x2a: {  	p0 =	seq.s32 s5, $0x0;
	s5 =	sld [smem:$0x3FAF]  }
0x2b: {  	s6 =	sld [smem:$0x3FB0]  }
0x2c: {  	s7 =	sld [smem:$0x3FB1]  }
0x2d: {  	s3 =	simm.s32 $0x108;
	s8 =	sld [smem:$0x3FB2]  }
0x2e: {  	s3 =	simm.s32 @!p0 $0x1082;
	s9 =	sld [smem:$0x3FB3]  }
0x2f: {  	lr =	sadd.s32 s0, s3;
	s0 =	sld [smem:$0x3FAA]  }
0x30: {  	s3 =	sld [smem:$0x3FAD]  }
0x31: {  	[smem:$0x3FB6] =	sst s10  }
0x32: {  	s10 =	sld [smem:$0x3FB4];
	_ =	sdelay $0x3  }
0x33: {  	p0 =	seq.s32 s10, $0x1;
	s10 =	sld [smem:$0x3FB6];
	_ =	sdelay $0x3  }
0x34: {  	[smem:$0x3FB6] =	sst s10  }
0x35: {  	s10 =	sld [smem:$0x3FB5];
	_ =	sdelay $0x3  }
0x36: {  	p1 =	seq.s32 s10, $0x1;
	s10 =	sld [smem:$0x3FB6];
	_ =	sdelay $0x3  }
0x37: {  	[smem:$0x3FB6] =	sst s10  }
0x38: {  	s10 =	sld [smem:$0x3FB7]  }
0x39: {  	_ = 	snop;
	(pc) =	sbr.ind lr, $3  }
0x3a: {  	_ = 	snop  }
0x3b: {  	_ = 	snop  }
0x3c: {  	p2 =	seq.s32 s10, $0x1;
	s10 =	sld [smem:$0x3FB6]  }
0x3d: {  	_ =	shalt  }
0x3e: {  	_ =	shalt  }
0x3f: {  	_ =	shalt  }
0x40: {  	_ =	shalt  }
0x41: {  	_ =	shalt  }
0x42: {  	_ =	shalt  }
0x43: {  	_ =	shalt  }
0x44: {  	_ =	shalt  }
0x45: {  	_ =	shalt  }
0x46: {  	_ =	shalt  }
0x47: {  	_ =	shalt  }
0x48: {  	_ =	shalt  }
0x49: {  	_ =	shalt  }
0x4a: {  	_ =	shalt  }
0x4b: {  	_ =	shalt  }
0x4c: {  	_ =	shalt  }
0x4d: {  	_ =	shalt  }
0x4e: {  	_ =	shalt  }
0x4f: {  	_ =	shalt  }
0x50: {  	_ =	shalt  }
0x51: {  	_ =	shalt  }
0x52: {  	_ =	shalt  }
0x53: {  	_ =	shalt  }
0x54: {  	_ =	shalt  }
0x55: {  	_ =	shalt  }
0x56: {  	_ =	shalt  }
0x57: {  	_ =	shalt  }
0x58: {  	_ =	shalt  }
0x59: {  	_ =	shalt  }
0x5a: {  	_ =	shalt  }
0x5b: {  	_ =	shalt  }
0x5c: {  	_ =	shalt  }
0x5d: {  	_ =	shalt  }
0x5e: {  	_ =	shalt  }
0x5f: {  	_ =	shalt  }
0x60: {  	_ =	shalt  }
0x61: {  	_ =	shalt  }
0x62: {  	_ =	shalt  }
0x63: {  	_ =	shalt  }
0x64: {  	_ =	shalt  }
0x65: {  	_ =	shalt  }
0x66: {  	_ =	shalt  }
0x67: {  	_ =	shalt  }
0x68: {  	_ =	shalt  }
0x69: {  	_ =	shalt  }
0x6a: {  	_ =	shalt  }
0x6b: {  	_ =	shalt  }
0x6c: {  	_ =	shalt  }
0x6d: {  	_ =	shalt  }
0x6e: {  	_ =	shalt  }
0x6f: {  	_ =	shalt  }
0x70: {  	_ =	shalt  }
0x71: {  	_ =	shalt  }
0x72: {  	_ =	shalt  }
0x73: {  	_ =	shalt  }
0x74: {  	_ =	shalt  }
0x75: {  	_ =	shalt  }
0x76: {  	_ =	shalt  }
0x77: {  	_ =	shalt  }
0x78: {  	_ =	shalt  }
0x79: {  	_ =	shalt  }
0x7a: {  	_ =	shalt  }
0x7b: {  	_ =	shalt  }
0x7c: {  	_ =	shalt  }
0x7d: {  	_ =	shalt  }
0x7e: {  	_ =	shalt  }
0x7f: {  	_ =	shalt  }
0x80: {  	_ =	shalt  }
0x81: {  	_ =	shalt  }
0x82: {  	_ =	shalt  }
0x83: {  	_ =	shalt  }
0x84: {  	_ =	shalt  }
0x85: {  	_ =	shalt  }
0x86: {  	_ =	shalt  }
0x87: {  	_ =	shalt  }
.Lfunc_end0:
.L_simem_size_0:
called_computation_lowered:
.L_overlay_start_0:
0x88: {  	s2 =	sld [smem:$0x3FD9]  }
0x89: {  	s3 =	sld [smem:$0x3FFE];
	_ =	sdelay $0x1  }
0x8a: {  	s1 =	srdreg.scid  }
0x8b: {  	s0 =	sand.u32 $0x1, s1  }
0x8c: {  	s15 =	sshll.u32 s0, $0xA;
	s2 =	sadd.s32 s3, s2  }
0x8d: {  	s2 =	sadd.s32 s2, s15  }
0x8e: {  	[smem:$0x3FC2] =	sst s2  }
0x8f: {  	_ = 	snop  }
0x90: {  	s2 =	sld [smem:$0x3FD0];
	_ =	sdelay $0x2  }
0x91: {  	s16 =	simm.s32 $0xA;
	s4 =	simm.s32 $0x10  }
0x92: {  	[smem:s4], [sflag:s16] =	dma.local [hbm:s2], $0x1  }
0x93: {  	_ =	swait.eq [sflag:s16], $0x1  }
0x94: {  	[sflag:s16] =	ssyncset.done $0x0  }
0x95: {  	s17 =	sld [smem:$0x10];
	[sflag:s16] =	ssyncadd.s32 $0xFFFFFFFF  }
0x96: {  	s18 =	sld [smem:$0x11];
	(tm) =	ssettm $0x1  }
0x97: {  	s19 =	sld [smem:$0x3FFB];
	_ =	sdelay $0x3  }
0x98: {  	_ =	strace s19  }
0x99: {  	s4 =	sld [smem:$0x3FFC];
	_ =	sdelay $0x3  }
0x9a: {  	_ =	strace s4  }
0x9b: {  	s4 =	sld [smem:$0x3FFD];
	_ =	sdelay $0x3  }
0x9c: {  	_ =	strace s4  }
0x9d: {  	_ =	strace $0x8FFFFFFF  }
0x9e: {  	s20 =	sld [smem:$0x3FDB];
	_ =	sdelay $0x1  }
0x9f: {  	s5 =	simm.s32 $_scs_section_size  }
0xa0: {  	s6 =	simm.s32 $_size__tile_overlayer_lowered;
	s7 =	simm.s32 $_tile_overlayer_lowered  }
0xa1: {  	s23 =	simm.s32 $0x1BFF;
	s22 =	sshll.u32 s7, $0x1;
	s4 =	sadd.s32 s5, s20  }
0xa2: {  	s8 =	simm.s32 $0x0;
	s21 =	sshll.u32 s6, $0x1;
	s6 =	sadd.s32 s22, s4  }
0xa3: {  	[timem:s8], [sflag:s23] =	dma.local [hbm:s6], s21  }
0xa4: {  	_ =	swait.ge [sflag:s23], s21  }
0xa5: {  	s5 =	ssub.s32 $0x0, s21;
	[sflag:s23] =	ssyncset.done $0x0  }
0xa6: {  	[sflag:s23] =	ssyncadd.s32 s5;
	_ =	sdelay $0x1  }
0xa7: {  	s24 =	simm.s32 $0x1B8B  }
0xa8: {  	_ =	swait.ge [sflag:s24], $0x1  }
0xa9: {  	[sflag:s24] =	ssyncset.done $0x0  }
0xaa: {  	s25 =	simm.s32 $0x1B8E;
	[sflag:s24] =	ssyncadd.s32 $0xFFFFFFFF  }
0xab: {  	s26 =	simm.s32 $execute0_lowered;
	[smem:$0x3FD2] =	sst s25  }
0xac: {  	s5 =	sshll.u32 s26, $0x1;
	_ =	strace $0x80000046;
	[dreg:$0x1] =	wrdreg $0xFFFFFFFF  }
0xad: {  	s28 =	simm.s32 $_size_execute0_lowered;
	s4 =	sadd.s32 s4, s5;
	[dreg:$0x0] =	wrdreg $0x0  }
0xae: {  	s5 =	sshll.u32 s28, $0x1;
	[dreg:$0x2] =	wrdreg s4  }
0xaf: {  	[dreg:$0x3] =	wrdreg s5  }
0xb0: {  	[dreg:$0x4] =	wrdreg $0xC0  }
0xb1: {  	_ =	task [dreg:s8], $0x5FFFF  }
0xb2: {  	[dreg:$0x1] =	wrdreg $0xFFFFFFFF  }
0xb3: {  	[dreg:$0x0] =	wrdreg $0x60  }
0xb4: {  	[dreg:$0x2] =	wrdreg s18  }
0xb5: {  	[dreg:$0x3] =	wrdreg s17  }
0xb6: {  	[dreg:$0x4] =	wrdreg $0x9  }
0xb7: {  	_ =	task.clear_ibuf [dreg:s8], $0x5FFFF;
	_ =	strace $0x90000046  }
0xb8: {  	s29 =	simm.s32 $0x9;
	_ =	strace $0x80000048  }
0xb9: {  	_ =	swait.ge [sflag:s29], $0x1  }
0xba: {  	[sflag:s29] =	ssyncadd.s32 $0xFFFFFFFF  }
0xbb: {  	_ =	strace $0x90000048  }
0xbc: {  	_ =	sfence  }
0xbd: {  	s30 =	sld [smem:$0x0];
	_ =	sdelay $0x2  }
0xbe: {  	s31 =	sshll.u32 s1, $0xD;
	s1 =	sshrl.u32 s1, $0x2  }
0xbf: {  	s3 =	sand.u32 $0x4000, s31;
	s1 =	sadd.s32 s1, s30  }
0xc0: {  	s0 =	sor.u32 s3, s0;
	s1 =	sshll.u32 s1, $0x11  }
0xc1: {  	s0 =	sor.u32 s1, s0  }
0xc2: {  	s0 =	sadd.s32 $0x8F2B, s0  }
0xc3: {  	[sflag:s0] =	ssyncadd.remote.s32 $0x1  }
0xc4: {  	_ =	sfence.sel $0xFFFF  }
0xc5: {  	[dreg:$0x0] =	wrdreg $0xFFFFFFFF;
	(pc) =	sbr.abs _section_cstart, $3  }
0xc6: {  	[dreg:$0x1] =	wrdreg $0xFFFFFFFF  }
0xc7: {  	_ =	task.clear_ibuf [dreg:s8], $0x2FFFF;
	_ =	strace $0x9FFFFFFF  }
0xc8: {  	(tm) =	ssettm $0x7FFFFFFF  }
0xc9: {  	_ =	shalt  }
tec
execute0_lowered:
.L_overlay_start_1:
0x0: {  	(tag) =	ssettag $0x1  }
0x1: {  	s1 =	srdreg.scid;
	s0 =	stileid.u32  }
0x2: {  	s22 =	sand.u32 $0x1, s1;
	s31 =	sshll.u32 s0, $0x1  }
0x3: {  	s21 =	sor.u32 s22, s31  }
0x4: {  	s17 =	rddreg [dreg:$0x0];
	s10 =	sshll.u32 s21, $0x9  }
0x5: {  	s20 =	rddreg [dreg:$0x1];
	s11 =	sshll.u32 s22, $0x6;
	s3 =	sand.u32 $0x3C00, s10  }
0x6: {  	s2 =	simm.s32 $0x0;
	s1 =	rddreg [dreg:$0x2];
	s3 =	sor.u32 s11, s3  }
0x7: {  	[smem:$0x7FF] =	sst s2;
	s3 =	sshrl.u32 s3, $0x3  }
0x8: {  	_ =	strace $0x80000047;
	s4 =	sadd.s32 s17, s3;
	s3 =	simm.s32 $0x1  }
0x9: {  	[tilespmem:s2], [sflag:$0x1] =	stream.linear.gather [hbm4b:s4+s2], $0x40, $0x38;
	[tilespmem:$0x400] =	vst v63  }
0xa: {  	_ =	swait.ge [sflag:s3], $0x40  }
0xb: {  	[sflag:s3] =	ssyncset.done $0x0  }
0xc: {  	s6 =	simm.s32 $0x40;
	s5 =	sadd.s32 $0x10, s4;
	[sflag:s3] =	ssyncadd.s32 $0xFFFFFFC0  }
0xd: {  	[tilespmem:s6], [sflag:$0x1] =	stream.linear.gather [hbm4b:s5+s2], $0x40, $0x38;
	[tilespmem:$0x400] =	vst v63  }
0xe: {  	_ =	swait.ge [sflag:s3], $0x40  }
0xf: {  	[sflag:s3] =	ssyncset.done $0x0  }
0x10: {  	s8 =	simm.s32 $0x80;
	s7 =	sadd.s32 $0x20, s4;
	[sflag:s3] =	ssyncadd.s32 $0xFFFFFFC0  }
0x11: {  	[tilespmem:s8], [sflag:$0x1] =	stream.linear.gather [hbm4b:s7+s2], $0x40, $0x38;
	[tilespmem:$0x400] =	vst v63  }
0x12: {  	_ =	swait.ge [sflag:s3], $0x40  }
0x13: {  	s11 =	sor.u32 s11, s10;
	[sflag:s3] =	ssyncset.done $0x0  }
0x14: {  	s10 =	simm.s32 $0xC0;
	s9 =	sadd.s32 $0x30, s4;
	[sflag:s3] =	ssyncadd.s32 $0xFFFFFFC0  }
0x15: {  	[tilespmem:s10], [sflag:$0x1] =	stream.linear.gather [hbm4b:s9+s2], $0x40, $0x38;
	[tilespmem:$0x400] =	vst v63  }
0x16: {  	s18 =	sshrl.u32 s11, $0x3;
	_ =	swait.ge [sflag:s3], $0x40  }
0x17: {  	s11 =	sor.u32 $0x40, s18;
	[sflag:s3] =	ssyncset.done $0x0  }
0x18: {  	s12 =	simm.s32 $0x100;
	s11 =	sadd.s32 s17, s11;
	[sflag:s3] =	ssyncadd.s32 $0xFFFFFFC0  }
0x19: {  	[tilespmem:s12], [sflag:$0x1] =	stream.linear.gather [hbm4b:s11+s2], $0x40, $0x38;
	[tilespmem:$0x400] =	vst v63  }
0x1a: {  	_ =	swait.ge [sflag:s3], $0x40  }
0x1b: {  	s13 =	sor.u32 $0x50, s18;
	[sflag:s3] =	ssyncset.done $0x0  }
0x1c: {  	s14 =	simm.s32 $0x140;
	s13 =	sadd.s32 s17, s13;
	[sflag:s3] =	ssyncadd.s32 $0xFFFFFFC0  }
0x1d: {  	[tilespmem:s14], [sflag:$0x1] =	stream.linear.gather [hbm4b:s13+s2], $0x40, $0x38;
	[tilespmem:$0x400] =	vst v63  }
0x1e: {  	_ =	swait.ge [sflag:s3], $0x40  }
0x1f: {  	s15 =	sor.u32 $0x60, s18;
	[sflag:s3] =	ssyncset.done $0x0  }
0x20: {  	s16 =	simm.s32 $0x180;
	s15 =	sadd.s32 s17, s15;
	[sflag:s3] =	ssyncadd.s32 $0xFFFFFFC0  }
0x21: {  	[tilespmem:s16], [sflag:$0x1] =	stream.linear.gather [hbm4b:s15+s2], $0x40, $0x38;
	[tilespmem:$0x400] =	vst v63  }
0x22: {  	_ =	swait.ge [sflag:s3], $0x40  }
0x23: {  	s18 =	sor.u32 $0x70, s18;
	[sflag:s3] =	ssyncset.done $0x0  }
0x24: {  	s17 =	sadd.s32 s17, s18;
	s18 =	simm.s32 $0x1C0;
	[sflag:s3] =	ssyncadd.s32 $0xFFFFFFC0  }
0x25: {  	[tilespmem:s18], [sflag:$0x1] =	stream.linear.gather [hbm4b:s17+s2], $0x40, $0x38;
	[tilespmem:$0x400] =	vst v63  }
0x26: {  	_ =	swait.ge [sflag:s3], $0x40  }
0x27: {  	[sflag:s3] =	ssyncset.done $0x0  }
0x28: {  	[sflag:s3] =	ssyncadd.s32 $0xFFFFFFC0  }
0x29: {  	v1 =	vld [tilespmem:$0x0]  }
0x2a: {  	v2 =	vld [tilespmem:$0x40];
	_ =	sdelay $0x1  }
0x2b: {  	v3 =	vld [tilespmem:$0x80];
	_ =	sdelay $0x1  }
0x2c: {  	v4 =	vld [tilespmem:$0xC0]  }
0x2d: {  	vm0 =	vgt.f32 v2, v1  }
0x2e: {  	v5 =	vld [tilespmem:$0x100];
	v0 =	vsel vm0, v2, v1  }
0x2f: {  	vm1 =	vgt.f32 v3, v0  }
0x30: {  	v6 =	vld [tilespmem:$0x140];
	v0 =	vsel vm1, v3, v0  }
0x31: {  	vm2 =	vgt.f32 v4, v0  }
0x32: {  	v7 =	vld [tilespmem:$0x180];
	v8 =	vsel vm2, v4, v0  }
0x33: {  	vm3 =	vgt.f32 v5, v8  }
0x34: {  	v9 =	vld [tilespmem:$0x1C0];
	v0 =	vimm.s32 $0x0;
	v8 =	vsel vm3, v5, v8  }
0x35: {  	v10 =	vsel vm0, $0x1, v0;
	vm11 =	vgt.f32 v6, v8  }
0x36: {  	v10 =	vsel vm1, $0x2, v10;
	v8 =	vsel vm11, v6, v8  }
0x37: {  	v10 =	vsel vm2, $0x3, v10;
	vm7 =	vgt.f32 v7, v8  }
0x38: {  	v10 =	vsel vm3, $0x4, v10;
	v8 =	vsel vm7, v7, v8  }
0x39: {  	v10 =	vsel vm11, $0x5, v10;
	vm12 =	vgt.f32 v9, v8  }
0x3a: {  	v10 =	vsel vm7, $0x6, v10;
	vm0 =	vmneg vm12  }
0x3b: {  	v10 =	vnsel vm0, $0x7, v10  }
0x3c: {  	vm2 =	veq.s32 v10, $0x0  }
0x3d: {  	v1 =	vsel vm2, $0xFF61B1E6, v1  }
0x3e: {  	vm4 =	veq.s32 v10, $0x1;
	vm13 =	vgt.f32 v1, $-3.000000010e+38  }
0x3f: {  	v2 =	vsel vm4, $0xFF61B1E6, v2;
	v1 =	vnsel vm13, $0xFF61B1E6, v1  }
0x40: {  	vm1 =	veq.s32 v10, $0x2;
	vm10 =	vgt.f32 v2, v1  }
0x41: {  	v1 =	vsel vm10, v2, v1;
	v2 =	vsel vm1, $0xFF61B1E6, v3  }
0x42: {  	vm5 =	veq.s32 v10, $0x3;
	vm11 =	vgt.f32 v2, v1  }
0x43: {  	v1 =	vsel vm11, v2, v1;
	v2 =	vsel vm5, $0xFF61B1E6, v4  }
0x44: {  	vm3 =	veq.s32 v10, $0x4;
	vm12 =	vgt.f32 v2, v1  }
0x45: {  	v1 =	vsel vm12, v2, v1;
	v2 =	vsel vm3, $0xFF61B1E6, v5  }
0x46: {  	vm6 =	veq.s32 v10, $0x5;
	vm13 =	vgt.f32 v2, v1  }
0x47: {  	v1 =	vsel vm13, v2, v1;
	v2 =	vsel vm6, $0xFF61B1E6, v6  }
0x48: {  	vm7 =	vmand vm7, vm0;
	vm14 =	vgt.f32 v2, v1  }
0x49: {  	v1 =	vsel vm14, v2, v1;
	v2 =	vsel vm7, $0xFF61B1E6, v7  }
0x4a: {  	vm9 =	vgt.f32 v2, v1  }
0x4b: {  	v1 =	vsel vm9, v2, v1;
	v2 =	vnsel vm0, $0xFF61B1E6, v9  }
0x4c: {  	vm8 =	vgt.f32 v2, v1  }
0x4d: {  	vm8 =	vmneg vm8  }
0x4e: {  	v3 =	vsel vm0, v8, v9;
	v1 =	vsel vm8, v1, v2  }
0x4f: {  	v1 =	vsub.f32 v1, v3;
	_ =	sdelay $0x1  }
0x50: {  	v1 =	vmul.f32 $1.442695020e+00, v1;
	_ =	sdelay $0x1  }
0x51: {  	(erf) = vpow2.f32 v1;
	_ =	sdelay $0x8  }
0x52: {  	v6 =	vpop (erf)  }
0x53: {  	v1 =	vadd.f32 $1.000000000e+00, v6;
	_ =	sdelay $0x1  }
0x54: {  	(erf) = vrcp.f32 v1;
	_ =	sdelay $0x3  }
0x55: {  	v1 =	vsel vm10, $0x1, v0  }
0x56: {  	v2 =	vlaneseq.u32;
	v3 =	vsel vm11, $0x2, v1  }
0x57: {  	v1 =	vmul.u32 $0x8, v2;
	v2 =	vsel vm12, $0x3, v3  }
0x58: {  	v3 =	vsel vm13, $0x4, v2  }
0x59: {  	v2 =	vor.u32 $0x1, v1;
	v5 =	vsel vm14, $0x5, v3  }
0x5a: {  	v4 =	vor.u32 $0x3, v1;
	v8 =	vor.u32 $0x7, v1;
	v7 =	vsel vm9, $0x6, v5;
	v9 =	vpop (erf)  }
0x5b: {  	v3 =	vor.u32 $0x2, v1;
	v10 =	vnsel vm8, $0x7, v7;
	v11 =	vmul.f32 v9, v6  }
0x5c: {  	v5 =	vor.u32 $0x4, v1;
	v7 =	vor.u32 $0x6, v1;
	vm14 =	veq.s32 v10, $0x0  }
0x5d: {  	vm15 =	veq.s32 v10, $0x1;
	vm12 =	veq.s32 v10, $0x2;
	v12 =	vnsel vm14, $0x0, v11  }
0x5e: {  	s19 =	simm.s32 $0x200;
	vm13 =	veq.s32 v10, $0x3;
	v13 =	vnsel vm15, $0x0, v11;
	v12 =	vsel vm2, v9, v12  }
0x5f: {  	v6 =	vor.u32 $0x5, v1;
	v13 =	vsel vm4, v9, v13;
	[tilespmem:v1+s19+$0x0] =	vst.idx.msk $0xffff, v12;
	v12 =	vnsel vm12, $0x0, v11  }
0x60: {  	vm14 =	veq.s32 v10, $0x4;
	v14 =	vnsel vm13, $0x0, v11;
	[tilespmem:v2+s19+$0x0] =	vst.idx.msk $0xffff, v13;
	v12 =	vsel vm1, v9, v12  }
0x61: {  	vm15 =	veq.s32 v10, $0x5;
	v10 =	vsel vm5, v9, v14;
	v13 =	vnsel vm14, $0x0, v11;
	[tilespmem:v3+s19+$0x0] =	vst.idx.msk $0xffff, v12  }
0x62: {  	vm5 =	vmand vm9, vm8;
	v12 =	vnsel vm15, $0x0, v11;
	v13 =	vsel vm3, v9, v13;
	[tilespmem:v4+s19+$0x0] =	vst.idx.msk $0xffff, v10  }
0x63: {  	v10 =	vnsel vm5, $0x0, v11;
	v12 =	vsel vm6, v9, v12;
	[tilespmem:v5+s19+$0x0] =	vst.idx.msk $0xffff, v13  }
0x64: {  	v11 =	vsel vm8, $0x0, v11;
	v10 =	vsel vm7, v9, v10;
	[tilespmem:v6+s19+$0x0] =	vst.idx.msk $0xffff, v12  }
0x65: {  	v9 =	vsel vm0, v11, v9;
	[tilespmem:v7+s19+$0x0] =	vst.idx.msk $0xffff, v10  }
0x66: {  	[tilespmem:v8+s19+$0x0] =	vst.idx.msk $0xffff, v9  }
0x67: {  	v9 =	vld [tilespmem:$0x10]  }
0x68: {  	v10 =	vld [tilespmem:$0x50];
	_ =	sdelay $0x1  }
0x69: {  	v11 =	vld [tilespmem:$0x90];
	_ =	sdelay $0x1  }
0x6a: {  	v12 =	vld [tilespmem:$0xD0]  }
0x6b: {  	vm8 =	vgt.f32 v10, v9  }
0x6c: {  	v13 =	vld [tilespmem:$0x110];
	v14 =	vsel vm8, v10, v9  }
0x6d: {  	vm9 =	vgt.f32 v11, v14  }
0x6e: {  	v15 =	vld [tilespmem:$0x150];
	v14 =	vsel vm9, v11, v14  }
0x6f: {  	vm10 =	vgt.f32 v12, v14  }
0x70: {  	v16 =	vld [tilespmem:$0x190];
	v14 =	vsel vm10, v12, v14  }
0x71: {  	vm11 =	vgt.f32 v13, v14  }
0x72: {  	v17 =	vld [tilespmem:$0x1D0];
	v14 =	vsel vm11, v13, v14  }
0x73: {  	v18 =	vsel vm8, $0x1, v0;
	vm12 =	vgt.f32 v15, v14  }
0x74: {  	v18 =	vsel vm9, $0x2, v18;
	v14 =	vsel vm12, v15, v14  }
0x75: {  	v18 =	vsel vm10, $0x3, v18;
	vm7 =	vgt.f32 v16, v14  }
0x76: {  	v18 =	vsel vm11, $0x4, v18;
	v14 =	vsel vm7, v16, v14  }
0x77: {  	v18 =	vsel vm12, $0x5, v18;
	vm13 =	vgt.f32 v17, v14  }
0x78: {  	v18 =	vsel vm7, $0x6, v18;
	vm0 =	vmneg vm13  }
0x79: {  	v18 =	vnsel vm0, $0x7, v18  }
0x7a: {  	vm1 =	veq.s32 v18, $0x0  }
0x7b: {  	v9 =	vsel vm1, $0xFF61B1E6, v9  }
0x7c: {  	vm2 =	veq.s32 v18, $0x1;
	vm14 =	vgt.f32 v9, $-3.000000010e+38  }
0x7d: {  	v10 =	vsel vm2, $0xFF61B1E6, v10;
	v9 =	vnsel vm14, $0xFF61B1E6, v9  }
0x7e: {  	vm5 =	veq.s32 v18, $0x2;
	vm10 =	vgt.f32 v10, v9  }
0x7f: {  	v9 =	vsel vm10, v10, v9;
	v10 =	vsel vm5, $0xFF61B1E6, v11  }
0x80: {  	vm3 =	veq.s32 v18, $0x3;
	vm11 =	vgt.f32 v10, v9  }
0x81: {  	v9 =	vsel vm11, v10, v9;
	v10 =	vsel vm3, $0xFF61B1E6, v12  }
0x82: {  	vm4 =	veq.s32 v18, $0x4;
	vm12 =	vgt.f32 v10, v9  }
0x83: {  	v9 =	vsel vm12, v10, v9;
	v10 =	vsel vm4, $0xFF61B1E6, v13  }
0x84: {  	vm6 =	veq.s32 v18, $0x5;
	vm13 =	vgt.f32 v10, v9  }
0x85: {  	v9 =	vsel vm13, v10, v9;
	v10 =	vsel vm6, $0xFF61B1E6, v15  }
0x86: {  	vm7 =	vmand vm7, vm0;
	vm14 =	vgt.f32 v10, v9  }
0x87: {  	v9 =	vsel vm14, v10, v9;
	v10 =	vsel vm7, $0xFF61B1E6, v16  }
0x88: {  	vm9 =	vgt.f32 v10, v9  }
0x89: {  	v9 =	vsel vm9, v10, v9;
	v10 =	vnsel vm0, $0xFF61B1E6, v17  }
0x8a: {  	vm15 =	vgt.f32 v10, v9  }
0x8b: {  	vm8 =	vmneg vm15  }
0x8c: {  	v11 =	vsel vm0, v14, v17;
	v9 =	vsel vm8, v9, v10  }
0x8d: {  	v9 =	vsub.f32 v9, v11;
	_ =	sdelay $0x1  }
0x8e: {  	v9 =	vmul.f32 $1.442695020e+00, v9;
	_ =	sdelay $0x1  }
0x8f: {  	(erf) = vpow2.f32 v9;
	_ =	sdelay $0x8  }
0x90: {  	v14 =	vpop (erf)  }
0x91: {  	v9 =	vadd.f32 $1.000000000e+00, v14;
	_ =	sdelay $0x1  }
0x92: {  	(erf) = vrcp.f32 v9;
	_ =	sdelay $0x3  }
0x93: {  	v9 =	vsel vm10, $0x1, v0  }
0x94: {  	v9 =	vsel vm11, $0x2, v9  }
0x95: {  	v9 =	vsel vm12, $0x3, v9  }
0x96: {  	v11 =	vsel vm13, $0x4, v9  }
0x97: {  	v12 =	vor.u32 $0x83, v1;
	v16 =	vor.u32 $0x87, v1;
	v13 =	vsel vm14, $0x5, v11  }
0x98: {  	v10 =	vor.u32 $0x81, v1;
	v9 =	vor.u32 $0x80, v1;
	v15 =	vsel vm9, $0x6, v13;
	v17 =	vpop (erf)  }
0x99: {  	v11 =	vor.u32 $0x82, v1;
	v18 =	vnsel vm8, $0x7, v15;
	v19 =	vmul.f32 v17, v14  }
0x9a: {  	v13 =	vor.u32 $0x84, v1;
	v15 =	vor.u32 $0x86, v1;
	vm14 =	veq.s32 v18, $0x0  }
0x9b: {  	vm15 =	veq.s32 v18, $0x1;
	vm12 =	veq.s32 v18, $0x2;
	v20 =	vnsel vm14, $0x0, v19  }
0x9c: {  	vm13 =	veq.s32 v18, $0x3;
	v21 =	vnsel vm15, $0x0, v19;
	v20 =	vsel vm1, v17, v20  }
0x9d: {  	v14 =	vor.u32 $0x85, v1;
	v22 =	vnsel vm12, $0x0, v19;
	v21 =	vsel vm2, v17, v21;
	[tilespmem:v9+s19+$0x0] =	vst.idx.msk $0xffff, v20  }
0x9e: {  	vm14 =	veq.s32 v18, $0x4;
	v20 =	vsel vm5, v17, v22;
	v22 =	vnsel vm13, $0x0, v19;
	[tilespmem:v10+s19+$0x0] =	vst.idx.msk $0xffff, v21  }
0x9f: {  	vm15 =	veq.s32 v18, $0x5;
	v18 =	vnsel vm14, $0x0, v19;
	v21 =	vsel vm3, v17, v22;
	[tilespmem:v11+s19+$0x0] =	vst.idx.msk $0xffff, v20  }
0xa0: {  	vm5 =	vmand vm9, vm8;
	v18 =	vsel vm4, v17, v18;
	v20 =	vnsel vm15, $0x0, v19;
	[tilespmem:v12+s19+$0x0] =	vst.idx.msk $0xffff, v21  }
0xa1: {  	v21 =	vnsel vm5, $0x0, v19;
	v20 =	vsel vm6, v17, v20;
	[tilespmem:v13+s19+$0x0] =	vst.idx.msk $0xffff, v18  }
0xa2: {  	v19 =	vsel vm8, $0x0, v19;
	v18 =	vsel vm7, v17, v21;
	[tilespmem:v14+s19+$0x0] =	vst.idx.msk $0xffff, v20  }
0xa3: {  	v17 =	vsel vm0, v19, v17;
	[tilespmem:v15+s19+$0x0] =	vst.idx.msk $0xffff, v18  }
0xa4: {  	[tilespmem:v16+s19+$0x0] =	vst.idx.msk $0xffff, v17  }
0xa5: {  	v17 =	vld [tilespmem:$0x20]  }
0xa6: {  	v18 =	vld [tilespmem:$0x60];
	_ =	sdelay $0x1  }
0xa7: {  	v19 =	vld [tilespmem:$0xA0];
	_ =	sdelay $0x1  }
0xa8: {  	v20 =	vld [tilespmem:$0xE0]  }
0xa9: {  	vm8 =	vgt.f32 v18, v17  }
0xaa: {  	v21 =	vld [tilespmem:$0x120];
	v22 =	vsel vm8, v18, v17  }
0xab: {  	vm9 =	vgt.f32 v19, v22  }
0xac: {  	v23 =	vld [tilespmem:$0x160];
	v22 =	vsel vm9, v19, v22  }
0xad: {  	vm10 =	vgt.f32 v20, v22  }
0xae: {  	v24 =	vld [tilespmem:$0x1A0];
	v22 =	vsel vm10, v20, v22  }
0xaf: {  	vm11 =	vgt.f32 v21, v22  }
0xb0: {  	v25 =	vld [tilespmem:$0x1E0];
	v22 =	vsel vm11, v21, v22  }
0xb1: {  	v26 =	vsel vm8, $0x1, v0;
	vm12 =	vgt.f32 v23, v22  }
0xb2: {  	v26 =	vsel vm9, $0x2, v26;
	v22 =	vsel vm12, v23, v22  }
0xb3: {  	v26 =	vsel vm10, $0x3, v26;
	vm7 =	vgt.f32 v24, v22  }
0xb4: {  	v26 =	vsel vm11, $0x4, v26;
	v22 =	vsel vm7, v24, v22  }
0xb5: {  	v26 =	vsel vm12, $0x5, v26;
	vm13 =	vgt.f32 v25, v22  }
0xb6: {  	v26 =	vsel vm7, $0x6, v26;
	vm0 =	vmneg vm13  }
0xb7: {  	v26 =	vnsel vm0, $0x7, v26  }
0xb8: {  	vm1 =	veq.s32 v26, $0x0  }
0xb9: {  	v17 =	vsel vm1, $0xFF61B1E6, v17  }
0xba: {  	vm2 =	veq.s32 v26, $0x1;
	vm14 =	vgt.f32 v17, $-3.000000010e+38  }
0xbb: {  	v18 =	vsel vm2, $0xFF61B1E6, v18;
	v17 =	vnsel vm14, $0xFF61B1E6, v17  }
0xbc: {  	vm5 =	veq.s32 v26, $0x2;
	vm10 =	vgt.f32 v18, v17  }
0xbd: {  	v17 =	vsel vm10, v18, v17;
	v18 =	vsel vm5, $0xFF61B1E6, v19  }
0xbe: {  	vm3 =	veq.s32 v26, $0x3;
	vm11 =	vgt.f32 v18, v17  }
0xbf: {  	v17 =	vsel vm11, v18, v17;
	v18 =	vsel vm3, $0xFF61B1E6, v20  }
0xc0: {  	vm4 =	veq.s32 v26, $0x4;
	vm12 =	vgt.f32 v18, v17  }
0xc1: {  	v17 =	vsel vm12, v18, v17;
	v18 =	vsel vm4, $0xFF61B1E6, v21  }
0xc2: {  	vm6 =	veq.s32 v26, $0x5;
	vm13 =	vgt.f32 v18, v17  }
0xc3: {  	v17 =	vsel vm13, v18, v17;
	v18 =	vsel vm6, $0xFF61B1E6, v23  }
0xc4: {  	vm7 =	vmand vm7, vm0;
	vm14 =	vgt.f32 v18, v17  }
0xc5: {  	v17 =	vsel vm14, v18, v17;
	v18 =	vsel vm7, $0xFF61B1E6, v24  }
0xc6: {  	vm9 =	vgt.f32 v18, v17  }
0xc7: {  	v17 =	vsel vm9, v18, v17;
	v18 =	vnsel vm0, $0xFF61B1E6, v25  }
0xc8: {  	vm15 =	vgt.f32 v18, v17  }
0xc9: {  	vm8 =	vmneg vm15  }
0xca: {  	v19 =	vsel vm0, v22, v25;
	v17 =	vsel vm8, v17, v18  }
0xcb: {  	v17 =	vsub.f32 v17, v19;
	_ =	sdelay $0x1  }
0xcc: {  	v17 =	vmul.f32 $1.442695020e+00, v17;
	_ =	sdelay $0x1  }
0xcd: {  	(erf) = vpow2.f32 v17;
	_ =	sdelay $0x8  }
0xce: {  	v22 =	vpop (erf)  }
0xcf: {  	v17 =	vadd.f32 $1.000000000e+00, v22;
	_ =	sdelay $0x1  }
0xd0: {  	(erf) = vrcp.f32 v17;
	_ =	sdelay $0x3  }
0xd1: {  	v17 =	vsel vm10, $0x1, v0  }
0xd2: {  	v17 =	vsel vm11, $0x2, v17  }
0xd3: {  	v17 =	vsel vm12, $0x3, v17  }
0xd4: {  	v19 =	vsel vm13, $0x4, v17  }
0xd5: {  	v20 =	vor.u32 $0x103, v1;
	v24 =	vor.u32 $0x107, v1;
	v21 =	vsel vm14, $0x5, v19  }
0xd6: {  	v18 =	vor.u32 $0x101, v1;
	v17 =	vor.u32 $0x100, v1;
	v23 =	vsel vm9, $0x6, v21;
	v25 =	vpop (erf)  }
0xd7: {  	v19 =	vor.u32 $0x102, v1;
	v26 =	vnsel vm8, $0x7, v23;
	v27 =	vmul.f32 v25, v22  }
0xd8: {  	v21 =	vor.u32 $0x104, v1;
	v23 =	vor.u32 $0x106, v1;
	vm14 =	veq.s32 v26, $0x0  }
0xd9: {  	vm15 =	veq.s32 v26, $0x1;
	vm12 =	veq.s32 v26, $0x2;
	v28 =	vnsel vm14, $0x0, v27  }
0xda: {  	vm13 =	veq.s32 v26, $0x3;
	v29 =	vnsel vm15, $0x0, v27;
	v28 =	vsel vm1, v25, v28  }
0xdb: {  	v22 =	vor.u32 $0x105, v1;
	v30 =	vnsel vm12, $0x0, v27;
	v29 =	vsel vm2, v25, v29;
	[tilespmem:v17+s19+$0x0] =	vst.idx.msk $0xffff, v28  }
0xdc: {  	vm14 =	veq.s32 v26, $0x4;
	v28 =	vsel vm5, v25, v30;
	v30 =	vnsel vm13, $0x0, v27;
	[tilespmem:v18+s19+$0x0] =	vst.idx.msk $0xffff, v29  }
0xdd: {  	vm15 =	veq.s32 v26, $0x5;
	v26 =	vnsel vm14, $0x0, v27;
	v29 =	vsel vm3, v25, v30;
	[tilespmem:v19+s19+$0x0] =	vst.idx.msk $0xffff, v28  }
0xde: {  	vm5 =	vmand vm9, vm8;
	v26 =	vsel vm4, v25, v26;
	v28 =	vnsel vm15, $0x0, v27;
	[tilespmem:v20+s19+$0x0] =	vst.idx.msk $0xffff, v29  }
0xdf: {  	v29 =	vnsel vm5, $0x0, v27;
	v28 =	vsel vm6, v25, v28;
	[tilespmem:v21+s19+$0x0] =	vst.idx.msk $0xffff, v26  }
0xe0: {  	v27 =	vsel vm8, $0x0, v27;
	v26 =	vsel vm7, v25, v29;
	[tilespmem:v22+s19+$0x0] =	vst.idx.msk $0xffff, v28  }
0xe1: {  	v25 =	vsel vm0, v27, v25;
	[tilespmem:v23+s19+$0x0] =	vst.idx.msk $0xffff, v26  }
0xe2: {  	[tilespmem:v24+s19+$0x0] =	vst.idx.msk $0xffff, v25  }
0xe3: {  	v25 =	vld [tilespmem:$0x30]  }
0xe4: {  	v26 =	vld [tilespmem:$0x70];
	_ =	sdelay $0x1  }
0xe5: {  	v27 =	vld [tilespmem:$0xB0];
	_ =	sdelay $0x1  }
0xe6: {  	v28 =	vld [tilespmem:$0xF0]  }
0xe7: {  	vm8 =	vgt.f32 v26, v25  }
0xe8: {  	v29 =	vld [tilespmem:$0x130];
	v30 =	vsel vm8, v26, v25  }
0xe9: {  	vm9 =	vgt.f32 v27, v30  }
0xea: {  	v31 =	vld [tilespmem:$0x170];
	v30 =	vsel vm9, v27, v30  }
0xeb: {  	vm10 =	vgt.f32 v28, v30  }
0xec: {  	v32 =	vld [tilespmem:$0x1B0];
	v30 =	vsel vm10, v28, v30  }
0xed: {  	vm11 =	vgt.f32 v29, v30  }
0xee: {  	v33 =	vld [tilespmem:$0x1F0];
	v30 =	vsel vm11, v29, v30  }
0xef: {  	v34 =	vsel vm8, $0x1, v0;
	vm12 =	vgt.f32 v31, v30  }
0xf0: {  	v34 =	vsel vm9, $0x2, v34;
	v30 =	vsel vm12, v31, v30  }
0xf1: {  	v34 =	vsel vm10, $0x3, v34;
	vm1 =	vgt.f32 v32, v30  }
0xf2: {  	v34 =	vsel vm11, $0x4, v34;
	v30 =	vsel vm1, v32, v30  }
0xf3: {  	v34 =	vsel vm12, $0x5, v34;
	vm13 =	vgt.f32 v33, v30  }
0xf4: {  	v34 =	vsel vm1, $0x6, v34;
	vm0 =	vmneg vm13  }
0xf5: {  	v34 =	vnsel vm0, $0x7, v34  }
0xf6: {  	vm7 =	veq.s32 v34, $0x0  }
0xf7: {  	v25 =	vsel vm7, $0xFF61B1E6, v25  }
0xf8: {  	vm5 =	veq.s32 v34, $0x1;
	vm14 =	vgt.f32 v25, $-3.000000010e+38  }
0xf9: {  	v26 =	vsel vm5, $0xFF61B1E6, v26;
	v25 =	vnsel vm14, $0xFF61B1E6, v25  }
0xfa: {  	vm6 =	veq.s32 v34, $0x2;
	vm10 =	vgt.f32 v26, v25  }
0xfb: {  	v27 =	vsel vm6, $0xFF61B1E6, v27;
	v25 =	vsel vm10, v26, v25  }
0xfc: {  	vm4 =	veq.s32 v34, $0x3;
	vm11 =	vgt.f32 v27, v25  }
0xfd: {  	v26 =	vsel vm4, $0xFF61B1E6, v28;
	v25 =	vsel vm11, v27, v25  }
0xfe: {  	vm3 =	veq.s32 v34, $0x4;
	vm12 =	vgt.f32 v26, v25  }
0xff: {  	v27 =	vsel vm3, $0xFF61B1E6, v29;
	v25 =	vsel vm12, v26, v25  }
0x100: {  	vm2 =	veq.s32 v34, $0x5;
	vm13 =	vgt.f32 v27, v25  }
0x101: {  	v26 =	vsel vm2, $0xFF61B1E6, v31;
	v25 =	vsel vm13, v27, v25  }
0x102: {  	vm1 =	vmand vm1, vm0;
	vm14 =	vgt.f32 v26, v25  }
0x103: {  	v27 =	vsel vm1, $0xFF61B1E6, v32;
	v25 =	vsel vm14, v26, v25  }
0x104: {  	vm9 =	vgt.f32 v27, v25  }
0x105: {  	v26 =	vnsel vm0, $0xFF61B1E6, v33;
	v25 =	vsel vm9, v27, v25  }
0x106: {  	vm15 =	vgt.f32 v26, v25  }
0x107: {  	vm8 =	vmneg vm15  }
0x108: {  	v27 =	vsel vm0, v30, v33;
	v25 =	vsel vm8, v25, v26  }
0x109: {  	v25 =	vsub.f32 v25, v27;
	_ =	sdelay $0x1  }
0x10a: {  	v25 =	vmul.f32 $1.442695020e+00, v25;
	_ =	sdelay $0x1  }
0x10b: {  	(erf) = vpow2.f32 v25;
	_ =	sdelay $0x8  }
0x10c: {  	v29 =	vpop (erf)  }
0x10d: {  	v25 =	vadd.f32 $1.000000000e+00, v29;
	_ =	sdelay $0x1  }
0x10e: {  	(erf) = vrcp.f32 v25;
	_ =	sdelay $0x3  }
0x10f: {  	v25 =	vsel vm10, $0x1, v0  }
0x110: {  	v25 =	vsel vm11, $0x2, v25  }
0x111: {  	v25 =	vsel vm12, $0x3, v25  }
0x112: {  	v26 =	vsel vm13, $0x4, v25  }
0x113: {  	v28 =	vsel vm14, $0x5, v26  }
0x114: {  	v25 =	vor.u32 $0x180, v1;
	v30 =	vsel vm9, $0x6, v28;
	v54 =	vpop (erf)  }
0x115: {  	v26 =	vor.u32 $0x181, v1;
	v55 =	vnsel vm8, $0x7, v30;
	v56 =	vmul.f32 v54, v29  }
0x116: {  	v27 =	vor.u32 $0x182, v1;
	v28 =	vor.u32 $0x183, v1;
	vm13 =	veq.s32 v55, $0x0  }
0x117: {  	s22 =	ssub.s32 $0x2, s22;
	vm14 =	veq.s32 v55, $0x1;
	vm15 =	veq.s32 v55, $0x2;
	v35 =	vnsel vm13, $0x0, v56  }
0x118: {  	s23 =	sshrl.u32 s22, $0x1;
	v29 =	vor.u32 $0x184, v1;
	v36 =	vnsel vm14, $0x0, v56;
	v35 =	vsel vm7, v54, v35  }
0x119: {  	s22 =	ssub.s32 s22, s23;
	vm12 =	veq.s32 v55, $0x3;
	v37 =	vnsel vm15, $0x0, v56;
	v36 =	vsel vm5, v54, v36;
	[tilespmem:v25+s19+$0x0] =	vst.idx.msk $0xffff, v35  }
0x11a: {  	s22 =	smax.u32 s22, $0x1;
	vm13 =	veq.s32 v55, $0x4;
	v58 =	vnsel vm12, $0x0, v56;
	v57 =	vsel vm6, v54, v37;
	[tilespmem:v26+s19+$0x0] =	vst.idx.msk $0xffff, v36  }
0x11b: {  	p0 =	sne.s32 s22, $0x1;
	v30 =	vor.u32 $0x185, v1;
	v59 =	vnsel vm13, $0x0, v56;
	v60 =	vsel vm4, v54, v58;
	[tilespmem:v27+s19+$0x0] =	vst.idx.msk $0xffff, v57  }
.Ltmp0:
0x11c: {  	v31 =	vor.u32 $0x186, v1;
	v32 =	vsel vm3, v54, v59;
	[tilespmem:v28+s19+$0x0] =	vst.idx.msk $0xffff, v60;
	(pc) =	sbr.rel @!p0 .LBB2_2-.Ltmp0, $4  }
0x11d: {  	vm14 =	veq.s32 v55, $0x5;
	[tilespmem:v29+s19+$0x0] =	vst.idx.msk $0xffff, v32;
	v32 =	vor.u32 $0x187, v1  }
0x11e: {  	vm15 =	vmand vm9, vm8;
	v61 =	vnsel vm14, $0x0, v56  }
0x11f: {  	s21 =	sshll.u32 s21, $0x6;
	v62 =	vsel vm8, $0x0, v56;
	v63 =	vnsel vm15, $0x0, v56;
	v35 =	vsel vm2, v54, v61  }
0x120: {  	s20 =	sadd.s32 s20, s21;
	s21 =	sadd.s32 $0xFFFFFFFF, s22;
	v33 =	vsel vm0, v62, v54;
	v34 =	vsel vm1, v54, v63;
	[tilespmem:v30+s19+$0x0] =	vst.idx.msk $0xffff, v35  }
.LBB2_1:
0x121: {  	p0 =	sne.s32 s21, $0x1;
	s21 =	sadd.s32 $0xFFFFFFFF, s21;
	[tilespmem:v31+s19+$0x0] =	vst.idx.msk $0xffff, v34  }
0x122: {  	[tilespmem:v32+s19+$0x0] =	vst.idx.msk $0xffff, v33  }
0x123: {  	[hbm4b:s20+s2] =	stream.linear.scatter [tilespmem:s19], [sflag:$0x1], $0x200, $0x38;
	[tilespmem:$0x400] =	vst v63  }
0x124: {  	_ =	swait.ge [sflag:s3], $0x200  }
0x125: {  	[sflag:s3] =	ssyncset.done $0x0  }
0x126: {  	[sflag:s3] =	ssyncadd.s32 $0xFFFFFE00  }
0x127: {  	[tilespmem:s2], [sflag:$0x1] =	stream.linear.gather [hbm4b:s4+s2], $0x40, $0x38;
	[tilespmem:$0x400] =	vst v63  }
0x128: {  	_ =	swait.ge [sflag:s3], $0x40  }
0x129: {  	[sflag:s3] =	ssyncset.done $0x0  }
0x12a: {  	[sflag:s3] =	ssyncadd.s32 $0xFFFFFFC0  }
0x12b: {  	[tilespmem:s6], [sflag:$0x1] =	stream.linear.gather [hbm4b:s5+s2], $0x40, $0x38;
	[tilespmem:$0x400] =	vst v63  }
0x12c: {  	_ =	swait.ge [sflag:s3], $0x40  }
0x12d: {  	[sflag:s3] =	ssyncset.done $0x0  }
0x12e: {  	[sflag:s3] =	ssyncadd.s32 $0xFFFFFFC0  }
0x12f: {  	[tilespmem:s8], [sflag:$0x1] =	stream.linear.gather [hbm4b:s7+s2], $0x40, $0x38;
	[tilespmem:$0x400] =	vst v63  }
0x130: {  	_ =	swait.ge [sflag:s3], $0x40  }
0x131: {  	[sflag:s3] =	ssyncset.done $0x0  }
0x132: {  	[sflag:s3] =	ssyncadd.s32 $0xFFFFFFC0  }
0x133: {  	[tilespmem:s10], [sflag:$0x1] =	stream.linear.gather [hbm4b:s9+s2], $0x40, $0x38;
	[tilespmem:$0x400] =	vst v63  }
0x134: {  	_ =	swait.ge [sflag:s3], $0x40  }
0x135: {  	[sflag:s3] =	ssyncset.done $0x0  }
0x136: {  	[sflag:s3] =	ssyncadd.s32 $0xFFFFFFC0  }
0x137: {  	[tilespmem:s12], [sflag:$0x1] =	stream.linear.gather [hbm4b:s11+s2], $0x40, $0x38;
	[tilespmem:$0x400] =	vst v63  }
0x138: {  	_ =	swait.ge [sflag:s3], $0x40  }
0x139: {  	[sflag:s3] =	ssyncset.done $0x0  }
0x13a: {  	[sflag:s3] =	ssyncadd.s32 $0xFFFFFFC0  }
0x13b: {  	[tilespmem:s14], [sflag:$0x1] =	stream.linear.gather [hbm4b:s13+s2], $0x40, $0x38;
	[tilespmem:$0x400] =	vst v63  }
0x13c: {  	_ =	swait.ge [sflag:s3], $0x40  }
0x13d: {  	[sflag:s3] =	ssyncset.done $0x0  }
0x13e: {  	[sflag:s3] =	ssyncadd.s32 $0xFFFFFFC0  }
0x13f: {  	[tilespmem:s16], [sflag:$0x1] =	stream.linear.gather [hbm4b:s15+s2], $0x40, $0x38;
	[tilespmem:$0x400] =	vst v63  }
0x140: {  	_ =	swait.ge [sflag:s3], $0x40  }
0x141: {  	[sflag:s3] =	ssyncset.done $0x0  }
0x142: {  	[sflag:s3] =	ssyncadd.s32 $0xFFFFFFC0  }
0x143: {  	[tilespmem:s18], [sflag:$0x1] =	stream.linear.gather [hbm4b:s17+s2], $0x40, $0x38;
	[tilespmem:$0x400] =	vst v63  }
0x144: {  	_ =	swait.ge [sflag:s3], $0x40  }
0x145: {  	[sflag:s3] =	ssyncset.done $0x0  }
0x146: {  	[sflag:s3] =	ssyncadd.s32 $0xFFFFFFC0  }
0x147: {  	v33 =	vld [tilespmem:$0x0]  }
0x148: {  	v34 =	vld [tilespmem:$0x40];
	_ =	sdelay $0x1  }
0x149: {  	v35 =	vld [tilespmem:$0x80];
	_ =	sdelay $0x1  }
0x14a: {  	v36 =	vld [tilespmem:$0xC0]  }
0x14b: {  	vm0 =	vgt.f32 v34, v33  }
0x14c: {  	v37 =	vld [tilespmem:$0x100];
	v38 =	vsel vm0, v34, v33  }
0x14d: {  	vm1 =	vgt.f32 v35, v38  }
0x14e: {  	v39 =	vld [tilespmem:$0x140];
	v38 =	vsel vm1, v35, v38  }
0x14f: {  	vm2 =	vgt.f32 v36, v38  }
0x150: {  	v40 =	vld [tilespmem:$0x180];
	v38 =	vsel vm2, v36, v38  }
0x151: {  	vm3 =	vgt.f32 v37, v38  }
0x152: {  	v41 =	vld [tilespmem:$0x1C0];
	v38 =	vsel vm3, v37, v38  }
0x153: {  	v42 =	vsel vm0, $0x1, v0;
	vm0 =	vgt.f32 v39, v38  }
0x154: {  	v42 =	vsel vm1, $0x2, v42;
	v38 =	vsel vm0, v39, v38  }
0x155: {  	v42 =	vsel vm2, $0x3, v42;
	vm1 =	vgt.f32 v40, v38  }
0x156: {  	v42 =	vsel vm3, $0x4, v42;
	v38 =	vsel vm1, v40, v38  }
0x157: {  	v42 =	vsel vm0, $0x5, v42;
	vm0 =	vgt.f32 v41, v38  }
0x158: {  	v42 =	vsel vm1, $0x6, v42;
	vm0 =	vmneg vm0  }
0x159: {  	v38 =	vsel vm0, v38, v41;
	v42 =	vnsel vm0, $0x7, v42;
	vm1 =	vmand vm1, vm0  }
0x15a: {  	vm2 =	veq.s32 v42, $0x0  }
0x15b: {  	v33 =	vsel vm2, $0xFF61B1E6, v33  }
0x15c: {  	vm4 =	veq.s32 v42, $0x1;
	vm3 =	vgt.f32 v33, $-3.000000010e+38  }
0x15d: {  	v34 =	vsel vm4, $0xFF61B1E6, v34;
	v33 =	vnsel vm3, $0xFF61B1E6, v33  }
0x15e: {  	vm3 =	veq.s32 v42, $0x2;
	vm5 =	vgt.f32 v34, v33  }
0x15f: {  	v33 =	vsel vm5, v34, v33;
	v34 =	vsel vm3, $0xFF61B1E6, v35  }
0x160: {  	vm6 =	veq.s32 v42, $0x3;
	v35 =	vsel vm5, $0x1, v0;
	vm5 =	vgt.f32 v34, v33  }
0x161: {  	v33 =	vsel vm5, v34, v33;
	v34 =	vsel vm5, $0x2, v35;
	v35 =	vsel vm6, $0xFF61B1E6, v36  }
0x162: {  	vm5 =	veq.s32 v42, $0x4;
	vm7 =	vgt.f32 v35, v33  }
0x163: {  	v33 =	vsel vm7, v35, v33;
	v34 =	vsel vm7, $0x3, v34;
	v35 =	vsel vm5, $0xFF61B1E6, v37  }
0x164: {  	vm7 =	veq.s32 v42, $0x5;
	vm8 =	vgt.f32 v35, v33  }
0x165: {  	v33 =	vsel vm8, v35, v33;
	v34 =	vsel vm8, $0x4, v34;
	v35 =	vsel vm7, $0xFF61B1E6, v39  }
0x166: {  	vm8 =	vgt.f32 v35, v33  }
0x167: {  	v33 =	vsel vm8, v35, v33;
	v35 =	vsel vm1, $0xFF61B1E6, v40  }
0x168: {  	vm9 =	vgt.f32 v35, v33  }
0x169: {  	v33 =	vsel vm9, v35, v33;
	v35 =	vnsel vm0, $0xFF61B1E6, v41  }
0x16a: {  	v34 =	vsel vm8, $0x5, v34;
	vm8 =	vgt.f32 v35, v33  }
0x16b: {  	v34 =	vsel vm9, $0x6, v34;
	vm8 =	vmneg vm8  }
0x16c: {  	v33 =	vsel vm8, v33, v35;
	v34 =	vnsel vm8, $0x7, v34;
	vm9 =	vmand vm9, vm8  }
0x16d: {  	v33 =	vsub.f32 v33, v38;
	_ =	sdelay $0x1  }
0x16e: {  	v33 =	vmul.f32 $1.442695020e+00, v33;
	_ =	sdelay $0x1  }
0x16f: {  	(erf) = vpow2.f32 v33;
	_ =	sdelay $0x8  }
0x170: {  	v33 =	vpop (erf)  }
0x171: {  	v35 =	vadd.f32 $1.000000000e+00, v33;
	_ =	sdelay $0x1  }
0x172: {  	(erf) = vrcp.f32 v35;
	_ =	sdelay $0x8  }
0x173: {  	vm10 =	veq.s32 v34, $0x5;
	v35 =	vpop (erf)  }
0x174: {  	vm11 =	veq.s32 v34, $0x2;
	vm12 =	veq.s32 v34, $0x4;
	v33 =	vmul.f32 v35, v33  }
0x175: {  	vm13 =	veq.s32 v34, $0x0;
	vm14 =	veq.s32 v34, $0x1;
	vm15 =	veq.s32 v34, $0x3  }
0x176: {  	v34 =	vnsel vm13, $0x0, v33;
	v36 =	vnsel vm14, $0x0, v33;
	v37 =	vnsel vm15, $0x0, v33  }
0x177: {  	v34 =	vsel vm2, v35, v34;
	v36 =	vsel vm4, v35, v36;
	v37 =	vsel vm6, v35, v37  }
0x178: {  	v38 =	vnsel vm12, $0x0, v33;
	v39 =	vnsel vm10, $0x0, v33;
	[tilespmem:v1+s19+$0x0] =	vst.idx.msk $0xffff, v34;
	v34 =	vnsel vm11, $0x0, v33  }
0x179: {  	[tilespmem:v2+s19+$0x0] =	vst.idx.msk $0xffff, v36;
	v34 =	vsel vm3, v35, v34;
	v36 =	vsel vm5, v35, v38;
	v38 =	vnsel vm9, $0x0, v33  }
0x17a: {  	v33 =	vsel vm8, $0x0, v33;
	[tilespmem:v3+s19+$0x0] =	vst.idx.msk $0xffff, v34;
	v34 =	vsel vm7, v35, v39;
	v38 =	vsel vm1, v35, v38  }
0x17b: {  	v33 =	vsel vm0, v33, v35;
	[tilespmem:v4+s19+$0x0] =	vst.idx.msk $0xffff, v37  }
0x17c: {  	[tilespmem:v5+s19+$0x0] =	vst.idx.msk $0xffff, v36  }
0x17d: {  	[tilespmem:v6+s19+$0x0] =	vst.idx.msk $0xffff, v34  }
0x17e: {  	[tilespmem:v7+s19+$0x0] =	vst.idx.msk $0xffff, v38  }
0x17f: {  	[tilespmem:v8+s19+$0x0] =	vst.idx.msk $0xffff, v33  }
0x180: {  	v33 =	vld [tilespmem:$0x10]  }
0x181: {  	v34 =	vld [tilespmem:$0x50];
	_ =	sdelay $0x1  }
0x182: {  	v35 =	vld [tilespmem:$0x90];
	_ =	sdelay $0x1  }
0x183: {  	v36 =	vld [tilespmem:$0xD0]  }
0x184: {  	vm0 =	vgt.f32 v34, v33  }
0x185: {  	v37 =	vld [tilespmem:$0x110];
	v38 =	vsel vm0, v34, v33  }
0x186: {  	vm1 =	vgt.f32 v35, v38  }
0x187: {  	v39 =	vld [tilespmem:$0x150];
	v38 =	vsel vm1, v35, v38  }
0x188: {  	vm2 =	vgt.f32 v36, v38  }
0x189: {  	v40 =	vld [tilespmem:$0x190];
	v38 =	vsel vm2, v36, v38  }
0x18a: {  	vm3 =	vgt.f32 v37, v38  }
0x18b: {  	v41 =	vld [tilespmem:$0x1D0];
	v38 =	vsel vm3, v37, v38  }
0x18c: {  	v42 =	vsel vm0, $0x1, v0;
	vm0 =	vgt.f32 v39, v38  }
0x18d: {  	v42 =	vsel vm1, $0x2, v42;
	v38 =	vsel vm0, v39, v38  }
0x18e: {  	v42 =	vsel vm2, $0x3, v42;
	vm1 =	vgt.f32 v40, v38  }
0x18f: {  	v42 =	vsel vm3, $0x4, v42;
	v38 =	vsel vm1, v40, v38  }
0x190: {  	v42 =	vsel vm0, $0x5, v42;
	vm0 =	vgt.f32 v41, v38  }
0x191: {  	v42 =	vsel vm1, $0x6, v42;
	vm0 =	vmneg vm0  }
0x192: {  	v38 =	vsel vm0, v38, v41;
	v42 =	vnsel vm0, $0x7, v42;
	vm1 =	vmand vm1, vm0  }
0x193: {  	vm2 =	veq.s32 v42, $0x0  }
0x194: {  	v33 =	vsel vm2, $0xFF61B1E6, v33  }
0x195: {  	vm3 =	veq.s32 v42, $0x1;
	vm4 =	vgt.f32 v33, $-3.000000010e+38  }
0x196: {  	v34 =	vsel vm3, $0xFF61B1E6, v34;
	v33 =	vnsel vm4, $0xFF61B1E6, v33  }
0x197: {  	vm5 =	veq.s32 v42, $0x2;
	vm6 =	vgt.f32 v34, v33  }
0x198: {  	v33 =	vsel vm6, v34, v33;
	v34 =	vsel vm5, $0xFF61B1E6, v35  }
0x199: {  	vm4 =	veq.s32 v42, $0x3;
	vm7 =	vgt.f32 v34, v33  }
0x19a: {  	v33 =	vsel vm7, v34, v33;
	v34 =	vsel vm4, $0xFF61B1E6, v36  }
0x19b: {  	v35 =	vsel vm6, $0x1, v0;
	vm6 =	veq.s32 v42, $0x4;
	vm8 =	vgt.f32 v34, v33  }
0x19c: {  	v35 =	vsel vm7, $0x2, v35;
	v33 =	vsel vm8, v34, v33;
	v34 =	vsel vm6, $0xFF61B1E6, v37  }
0x19d: {  	vm7 =	veq.s32 v42, $0x5;
	v35 =	vsel vm8, $0x3, v35;
	vm8 =	vgt.f32 v34, v33  }
0x19e: {  	v33 =	vsel vm8, v34, v33;
	v34 =	vsel vm8, $0x4, v35;
	v35 =	vsel vm7, $0xFF61B1E6, v39  }
0x19f: {  	vm8 =	vgt.f32 v35, v33  }
0x1a0: {  	v33 =	vsel vm8, v35, v33;
	v34 =	vsel vm8, $0x5, v34;
	v35 =	vsel vm1, $0xFF61B1E6, v40  }
0x1a1: {  	vm9 =	vgt.f32 v35, v33  }
0x1a2: {  	v33 =	vsel vm9, v35, v33;
	v35 =	vnsel vm0, $0xFF61B1E6, v41  }
0x1a3: {  	vm8 =	vgt.f32 v35, v33  }
0x1a4: {  	v34 =	vsel vm9, $0x6, v34;
	vm8 =	vmneg vm8  }
0x1a5: {  	v33 =	vsel vm8, v33, v35;
	v34 =	vnsel vm8, $0x7, v34;
	vm9 =	vmand vm9, vm8  }
0x1a6: {  	v33 =	vsub.f32 v33, v38;
	_ =	sdelay $0x1  }
0x1a7: {  	v33 =	vmul.f32 $1.442695020e+00, v33;
	_ =	sdelay $0x1  }
0x1a8: {  	(erf) = vpow2.f32 v33;
	_ =	sdelay $0x8  }
0x1a9: {  	v33 =	vpop (erf)  }
0x1aa: {  	v35 =	vadd.f32 $1.000000000e+00, v33;
	_ =	sdelay $0x1  }
0x1ab: {  	(erf) = vrcp.f32 v35;
	_ =	sdelay $0x8  }
0x1ac: {  	vm10 =	veq.s32 v34, $0x5;
	v35 =	vpop (erf)  }
0x1ad: {  	vm11 =	veq.s32 v34, $0x3;
	vm12 =	veq.s32 v34, $0x4;
	v33 =	vmul.f32 v35, v33  }
0x1ae: {  	vm13 =	veq.s32 v34, $0x0;
	vm14 =	veq.s32 v34, $0x1;
	vm15 =	veq.s32 v34, $0x2  }
0x1af: {  	v34 =	vnsel vm13, $0x0, v33;
	v36 =	vnsel vm14, $0x0, v33;
	v37 =	vnsel vm15, $0x0, v33  }
0x1b0: {  	v34 =	vsel vm2, v35, v34;
	v36 =	vsel vm3, v35, v36;
	v37 =	vsel vm5, v35, v37  }
0x1b1: {  	v38 =	vnsel vm12, $0x0, v33;
	v39 =	vnsel vm10, $0x0, v33;
	[tilespmem:v9+s19+$0x0] =	vst.idx.msk $0xffff, v34;
	v34 =	vnsel vm11, $0x0, v33  }
0x1b2: {  	[tilespmem:v10+s19+$0x0] =	vst.idx.msk $0xffff, v36;
	v34 =	vsel vm4, v35, v34;
	v36 =	vsel vm6, v35, v38;
	v38 =	vnsel vm9, $0x0, v33  }
0x1b3: {  	v33 =	vsel vm8, $0x0, v33;
	[tilespmem:v11+s19+$0x0] =	vst.idx.msk $0xffff, v37;
	v37 =	vsel vm7, v35, v39;
	v38 =	vsel vm1, v35, v38  }
0x1b4: {  	v33 =	vsel vm0, v33, v35;
	[tilespmem:v12+s19+$0x0] =	vst.idx.msk $0xffff, v34  }
0x1b5: {  	[tilespmem:v13+s19+$0x0] =	vst.idx.msk $0xffff, v36  }
0x1b6: {  	[tilespmem:v14+s19+$0x0] =	vst.idx.msk $0xffff, v37  }
0x1b7: {  	[tilespmem:v15+s19+$0x0] =	vst.idx.msk $0xffff, v38  }
0x1b8: {  	[tilespmem:v16+s19+$0x0] =	vst.idx.msk $0xffff, v33  }
0x1b9: {  	v33 =	vld [tilespmem:$0x20]  }
0x1ba: {  	v34 =	vld [tilespmem:$0x60];
	_ =	sdelay $0x1  }
0x1bb: {  	v35 =	vld [tilespmem:$0xA0];
	_ =	sdelay $0x1  }
0x1bc: {  	v36 =	vld [tilespmem:$0xE0]  }
0x1bd: {  	vm0 =	vgt.f32 v34, v33  }
0x1be: {  	v37 =	vld [tilespmem:$0x120];
	v38 =	vsel vm0, v34, v33  }
0x1bf: {  	vm1 =	vgt.f32 v35, v38  }
0x1c0: {  	v39 =	vld [tilespmem:$0x160];
	v38 =	vsel vm1, v35, v38  }
0x1c1: {  	vm2 =	vgt.f32 v36, v38  }
0x1c2: {  	v40 =	vld [tilespmem:$0x1A0];
	v38 =	vsel vm2, v36, v38  }
0x1c3: {  	vm3 =	vgt.f32 v37, v38  }
0x1c4: {  	v41 =	vld [tilespmem:$0x1E0];
	v38 =	vsel vm3, v37, v38  }
0x1c5: {  	v42 =	vsel vm0, $0x1, v0;
	vm0 =	vgt.f32 v39, v38  }
0x1c6: {  	v42 =	vsel vm1, $0x2, v42;
	v38 =	vsel vm0, v39, v38  }
0x1c7: {  	v42 =	vsel vm2, $0x3, v42;
	vm1 =	vgt.f32 v40, v38  }
0x1c8: {  	v42 =	vsel vm3, $0x4, v42;
	v38 =	vsel vm1, v40, v38  }
0x1c9: {  	v42 =	vsel vm0, $0x5, v42;
	vm0 =	vgt.f32 v41, v38  }
0x1ca: {  	v42 =	vsel vm1, $0x6, v42;
	vm0 =	vmneg vm0  }
0x1cb: {  	v38 =	vsel vm0, v38, v41;
	v42 =	vnsel vm0, $0x7, v42;
	vm1 =	vmand vm1, vm0  }
0x1cc: {  	vm2 =	veq.s32 v42, $0x0  }
0x1cd: {  	v33 =	vsel vm2, $0xFF61B1E6, v33  }
0x1ce: {  	vm3 =	veq.s32 v42, $0x1;
	vm4 =	vgt.f32 v33, $-3.000000010e+38  }
0x1cf: {  	v34 =	vsel vm3, $0xFF61B1E6, v34;
	v33 =	vnsel vm4, $0xFF61B1E6, v33  }
0x1d0: {  	vm5 =	veq.s32 v42, $0x2;
	vm6 =	vgt.f32 v34, v33  }
0x1d1: {  	v33 =	vsel vm6, v34, v33;
	v34 =	vsel vm5, $0xFF61B1E6, v35  }
0x1d2: {  	vm4 =	veq.s32 v42, $0x3;
	vm7 =	vgt.f32 v34, v33  }
0x1d3: {  	v35 =	vsel vm6, $0x1, v0;
	v33 =	vsel vm7, v34, v33;
	v34 =	vsel vm4, $0xFF61B1E6, v36  }
0x1d4: {  	vm6 =	veq.s32 v42, $0x4;
	v35 =	vsel vm7, $0x2, v35;
	vm7 =	vgt.f32 v34, v33  }
0x1d5: {  	v33 =	vsel vm7, v34, v33;
	v34 =	vsel vm7, $0x3, v35;
	v35 =	vsel vm6, $0xFF61B1E6, v37  }
0x1d6: {  	vm7 =	veq.s32 v42, $0x5;
	vm8 =	vgt.f32 v35, v33  }
0x1d7: {  	v33 =	vsel vm8, v35, v33;
	v34 =	vsel vm8, $0x4, v34;
	v35 =	vsel vm7, $0xFF61B1E6, v39  }
0x1d8: {  	vm8 =	vgt.f32 v35, v33  }
0x1d9: {  	v33 =	vsel vm8, v35, v33;
	v34 =	vsel vm8, $0x5, v34;
	v35 =	vsel vm1, $0xFF61B1E6, v40  }
0x1da: {  	vm9 =	vgt.f32 v35, v33  }
0x1db: {  	v33 =	vsel vm9, v35, v33;
	v35 =	vnsel vm0, $0xFF61B1E6, v41  }
0x1dc: {  	vm8 =	vgt.f32 v35, v33  }
0x1dd: {  	v34 =	vsel vm9, $0x6, v34;
	vm8 =	vmneg vm8  }
0x1de: {  	v33 =	vsel vm8, v33, v35;
	v34 =	vnsel vm8, $0x7, v34;
	vm9 =	vmand vm9, vm8  }
0x1df: {  	v33 =	vsub.f32 v33, v38;
	_ =	sdelay $0x1  }
0x1e0: {  	v33 =	vmul.f32 $1.442695020e+00, v33;
	_ =	sdelay $0x1  }
0x1e1: {  	(erf) = vpow2.f32 v33;
	_ =	sdelay $0x8  }
0x1e2: {  	v33 =	vpop (erf)  }
0x1e3: {  	v35 =	vadd.f32 $1.000000000e+00, v33;
	_ =	sdelay $0x1  }
0x1e4: {  	(erf) = vrcp.f32 v35;
	_ =	sdelay $0x8  }
0x1e5: {  	vm10 =	veq.s32 v34, $0x5;
	v35 =	vpop (erf)  }
0x1e6: {  	vm11 =	veq.s32 v34, $0x3;
	vm12 =	veq.s32 v34, $0x4;
	v33 =	vmul.f32 v35, v33  }
0x1e7: {  	vm13 =	veq.s32 v34, $0x0;
	vm14 =	veq.s32 v34, $0x1;
	vm15 =	veq.s32 v34, $0x2  }
0x1e8: {  	v34 =	vnsel vm13, $0x0, v33;
	v36 =	vnsel vm14, $0x0, v33;
	v37 =	vnsel vm15, $0x0, v33  }
0x1e9: {  	v34 =	vsel vm2, v35, v34;
	v36 =	vsel vm3, v35, v36;
	v37 =	vsel vm5, v35, v37  }
0x1ea: {  	v38 =	vnsel vm12, $0x0, v33;
	v39 =	vnsel vm10, $0x0, v33;
	[tilespmem:v17+s19+$0x0] =	vst.idx.msk $0xffff, v34;
	v34 =	vnsel vm11, $0x0, v33  }
0x1eb: {  	[tilespmem:v18+s19+$0x0] =	vst.idx.msk $0xffff, v36;
	v34 =	vsel vm4, v35, v34;
	v36 =	vsel vm6, v35, v38;
	v38 =	vnsel vm9, $0x0, v33  }
0x1ec: {  	v33 =	vsel vm8, $0x0, v33;
	[tilespmem:v19+s19+$0x0] =	vst.idx.msk $0xffff, v37;
	v37 =	vsel vm7, v35, v39;
	v38 =	vsel vm1, v35, v38  }
0x1ed: {  	v33 =	vsel vm0, v33, v35;
	[tilespmem:v20+s19+$0x0] =	vst.idx.msk $0xffff, v34  }
0x1ee: {  	[tilespmem:v21+s19+$0x0] =	vst.idx.msk $0xffff, v36  }
0x1ef: {  	[tilespmem:v22+s19+$0x0] =	vst.idx.msk $0xffff, v37  }
0x1f0: {  	[tilespmem:v23+s19+$0x0] =	vst.idx.msk $0xffff, v38  }
0x1f1: {  	[tilespmem:v24+s19+$0x0] =	vst.idx.msk $0xffff, v33  }
0x1f2: {  	v33 =	vld [tilespmem:$0x30]  }
0x1f3: {  	v34 =	vld [tilespmem:$0x70]  }
0x1f4: {  	v35 =	vld [tilespmem:$0xB0]  }
0x1f5: {  	v36 =	vld [tilespmem:$0xF0]  }
0x1f6: {  	v37 =	vld [tilespmem:$0x130]  }
0x1f7: {  	v38 =	vld [tilespmem:$0x170]  }
0x1f8: {  	v39 =	vld [tilespmem:$0x1B0];
	vm0 =	vgt.f32 v34, v33  }
0x1f9: {  	v40 =	vld [tilespmem:$0x1F0];
	v41 =	vsel vm0, v34, v33  }
0x1fa: {  	vm1 =	vgt.f32 v35, v41  }
0x1fb: {  	v41 =	vsel vm1, v35, v41  }
0x1fc: {  	vm2 =	vgt.f32 v36, v41  }
0x1fd: {  	v41 =	vsel vm2, v36, v41  }
0x1fe: {  	vm3 =	vgt.f32 v37, v41  }
0x1ff: {  	v42 =	vsel vm0, $0x1, v0;
	v41 =	vsel vm3, v37, v41  }
0x200: {  	v42 =	vsel vm1, $0x2, v42;
	vm0 =	vgt.f32 v38, v41  }
0x201: {  	v42 =	vsel vm2, $0x3, v42;
	v41 =	vsel vm0, v38, v41  }
0x202: {  	v42 =	vsel vm3, $0x4, v42;
	vm2 =	vgt.f32 v39, v41  }
0x203: {  	v42 =	vsel vm0, $0x5, v42;
	v41 =	vsel vm2, v39, v41  }
0x204: {  	v42 =	vsel vm2, $0x6, v42;
	vm0 =	vgt.f32 v40, v41  }
0x205: {  	vm1 =	vmneg vm0  }
0x206: {  	v41 =	vsel vm1, v41, v40;
	v42 =	vnsel vm1, $0x7, v42;
	vm0 =	vmand vm2, vm1  }
0x207: {  	vm2 =	veq.s32 v42, $0x0  }
0x208: {  	vm3 =	veq.s32 v42, $0x1;
	v33 =	vsel vm2, $0xFF61B1E6, v33  }
0x209: {  	v34 =	vsel vm3, $0xFF61B1E6, v34;
	vm4 =	vgt.f32 v33, $-3.000000010e+38  }
0x20a: {  	vm5 =	veq.s32 v42, $0x2;
	v33 =	vnsel vm4, $0xFF61B1E6, v33  }
0x20b: {  	v35 =	vsel vm5, $0xFF61B1E6, v35;
	vm6 =	vgt.f32 v34, v33  }
0x20c: {  	vm4 =	veq.s32 v42, $0x3;
	v33 =	vsel vm6, v34, v33  }
0x20d: {  	v36 =	vsel vm4, $0xFF61B1E6, v36;
	v34 =	vsel vm6, $0x1, v0;
	vm6 =	vgt.f32 v35, v33  }
0x20e: {  	v33 =	vsel vm6, v35, v33;
	v34 =	vsel vm6, $0x2, v34;
	vm6 =	veq.s32 v42, $0x4  }
0x20f: {  	vm7 =	vgt.f32 v36, v33;
	v35 =	vsel vm6, $0xFF61B1E6, v37  }
0x210: {  	v33 =	vsel vm7, v36, v33;
	v34 =	vsel vm7, $0x3, v34;
	vm7 =	veq.s32 v42, $0x5  }
0x211: {  	vm8 =	vgt.f32 v35, v33;
	v36 =	vsel vm7, $0xFF61B1E6, v38  }
0x212: {  	v33 =	vsel vm8, v35, v33;
	v34 =	vsel vm8, $0x4, v34  }
0x213: {  	v35 =	vsel vm0, $0xFF61B1E6, v39;
	vm8 =	vgt.f32 v36, v33  }
0x214: {  	v33 =	vsel vm8, v36, v33;
	v34 =	vsel vm8, $0x5, v34  }
0x215: {  	v36 =	vnsel vm1, $0xFF61B1E6, v40;
	vm8 =	vgt.f32 v35, v33  }
0x216: {  	v33 =	vsel vm8, v35, v33  }
0x217: {  	vm9 =	vgt.f32 v36, v33  }
0x218: {  	v34 =	vsel vm8, $0x6, v34;
	vm9 =	vmneg vm9  }
0x219: {  	v33 =	vsel vm9, v33, v36;
	v34 =	vnsel vm9, $0x7, v34;
	vm8 =	vmand vm8, vm9  }
0x21a: {  	v33 =	vsub.f32 v33, v41;
	_ =	sdelay $0x1  }
0x21b: {  	v33 =	vmul.f32 $1.442695020e+00, v33;
	_ =	sdelay $0x1  }
0x21c: {  	(erf) = vpow2.f32 v33;
	_ =	sdelay $0x8  }
0x21d: {  	v33 =	vpop (erf)  }
0x21e: {  	v35 =	vadd.f32 $1.000000000e+00, v33;
	_ =	sdelay $0x1  }
0x21f: {  	(erf) = vrcp.f32 v35;
	_ =	sdelay $0x8  }
0x220: {  	vm10 =	veq.s32 v34, $0x5;
	v35 =	vpop (erf)  }
0x221: {  	vm11 =	veq.s32 v34, $0x0;
	vm12 =	veq.s32 v34, $0x4;
	v36 =	vmul.f32 v35, v33  }
0x222: {  	vm13 =	veq.s32 v34, $0x1;
	vm14 =	veq.s32 v34, $0x2;
	vm15 =	veq.s32 v34, $0x3  }
0x223: {  	v33 =	vnsel vm11, $0x0, v36;
	v34 =	vnsel vm13, $0x0, v36;
	v37 =	vnsel vm14, $0x0, v36  }
0x224: {  	v33 =	vsel vm2, v35, v33;
	v34 =	vsel vm3, v35, v34;
	v37 =	vsel vm5, v35, v37  }
0x225: {  	v38 =	vnsel vm12, $0x0, v36;
	v39 =	vnsel vm10, $0x0, v36;
	[tilespmem:v25+s19+$0x0] =	vst.idx.msk $0xffff, v33;
	v33 =	vnsel vm15, $0x0, v36  }
.Ltmp1:
0x226: {  	v38 =	vsel vm6, v35, v38;
	[tilespmem:v26+s19+$0x0] =	vst.idx.msk $0xffff, v34;
	v34 =	vsel vm4, v35, v33;
	v33 =	vsel vm9, $0x0, v36;
	(pc) =	sbr.rel @p0 .LBB2_1-.Ltmp1, $4  }
0x227: {  	[tilespmem:v27+s19+$0x0] =	vst.idx.msk $0xffff, v37;
	v37 =	vsel vm7, v35, v39;
	v33 =	vsel vm1, v33, v35  }
0x228: {  	[tilespmem:v28+s19+$0x0] =	vst.idx.msk $0xffff, v34;
	v34 =	vnsel vm8, $0x0, v36  }
0x229: {  	[tilespmem:v29+s19+$0x0] =	vst.idx.msk $0xffff, v38;
	v34 =	vsel vm0, v35, v34  }
0x22a: {  	[tilespmem:v30+s19+$0x0] =	vst.idx.msk $0xffff, v37  }
.LBB2_2:
0x22b: {  	_ =	sdelay $0x3  }
0x22c: {  	[tilespmem:v31+s19+$0x0] =	vst.idx.msk $0xffff, v34  }
0x22d: {  	[tilespmem:v32+s19+$0x0] =	vst.idx.msk $0xffff, v33  }
0x22e: {  	[hbm4b:s20+s2] =	stream.linear.scatter [tilespmem:s19], [sflag:$0x1], $0x200, $0x38;
	[tilespmem:$0x400] =	vst v63  }
0x22f: {  	_ =	swait.ge [sflag:s3], $0x200  }
0x230: {  	[sflag:s3] =	ssyncset.done $0x0  }
0x231: {  	[sflag:s3] =	ssyncadd.s32 $0xFFFFFE00  }
0x232: {  	_ =	sfence.sel $0x180000  }
0x233: {  	[bflag:$0x0] =	sbarrier.arrive $0xFFFF  }
0x234: {  	p0 =	sne.s32 s0, $0x0;
	_ =	strace $0x90000047  }
0x235: {  	s0 =	sadd.s32 @!p0 $0x100000, s1;
	[bflag:$0x2] =	sbarrier.arrive $0xFFFF  }
0x236: {  	[sflag:s0] =	ssyncadd.tile.s32 @!p0 $0x1;
	_ =	shalt  }
.Lfunc_end2:
_tile_overlayer_lowered:
.L_overlay_start_2:
0x237: {  	(tag) =	ssettag $0x2  }
0x238: {  	s0 =	rddreg [dreg:$0x0];
	s2 =	stileid.u32  }
0x239: {  	s1 =	rddreg [dreg:$0x1];
	p0 =	sne.s32 s2, $0x0  }
0x23a: {  	s3 =	rddreg [dreg:$0x2];
	[bflag:$0x3] =	sbarrier.arrive $0xFFFF;
	s2 =	simm.s32 @!p0 $0x1C01  }
0x23b: {  	[timem:s3], [sflag:s2] =	dma.local @!p0 [hbm:s0], s1  }
0x23c: {  	s0 =	simm.s32 @!p0 $0x1  }
0x23d: {  	_ =	swait.ge @!p0 [sflag:s0], s1  }
0x23e: {  	s1 =	ssub.s32 @!p0 $0x0, s1;
	[sflag:s0] =	ssyncset.done @!p0 $0x0  }
0x23f: {  	[sflag:s0] =	ssyncadd.s32 @!p0 s1  }
0x240: {  	[bflag:$0x3] =	sbarrier.arrive $0xFFFF  }
0x241: {  	_ =	shalt  }

</sc_bundles>
